<compile_context>
chip_gen: v7x
topology: tpu7x:2x2x1
jax: 0.10.2.dev20260603
libtpu: 0.0.44.dev20260713+nightly
codegen_flags: <defaults>
</compile_context>

<pallas_src>
import functools

import jax
import jax.numpy as jnp
from jax import lax
from jax.experimental import pallas as pl
from jax.experimental.pallas import tpu as pltpu
from jax.experimental.pallas import tpu_sc as plsc

N_NODES = 10000
N_EDGES = 320000
D = 128
DH = D // 2

NC = 2
NS = 16
E_PER_T = N_EDGES // NS
C = 128
N_FULL = E_PER_T // C
C_TAIL = E_PER_T - N_FULL * C
NBUF = 4
RCHUNK = 80
N_RCHUNK = N_NODES // RCHUNK


def _mm_body(x_ref, w_ref, oa_ref, ob_ref):
    h = jnp.dot(x_ref[...], w_ref[...], preferred_element_type=jnp.float32)
    oa_ref[...] = h[:, :DH]
    ob_ref[...] = h[:, DH:]


def _matmul(x, W):
    return pl.pallas_call(
        _mm_body,
        grid=(5,),
        in_specs=[
            pl.BlockSpec((2000, D), lambda i: (i, 0)),
            pl.BlockSpec((D, D), lambda i: (0, 0)),
        ],
        out_specs=[
            pl.BlockSpec((2000, DH), lambda i: (i, 0)),
            pl.BlockSpec((2000, DH), lambda i: (i, 0)),
        ],
        out_shape=[
            jax.ShapeDtypeStruct((N_NODES, DH), jnp.float32),
            jax.ShapeDtypeStruct((N_NODES, DH), jnp.float32),
        ],
    )(x, W)


def _sc_aggregate(edges, ha, hb, b):
    mesh = plsc.VectorSubcoreMesh(core_axis_name="c", subcore_axis_name="s")

    @functools.partial(
        pl.kernel,
        out_type=jax.ShapeDtypeStruct((2 * N_NODES, DH), jnp.float32),
        mesh=mesh,
        compiler_params=pltpu.CompilerParams(use_tc_tiling_on_sc=False),
        scratch_types=[
            pltpu.VMEM((E_PER_T,), jnp.int32),
            pltpu.VMEM((E_PER_T,), jnp.int32),
            pltpu.VMEM((NBUF, C), jnp.int32),
            pltpu.VMEM((C_TAIL,), jnp.int32),
            pltpu.VMEM((NBUF, C, DH), jnp.float32),
            pltpu.VMEM((C_TAIL, DH), jnp.float32),
            pltpu.VMEM((RCHUNK, DH), jnp.float32),
            pltpu.VMEM((RCHUNK,), jnp.int32),
            pltpu.VMEM((DH,), jnp.float32),
            pltpu.VMEM_SHARED((N_NODES, DH), jnp.float32),
            [pltpu.SemaphoreType.DMA] * NBUF,
            [pltpu.SemaphoreType.DMA] * NBUF,
        ],
    )
    def body(edges_hbm, ha_hbm, hb_hbm, b_hbm, out_hbm, src_all, dst_all,
             dst_cur, dst_tail, msg, msg_tail, robuf, ridx, bvec, agg, sems,
             ssems):
        c = lax.axis_index("c")
        s = lax.axis_index("s")

        ebase = pl.multiple_of(s * E_PER_T, 8)
        pltpu.async_copy(edges_hbm.at[pl.ds(ebase, E_PER_T)], src_all, sems[0])
        pltpu.async_copy(edges_hbm.at[pl.ds(N_EDGES + ebase, E_PER_T)],
                         dst_all, sems[1])

        def zrow(r, carry):
            for k in range(DH // 16):
                robuf[r, pl.ds(k * 16, 16)] = jnp.zeros((16,), jnp.float32)
            return carry

        lax.fori_loop(0, RCHUNK, zrow, 0)
        for t in range((N_RCHUNK + NS - 1) // NS):
            j = s + t * NS

            @pl.when(j < N_RCHUNK)
            def _():
                r0 = pl.multiple_of(j * RCHUNK, 8)
                pltpu.sync_copy(robuf, agg.at[pl.ds(r0, RCHUNK)])

        pltpu.make_async_copy(edges_hbm.at[pl.ds(ebase, E_PER_T)],
                              src_all, sems[0]).wait()
        pltpu.make_async_copy(edges_hbm.at[pl.ds(ebase, E_PER_T)],
                              dst_all, sems[1]).wait()
        plsc.subcore_barrier()

        def gather(j, buf):
            off = pl.multiple_of(j * C, 8)
            idx = src_all.at[pl.ds(off, C)]

            @pl.when(c == 0)
            def _():
                pltpu.async_copy(ha_hbm.at[idx], msg.at[buf], sems[buf])

            @pl.when(c == 1)
            def _():
                pltpu.async_copy(hb_hbm.at[idx], msg.at[buf], sems[buf])

        def wait(j, buf):
            off = pl.multiple_of(j * C, 8)
            pltpu.make_async_copy(ha_hbm.at[src_all.at[pl.ds(off, C)]],
                                  msg.at[buf], sems[buf]).wait()

        def scatter(j, buf):
            off = pl.multiple_of(j * C, 8)
            for t in range(C // 16):
                dst_cur[buf, pl.ds(t * 16, 16)] = (
                    dst_all[pl.ds(off + t * 16, 16)])
            pltpu.async_copy(msg.at[buf], agg.at[dst_cur.at[buf]],
                             ssems[buf], add=True)

        def scatter_drain(buf):
            pltpu.make_async_copy(msg.at[buf], agg.at[dst_cur.at[buf]],
                                  ssems[buf]).wait()

        for b in range(NBUF - 1):
            gather(b, b)

        def group(g, carry):
            j0 = NBUF * g
            for b in range(NBUF):
                jn = j0 + b + (NBUF - 1)
                sn = (b + NBUF - 1) % NBUF

                @pl.when(jn < N_FULL)
                def _():
                    @pl.when(jn >= NBUF)
                    def _():
                        scatter_drain(sn)

                    gather(jn, sn)

                wait(j0 + b, b)
                scatter(j0 + b, b)
            return carry

        lax.fori_loop(0, N_FULL // NBUF, group, 0)
        for b in range(NBUF):
            scatter_drain(b)

        toff = pl.multiple_of(N_FULL * C, 8)
        tidx = src_all.at[pl.ds(toff, C_TAIL)]

        @pl.when(c == 0)
        def _():
            pltpu.async_copy(ha_hbm.at[tidx], msg_tail, sems[0])

        @pl.when(c == 1)
        def _():
            pltpu.async_copy(hb_hbm.at[tidx], msg_tail, sems[0])

        pltpu.make_async_copy(ha_hbm.at[tidx], msg_tail, sems[0]).wait()
        for t in range(C_TAIL // 16):
            dst_tail[pl.ds(t * 16, 16)] = dst_all[pl.ds(toff + t * 16, 16)]
        pltpu.sync_copy(msg_tail, agg.at[dst_tail], add=True)

        plsc.subcore_barrier()
        cb = pl.multiple_of(c * DH, 8)
        pltpu.sync_copy(b_hbm.at[pl.ds(cb, DH)], bvec)
        bias = [bvec[pl.ds(k * 16, 16)] for k in range(DH // 16)]
        lane = lax.iota(jnp.int32, 16)
        for t in range((N_RCHUNK + NS - 1) // NS):
            j = s + t * NS

            @pl.when(j < N_RCHUNK)
            def _():
                r0 = pl.multiple_of(j * RCHUNK, 8)
                pltpu.sync_copy(agg.at[pl.ds(r0, RCHUNK)], robuf)

                def brow(r, carry):
                    for k in range(DH // 16):
                        robuf[r, pl.ds(k * 16, 16)] = jnp.maximum(
                            robuf[r, pl.ds(k * 16, 16)] + bias[k], 0.0)
                    return carry

                lax.fori_loop(0, RCHUNK, brow, 0)
                for u in range(RCHUNK // 16):
                    ridx[pl.ds(u * 16, 16)] = (lane + (r0 + u * 16)) * 2 + c
                pltpu.sync_copy(robuf, out_hbm.at[ridx])

    return body(edges, ha, hb, b)


def kernel(inputs, adjacencies, W, b):
    ha, hb = _matmul(inputs, W)
    out2 = _sc_aggregate(adjacencies.reshape(-1), ha, hb, b)
    return out2.reshape(N_NODES, D)

# --- scband reference (transcript-rebuilt; emitter-appended) ---
"""Pipeline reference for scband-graph-convolution-38929583571023 (READ-ONLY COPY).

The authoritative reference and input builder live on the scoring server;
editing this copy changes nothing except your own understanding.
"""

import jax, jax.numpy as jnp
import numpy as np

N_NODES = 10000
N_EDGES = 320000
D_IN = 128
D_OUT = 128


def setup_inputs(seed: int = 0) -> dict:
    key = jax.random.key(seed)
    k1, k2, k3, k4 = jax.random.split(key, 4)
    x = jax.random.normal(k1, (N_NODES, D_IN), dtype=jnp.float32)
    edge_index = jax.random.randint(k2, (2, N_EDGES), 0, N_NODES, dtype=jnp.int32)
    # learned parameters per init_kwargs: weights [in_channels, out_channels], bias [out_channels]
    W = jax.random.normal(k3, (D_IN, D_OUT), dtype=jnp.float32) * 0.01
    b = jnp.full((D_OUT,), 0.0, dtype=jnp.float32)
    return {"inputs": x, "adjacencies": edge_index, "W": W, "b": b}


def reference(inputs, adjacencies, W, b):
    # GCN layer: out = act(A @ (X @ W) + b), with A given as edge list (src, dst)
    h = inputs @ W                                   # dense transform [N, d_out]
    src = adjacencies[0]
    dst = adjacencies[1]
    msgs = jnp.take(h, src, axis=0)                  # gather over edges [E, d_out]
    agg = jax.ops.segment_sum(msgs, dst, num_segments=inputs.shape[0])  # scatter-add to dst nodes
    out = agg + b
    return jax.nn.relu(out)

if __name__ == "__main__":
    import jax
    _d = setup_inputs()
    print(jax.jit(kernel)(*tuple(_d.values())))

</pallas_src>

<mosaic_0001>
#map = affine_map<(d0, d1) -> (0)>
#map1 = affine_map<(d0, d1) -> (0, 0)>
module attributes {stable_mosaic.version = 14 : i64} {
  func.func @body(%arg0: i32, %arg1: i32, %arg2: memref<640000xi32, #tpu.memory_space<hbm>>, %arg3: memref<10000x64xf32, #tpu.memory_space<hbm>>, %arg4: memref<10000x64xf32, #tpu.memory_space<hbm>>, %arg5: memref<128xf32, #tpu.memory_space<hbm>>, %arg6: memref<20000x64xf32, #tpu.memory_space<hbm>>, %arg7: memref<20000xi32, #tpu.memory_space<vmem>>, %arg8: memref<20000xi32, #tpu.memory_space<vmem>>, %arg9: memref<4x128xi32, #tpu.memory_space<vmem>>, %arg10: memref<32xi32, #tpu.memory_space<vmem>>, %arg11: memref<4x128x64xf32, #tpu.memory_space<vmem>>, %arg12: memref<32x64xf32, #tpu.memory_space<vmem>>, %arg13: memref<80x64xf32, #tpu.memory_space<vmem>>, %arg14: memref<80xi32, #tpu.memory_space<vmem>>, %arg15: memref<64xf32, #tpu.memory_space<vmem>>, %arg16: memref<10000x64xf32, #tpu.memory_space<vmem_shared>>, %arg17: memref<!tpu.dma_semaphore, #tpu.memory_space<semaphore_mem>>, %arg18: memref<!tpu.dma_semaphore, #tpu.memory_space<semaphore_mem>>, %arg19: memref<!tpu.dma_semaphore, #tpu.memory_space<semaphore_mem>>, %arg20: memref<!tpu.dma_semaphore, #tpu.memory_space<semaphore_mem>>, %arg21: memref<!tpu.dma_semaphore, #tpu.memory_space<semaphore_mem>>, %arg22: memref<!tpu.dma_semaphore, #tpu.memory_space<semaphore_mem>>, %arg23: memref<!tpu.dma_semaphore, #tpu.memory_space<semaphore_mem>>, %arg24: memref<!tpu.dma_semaphore, #tpu.memory_space<semaphore_mem>>) attributes {dimension_semantics = [#tpu.dimension_semantics<core_parallel>, #tpu.dimension_semantics<subcore_parallel>], iteration_bounds = array<i64: 2, 16>, scalar_prefetch = 0 : i64, scratch_operands = 18 : i64, tpu.core_type = #tpu.core_type<sc_vector_subcore>, window_params = [{transform_indices = #map}, {transform_indices = #map1}, {transform_indices = #map1}, {transform_indices = #map}, {transform_indices = #map1}]} {
    %mul3A = arith.constant 20000 : i32
    %mul3A_0 = arith.muli %arg1, %mul3A : i32
    %multiple_of3A = tpu.assume_multiple %mul3A_0, 8 : i32
    %dma_start3A = tpu.memref_slice %arg2[%multiple_of3A] : memref<640000xi32, #tpu.memory_space<hbm>> -> memref<20000xi32, #tpu.memory_space<hbm>>
    %dma_start3A_1 = tpu.memref_slice %arg2[%multiple_of3A] : memref<640000xi32, #tpu.memory_space<hbm>> -> memref<20000xi32, #tpu.memory_space<hbm>>
    tpu.enqueue_dma source(%dma_start3A_1 : memref<20000xi32, #tpu.memory_space<hbm>>) target(%arg7 : memref<20000xi32, #tpu.memory_space<vmem>>) target_semaphore(%arg17 : memref<!tpu.dma_semaphore, #tpu.memory_space<semaphore_mem>>)
    %add3A = arith.constant 320000 : i32
    %add3A_2 = arith.addi %add3A, %multiple_of3A : i32
    %dma_start3A_3 = tpu.memref_slice %arg2[%add3A_2] : memref<640000xi32, #tpu.memory_space<hbm>> -> memref<20000xi32, #tpu.memory_space<hbm>>
    %dma_start3A_4 = tpu.memref_slice %arg2[%add3A_2] : memref<640000xi32, #tpu.memory_space<hbm>> -> memref<20000xi32, #tpu.memory_space<hbm>>
    tpu.enqueue_dma source(%dma_start3A_4 : memref<20000xi32, #tpu.memory_space<hbm>>) target(%arg8 : memref<20000xi32, #tpu.memory_space<vmem>>) target_semaphore(%arg18 : memref<!tpu.dma_semaphore, #tpu.memory_space<semaphore_mem>>)
    %scan3A = arith.constant 0 : i32
    %scan3A_5 = arith.constant 0 : i32
    %scan3A_6 = arith.constant 80 : i32
    %scan3A_7 = arith.addi %scan3A_5, %scan3A_6 : i32
    %scan3A_8 = arith.constant 1 : i32
    scf.for %scan3A_259 = %scan3A_5 to %scan3A_7 step %scan3A_8  : i32 {
      %broadcast_in_dim3A = arith.constant 0.000000e+00 : f32
      %broadcast_in_dim3A_260 = vector.broadcast %broadcast_in_dim3A : f32 to vector<16xf32>
      %swap3A_261 = arith.index_cast %scan3A_259 : i32 to index
      %swap3A_262 = arith.constant 0 : index
      %swap3A_263 = tpu.vector_load %arg13[%swap3A_261, %swap3A_262] {strides = array<i32>} : memref<80x64xf32, #tpu.memory_space<vmem>>, vector<1x16xf32>,
      %swap3A_264 = vector.shape_cast %swap3A_263 : vector<1x16xf32> to vector<16xf32>
      %swap3A_265 = vector.shape_cast %broadcast_in_dim3A_260 : vector<16xf32> to vector<1x16xf32>
      tpu.vector_store %arg13[%swap3A_261, %swap3A_262], %swap3A_265 {strides = array<i32>} : memref<80x64xf32, #tpu.memory_space<vmem>>, vector<1x16xf32>,
      %broadcast_in_dim3A_266 = arith.constant 0.000000e+00 : f32
      %broadcast_in_dim3A_267 = vector.broadcast %broadcast_in_dim3A_266 : f32 to vector<16xf32>
      %swap3A_268 = arith.index_cast %scan3A_259 : i32 to index
      %swap3A_269 = arith.constant 16 : index
      %swap3A_270 = tpu.vector_load %arg13[%swap3A_268, %swap3A_269] {strides = array<i32>} : memref<80x64xf32, #tpu.memory_space<vmem>>, vector<1x16xf32>,
      %swap3A_271 = vector.shape_cast %swap3A_270 : vector<1x16xf32> to vector<16xf32>
      %swap3A_272 = vector.shape_cast %broadcast_in_dim3A_267 : vector<16xf32> to vector<1x16xf32>
      tpu.vector_store %arg13[%swap3A_268, %swap3A_269], %swap3A_272 {strides = array<i32>} : memref<80x64xf32, #tpu.memory_space<vmem>>, vector<1x16xf32>,
      %broadcast_in_dim3A_273 = arith.constant 0.000000e+00 : f32
      %broadcast_in_dim3A_274 = vector.broadcast %broadcast_in_dim3A_273 : f32 to vector<16xf32>
      %swap3A_275 = arith.index_cast %scan3A_259 : i32 to index
      %swap3A_276 = arith.constant 32 : index
      %swap3A_277 = tpu.vector_load %arg13[%swap3A_275, %swap3A_276] {strides = array<i32>} : memref<80x64xf32, #tpu.memory_space<vmem>>, vector<1x16xf32>,
      %swap3A_278 = vector.shape_cast %swap3A_277 : vector<1x16xf32> to vector<16xf32>
      %swap3A_279 = vector.shape_cast %broadcast_in_dim3A_274 : vector<16xf32> to vector<1x16xf32>
      tpu.vector_store %arg13[%swap3A_275, %swap3A_276], %swap3A_279 {strides = array<i32>} : memref<80x64xf32, #tpu.memory_space<vmem>>, vector<1x16xf32>,
      %broadcast_in_dim3A_280 = arith.constant 0.000000e+00 : f32
      %broadcast_in_dim3A_281 = vector.broadcast %broadcast_in_dim3A_280 : f32 to vector<16xf32>
      %swap3A_282 = arith.index_cast %scan3A_259 : i32 to index
      %swap3A_283 = arith.constant 48 : index
      %swap3A_284 = tpu.vector_load %arg13[%swap3A_282, %swap3A_283] {strides = array<i32>} : memref<80x64xf32, #tpu.memory_space<vmem>>, vector<1x16xf32>,
      %swap3A_285 = vector.shape_cast %swap3A_284 : vector<1x16xf32> to vector<16xf32>
      %swap3A_286 = vector.shape_cast %broadcast_in_dim3A_281 : vector<16xf32> to vector<1x16xf32>
      tpu.vector_store %arg13[%swap3A_282, %swap3A_283], %swap3A_286 {strides = array<i32>} : memref<80x64xf32, #tpu.memory_space<vmem>>, vector<1x16xf32>,
    }
    %scan3A_9 = arith.constant 80 : i32
    %add3A_10 = arith.constant 0 : i32
    %add3A_11 = arith.addi %arg1, %add3A_10 : i32
    %lt3A = arith.constant 125 : i32
    %lt3A_12 = arith.cmpi slt, %add3A_11, %lt3A : i32
    %convert_element_type3A = arith.extui %lt3A_12 : i1 to i32
    %cond3A = arith.constant 0 : i32
    %cond3A_13 = arith.cmpi ne, %convert_element_type3A, %cond3A : i32
    scf.if %cond3A_13 {
      %mul3A_259 = arith.constant 80 : i32
      %mul3A_260 = arith.muli %add3A_11, %mul3A_259 : i32
      %multiple_of3A_261 = tpu.assume_multiple %mul3A_260, 8 : i32
      "tpu.region"() ({
        %run_scoped3A = tpu.sem_alloc : memref<!tpu.dma_semaphore, #tpu.memory_space<semaphore_mem>>
        %dma_start3A_262 = arith.constant 0 : i32
        %dma_start3A_263 = tpu.memref_slice %arg16[%multiple_of3A_261, %dma_start3A_262] : memref<10000x64xf32, #tpu.memory_space<vmem_shared>> -> memref<80x64xf32, #tpu.memory_space<vmem_shared>>
        %dma_start3A_264 = arith.constant 0 : i32
        %dma_start3A_265 = tpu.memref_slice %arg16[%multiple_of3A_261, %dma_start3A_264] : memref<10000x64xf32, #tpu.memory_space<vmem_shared>> -> memref<80x64xf32, #tpu.memory_space<vmem_shared>>
        tpu.enqueue_dma source(%arg13 : memref<80x64xf32, #tpu.memory_space<vmem>>) target(%dma_start3A_265 : memref<80x64xf32, #tpu.memory_space<vmem_shared>>) target_semaphore(%run_scoped3A : memref<!tpu.dma_semaphore, #tpu.memory_space<semaphore_mem>>)
        %dma_wait3A_266 = arith.constant 0 : i32
        %dma_wait3A_267 = tpu.memref_slice %arg16[%multiple_of3A_261, %dma_wait3A_266] : memref<10000x64xf32, #tpu.memory_space<vmem_shared>> -> memref<80x64xf32, #tpu.memory_space<vmem_shared>>
        %dma_wait3A_268 = arith.constant 0 : i32
        %dma_wait3A_269 = tpu.memref_slice %arg16[%multiple_of3A_261, %dma_wait3A_268] : memref<10000x64xf32, #tpu.memory_space<vmem_shared>> -> memref<80x64xf32, #tpu.memory_space<vmem_shared>>
        tpu.wait_dma2 semaphore(%run_scoped3A : memref<!tpu.dma_semaphore, #tpu.memory_space<semaphore_mem>>) src(%arg13 : memref<80x64xf32, #tpu.memory_space<vmem>>) dst(%dma_wait3A_269 : memref<80x64xf32, #tpu.memory_space<vmem_shared>>)
        tpu.yield
      }) : () -> ()
    } else {
    }
    %add3A_14 = arith.constant 16 : i32
    %add3A_15 = arith.addi %arg1, %add3A_14 : i32
    %lt3A_16 = arith.constant 125 : i32
    %lt3A_17 = arith.cmpi slt, %add3A_15, %lt3A_16 : i32
    %convert_element_type3A_18 = arith.extui %lt3A_17 : i1 to i32
    %cond3A_19 = arith.constant 0 : i32
    %cond3A_20 = arith.cmpi ne, %convert_element_type3A_18, %cond3A_19 : i32
    scf.if %cond3A_20 {
      %mul3A_259 = arith.constant 80 : i32
      %mul3A_260 = arith.muli %add3A_15, %mul3A_259 : i32
      %multiple_of3A_261 = tpu.assume_multiple %mul3A_260, 8 : i32
      "tpu.region"() ({
        %run_scoped3A = tpu.sem_alloc : memref<!tpu.dma_semaphore, #tpu.memory_space<semaphore_mem>>
        %dma_start3A_262 = arith.constant 0 : i32
        %dma_start3A_263 = tpu.memref_slice %arg16[%multiple_of3A_261, %dma_start3A_262] : memref<10000x64xf32, #tpu.memory_space<vmem_shared>> -> memref<80x64xf32, #tpu.memory_space<vmem_shared>>
        %dma_start3A_264 = arith.constant 0 : i32
        %dma_start3A_265 = tpu.memref_slice %arg16[%multiple_of3A_261, %dma_start3A_264] : memref<10000x64xf32, #tpu.memory_space<vmem_shared>> -> memref<80x64xf32, #tpu.memory_space<vmem_shared>>
        tpu.enqueue_dma source(%arg13 : memref<80x64xf32, #tpu.memory_space<vmem>>) target(%dma_start3A_265 : memref<80x64xf32, #tpu.memory_space<vmem_shared>>) target_semaphore(%run_scoped3A : memref<!tpu.dma_semaphore, #tpu.memory_space<semaphore_mem>>)
        %dma_wait3A_266 = arith.constant 0 : i32
        %dma_wait3A_267 = tpu.memref_slice %arg16[%multiple_of3A_261, %dma_wait3A_266] : memref<10000x64xf32, #tpu.memory_space<vmem_shared>> -> memref<80x64xf32, #tpu.memory_space<vmem_shared>>
        %dma_wait3A_268 = arith.constant 0 : i32
        %dma_wait3A_269 = tpu.memref_slice %arg16[%multiple_of3A_261, %dma_wait3A_268] : memref<10000x64xf32, #tpu.memory_space<vmem_shared>> -> memref<80x64xf32, #tpu.memory_space<vmem_shared>>
        tpu.wait_dma2 semaphore(%run_scoped3A : memref<!tpu.dma_semaphore, #tpu.memory_space<semaphore_mem>>) src(%arg13 : memref<80x64xf32, #tpu.memory_space<vmem>>) dst(%dma_wait3A_269 : memref<80x64xf32, #tpu.memory_space<vmem_shared>>)
        tpu.yield
      }) : () -> ()
    } else {
    }
    %add3A_21 = arith.constant 32 : i32
    %add3A_22 = arith.addi %arg1, %add3A_21 : i32
    %lt3A_23 = arith.constant 125 : i32
    %lt3A_24 = arith.cmpi slt, %add3A_22, %lt3A_23 : i32
    %convert_element_type3A_25 = arith.extui %lt3A_24 : i1 to i32
    %cond3A_26 = arith.constant 0 : i32
    %cond3A_27 = arith.cmpi ne, %convert_element_type3A_25, %cond3A_26 : i32
    scf.if %cond3A_27 {
      %mul3A_259 = arith.constant 80 : i32
      %mul3A_260 = arith.muli %add3A_22, %mul3A_259 : i32
      %multiple_of3A_261 = tpu.assume_multiple %mul3A_260, 8 : i32
      "tpu.region"() ({
        %run_scoped3A = tpu.sem_alloc : memref<!tpu.dma_semaphore, #tpu.memory_space<semaphore_mem>>
        %dma_start3A_262 = arith.constant 0 : i32
        %dma_start3A_263 = tpu.memref_slice %arg16[%multiple_of3A_261, %dma_start3A_262] : memref<10000x64xf32, #tpu.memory_space<vmem_shared>> -> memref<80x64xf32, #tpu.memory_space<vmem_shared>>
        %dma_start3A_264 = arith.constant 0 : i32
        %dma_start3A_265 = tpu.memref_slice %arg16[%multiple_of3A_261, %dma_start3A_264] : memref<10000x64xf32, #tpu.memory_space<vmem_shared>> -> memref<80x64xf32, #tpu.memory_space<vmem_shared>>
        tpu.enqueue_dma source(%arg13 : memref<80x64xf32, #tpu.memory_space<vmem>>) target(%dma_start3A_265 : memref<80x64xf32, #tpu.memory_space<vmem_shared>>) target_semaphore(%run_scoped3A : memref<!tpu.dma_semaphore, #tpu.memory_space<semaphore_mem>>)
        %dma_wait3A_266 = arith.constant 0 : i32
        %dma_wait3A_267 = tpu.memref_slice %arg16[%multiple_of3A_261, %dma_wait3A_266] : memref<10000x64xf32, #tpu.memory_space<vmem_shared>> -> memref<80x64xf32, #tpu.memory_space<vmem_shared>>
        %dma_wait3A_268 = arith.constant 0 : i32
        %dma_wait3A_269 = tpu.memref_slice %arg16[%multiple_of3A_261, %dma_wait3A_268] : memref<10000x64xf32, #tpu.memory_space<vmem_shared>> -> memref<80x64xf32, #tpu.memory_space<vmem_shared>>
        tpu.wait_dma2 semaphore(%run_scoped3A : memref<!tpu.dma_semaphore, #tpu.memory_space<semaphore_mem>>) src(%arg13 : memref<80x64xf32, #tpu.memory_space<vmem>>) dst(%dma_wait3A_269 : memref<80x64xf32, #tpu.memory_space<vmem_shared>>)
        tpu.yield
      }) : () -> ()
    } else {
    }
    %add3A_28 = arith.constant 48 : i32
    %add3A_29 = arith.addi %arg1, %add3A_28 : i32
    %lt3A_30 = arith.constant 125 : i32
    %lt3A_31 = arith.cmpi slt, %add3A_29, %lt3A_30 : i32
    %convert_element_type3A_32 = arith.extui %lt3A_31 : i1 to i32
    %cond3A_33 = arith.constant 0 : i32
    %cond3A_34 = arith.cmpi ne, %convert_element_type3A_32, %cond3A_33 : i32
    scf.if %cond3A_34 {
      %mul3A_259 = arith.constant 80 : i32
      %mul3A_260 = arith.muli %add3A_29, %mul3A_259 : i32
      %multiple_of3A_261 = tpu.assume_multiple %mul3A_260, 8 : i32
      "tpu.region"() ({
        %run_scoped3A = tpu.sem_alloc : memref<!tpu.dma_semaphore, #tpu.memory_space<semaphore_mem>>
        %dma_start3A_262 = arith.constant 0 : i32
        %dma_start3A_263 = tpu.memref_slice %arg16[%multiple_of3A_261, %dma_start3A_262] : memref<10000x64xf32, #tpu.memory_space<vmem_shared>> -> memref<80x64xf32, #tpu.memory_space<vmem_shared>>
        %dma_start3A_264 = arith.constant 0 : i32
        %dma_start3A_265 = tpu.memref_slice %arg16[%multiple_of3A_261, %dma_start3A_264] : memref<10000x64xf32, #tpu.memory_space<vmem_shared>> -> memref<80x64xf32, #tpu.memory_space<vmem_shared>>
        tpu.enqueue_dma source(%arg13 : memref<80x64xf32, #tpu.memory_space<vmem>>) target(%dma_start3A_265 : memref<80x64xf32, #tpu.memory_space<vmem_shared>>) target_semaphore(%run_scoped3A : memref<!tpu.dma_semaphore, #tpu.memory_space<semaphore_mem>>)
        %dma_wait3A_266 = arith.constant 0 : i32
        %dma_wait3A_267 = tpu.memref_slice %arg16[%multiple_of3A_261, %dma_wait3A_266] : memref<10000x64xf32, #tpu.memory_space<vmem_shared>> -> memref<80x64xf32, #tpu.memory_space<vmem_shared>>
        %dma_wait3A_268 = arith.constant 0 : i32
        %dma_wait3A_269 = tpu.memref_slice %arg16[%multiple_of3A_261, %dma_wait3A_268] : memref<10000x64xf32, #tpu.memory_space<vmem_shared>> -> memref<80x64xf32, #tpu.memory_space<vmem_shared>>
        tpu.wait_dma2 semaphore(%run_scoped3A : memref<!tpu.dma_semaphore, #tpu.memory_space<semaphore_mem>>) src(%arg13 : memref<80x64xf32, #tpu.memory_space<vmem>>) dst(%dma_wait3A_269 : memref<80x64xf32, #tpu.memory_space<vmem_shared>>)
        tpu.yield
      }) : () -> ()
    } else {
    }
    %add3A_35 = arith.constant 64 : i32
    %add3A_36 = arith.addi %arg1, %add3A_35 : i32
    %lt3A_37 = arith.constant 125 : i32
    %lt3A_38 = arith.cmpi slt, %add3A_36, %lt3A_37 : i32
    %convert_element_type3A_39 = arith.extui %lt3A_38 : i1 to i32
    %cond3A_40 = arith.constant 0 : i32
    %cond3A_41 = arith.cmpi ne, %convert_element_type3A_39, %cond3A_40 : i32
    scf.if %cond3A_41 {
      %mul3A_259 = arith.constant 80 : i32
      %mul3A_260 = arith.muli %add3A_36, %mul3A_259 : i32
      %multiple_of3A_261 = tpu.assume_multiple %mul3A_260, 8 : i32
      "tpu.region"() ({
        %run_scoped3A = tpu.sem_alloc : memref<!tpu.dma_semaphore, #tpu.memory_space<semaphore_mem>>
        %dma_start3A_262 = arith.constant 0 : i32
        %dma_start3A_263 = tpu.memref_slice %arg16[%multiple_of3A_261, %dma_start3A_262] : memref<10000x64xf32, #tpu.memory_space<vmem_shared>> -> memref<80x64xf32, #tpu.memory_space<vmem_shared>>
        %dma_start3A_264 = arith.constant 0 : i32
        %dma_start3A_265 = tpu.memref_slice %arg16[%multiple_of3A_261, %dma_start3A_264] : memref<10000x64xf32, #tpu.memory_space<vmem_shared>> -> memref<80x64xf32, #tpu.memory_space<vmem_shared>>
        tpu.enqueue_dma source(%arg13 : memref<80x64xf32, #tpu.memory_space<vmem>>) target(%dma_start3A_265 : memref<80x64xf32, #tpu.memory_space<vmem_shared>>) target_semaphore(%run_scoped3A : memref<!tpu.dma_semaphore, #tpu.memory_space<semaphore_mem>>)
        %dma_wait3A_266 = arith.constant 0 : i32
        %dma_wait3A_267 = tpu.memref_slice %arg16[%multiple_of3A_261, %dma_wait3A_266] : memref<10000x64xf32, #tpu.memory_space<vmem_shared>> -> memref<80x64xf32, #tpu.memory_space<vmem_shared>>
        %dma_wait3A_268 = arith.constant 0 : i32
        %dma_wait3A_269 = tpu.memref_slice %arg16[%multiple_of3A_261, %dma_wait3A_268] : memref<10000x64xf32, #tpu.memory_space<vmem_shared>> -> memref<80x64xf32, #tpu.memory_space<vmem_shared>>
        tpu.wait_dma2 semaphore(%run_scoped3A : memref<!tpu.dma_semaphore, #tpu.memory_space<semaphore_mem>>) src(%arg13 : memref<80x64xf32, #tpu.memory_space<vmem>>) dst(%dma_wait3A_269 : memref<80x64xf32, #tpu.memory_space<vmem_shared>>)
        tpu.yield
      }) : () -> ()
    } else {
    }
    %add3A_42 = arith.constant 80 : i32
    %add3A_43 = arith.addi %arg1, %add3A_42 : i32
    %lt3A_44 = arith.constant 125 : i32
    %lt3A_45 = arith.cmpi slt, %add3A_43, %lt3A_44 : i32
    %convert_element_type3A_46 = arith.extui %lt3A_45 : i1 to i32
    %cond3A_47 = arith.constant 0 : i32
    %cond3A_48 = arith.cmpi ne, %convert_element_type3A_46, %cond3A_47 : i32
    scf.if %cond3A_48 {
      %mul3A_259 = arith.constant 80 : i32
      %mul3A_260 = arith.muli %add3A_43, %mul3A_259 : i32
      %multiple_of3A_261 = tpu.assume_multiple %mul3A_260, 8 : i32
      "tpu.region"() ({
        %run_scoped3A = tpu.sem_alloc : memref<!tpu.dma_semaphore, #tpu.memory_space<semaphore_mem>>
        %dma_start3A_262 = arith.constant 0 : i32
        %dma_start3A_263 = tpu.memref_slice %arg16[%multiple_of3A_261, %dma_start3A_262] : memref<10000x64xf32, #tpu.memory_space<vmem_shared>> -> memref<80x64xf32, #tpu.memory_space<vmem_shared>>
        %dma_start3A_264 = arith.constant 0 : i32
        %dma_start3A_265 = tpu.memref_slice %arg16[%multiple_of3A_261, %dma_start3A_264] : memref<10000x64xf32, #tpu.memory_space<vmem_shared>> -> memref<80x64xf32, #tpu.memory_space<vmem_shared>>
        tpu.enqueue_dma source(%arg13 : memref<80x64xf32, #tpu.memory_space<vmem>>) target(%dma_start3A_265 : memref<80x64xf32, #tpu.memory_space<vmem_shared>>) target_semaphore(%run_scoped3A : memref<!tpu.dma_semaphore, #tpu.memory_space<semaphore_mem>>)
        %dma_wait3A_266 = arith.constant 0 : i32
        %dma_wait3A_267 = tpu.memref_slice %arg16[%multiple_of3A_261, %dma_wait3A_266] : memref<10000x64xf32, #tpu.memory_space<vmem_shared>> -> memref<80x64xf32, #tpu.memory_space<vmem_shared>>
        %dma_wait3A_268 = arith.constant 0 : i32
        %dma_wait3A_269 = tpu.memref_slice %arg16[%multiple_of3A_261, %dma_wait3A_268] : memref<10000x64xf32, #tpu.memory_space<vmem_shared>> -> memref<80x64xf32, #tpu.memory_space<vmem_shared>>
        tpu.wait_dma2 semaphore(%run_scoped3A : memref<!tpu.dma_semaphore, #tpu.memory_space<semaphore_mem>>) src(%arg13 : memref<80x64xf32, #tpu.memory_space<vmem>>) dst(%dma_wait3A_269 : memref<80x64xf32, #tpu.memory_space<vmem_shared>>)
        tpu.yield
      }) : () -> ()
    } else {
    }
    %add3A_49 = arith.constant 96 : i32
    %add3A_50 = arith.addi %arg1, %add3A_49 : i32
    %lt3A_51 = arith.constant 125 : i32
    %lt3A_52 = arith.cmpi slt, %add3A_50, %lt3A_51 : i32
    %convert_element_type3A_53 = arith.extui %lt3A_52 : i1 to i32
    %cond3A_54 = arith.constant 0 : i32
    %cond3A_55 = arith.cmpi ne, %convert_element_type3A_53, %cond3A_54 : i32
    scf.if %cond3A_55 {
      %mul3A_259 = arith.constant 80 : i32
      %mul3A_260 = arith.muli %add3A_50, %mul3A_259 : i32
      %multiple_of3A_261 = tpu.assume_multiple %mul3A_260, 8 : i32
      "tpu.region"() ({
        %run_scoped3A = tpu.sem_alloc : memref<!tpu.dma_semaphore, #tpu.memory_space<semaphore_mem>>
        %dma_start3A_262 = arith.constant 0 : i32
        %dma_start3A_263 = tpu.memref_slice %arg16[%multiple_of3A_261, %dma_start3A_262] : memref<10000x64xf32, #tpu.memory_space<vmem_shared>> -> memref<80x64xf32, #tpu.memory_space<vmem_shared>>
        %dma_start3A_264 = arith.constant 0 : i32
        %dma_start3A_265 = tpu.memref_slice %arg16[%multiple_of3A_261, %dma_start3A_264] : memref<10000x64xf32, #tpu.memory_space<vmem_shared>> -> memref<80x64xf32, #tpu.memory_space<vmem_shared>>
        tpu.enqueue_dma source(%arg13 : memref<80x64xf32, #tpu.memory_space<vmem>>) target(%dma_start3A_265 : memref<80x64xf32, #tpu.memory_space<vmem_shared>>) target_semaphore(%run_scoped3A : memref<!tpu.dma_semaphore, #tpu.memory_space<semaphore_mem>>)
        %dma_wait3A_266 = arith.constant 0 : i32
        %dma_wait3A_267 = tpu.memref_slice %arg16[%multiple_of3A_261, %dma_wait3A_266] : memref<10000x64xf32, #tpu.memory_space<vmem_shared>> -> memref<80x64xf32, #tpu.memory_space<vmem_shared>>
        %dma_wait3A_268 = arith.constant 0 : i32
        %dma_wait3A_269 = tpu.memref_slice %arg16[%multiple_of3A_261, %dma_wait3A_268] : memref<10000x64xf32, #tpu.memory_space<vmem_shared>> -> memref<80x64xf32, #tpu.memory_space<vmem_shared>>
        tpu.wait_dma2 semaphore(%run_scoped3A : memref<!tpu.dma_semaphore, #tpu.memory_space<semaphore_mem>>) src(%arg13 : memref<80x64xf32, #tpu.memory_space<vmem>>) dst(%dma_wait3A_269 : memref<80x64xf32, #tpu.memory_space<vmem_shared>>)
        tpu.yield
      }) : () -> ()
    } else {
    }
    %add3A_56 = arith.constant 112 : i32
    %add3A_57 = arith.addi %arg1, %add3A_56 : i32
    %lt3A_58 = arith.constant 125 : i32
    %lt3A_59 = arith.cmpi slt, %add3A_57, %lt3A_58 : i32
    %convert_element_type3A_60 = arith.extui %lt3A_59 : i1 to i32
    %cond3A_61 = arith.constant 0 : i32
    %cond3A_62 = arith.cmpi ne, %convert_element_type3A_60, %cond3A_61 : i32
    scf.if %cond3A_62 {
      %mul3A_259 = arith.constant 80 : i32
      %mul3A_260 = arith.muli %add3A_57, %mul3A_259 : i32
      %multiple_of3A_261 = tpu.assume_multiple %mul3A_260, 8 : i32
      "tpu.region"() ({
        %run_scoped3A = tpu.sem_alloc : memref<!tpu.dma_semaphore, #tpu.memory_space<semaphore_mem>>
        %dma_start3A_262 = arith.constant 0 : i32
        %dma_start3A_263 = tpu.memref_slice %arg16[%multiple_of3A_261, %dma_start3A_262] : memref<10000x64xf32, #tpu.memory_space<vmem_shared>> -> memref<80x64xf32, #tpu.memory_space<vmem_shared>>
        %dma_start3A_264 = arith.constant 0 : i32
        %dma_start3A_265 = tpu.memref_slice %arg16[%multiple_of3A_261, %dma_start3A_264] : memref<10000x64xf32, #tpu.memory_space<vmem_shared>> -> memref<80x64xf32, #tpu.memory_space<vmem_shared>>
        tpu.enqueue_dma source(%arg13 : memref<80x64xf32, #tpu.memory_space<vmem>>) target(%dma_start3A_265 : memref<80x64xf32, #tpu.memory_space<vmem_shared>>) target_semaphore(%run_scoped3A : memref<!tpu.dma_semaphore, #tpu.memory_space<semaphore_mem>>)
        %dma_wait3A_266 = arith.constant 0 : i32
        %dma_wait3A_267 = tpu.memref_slice %arg16[%multiple_of3A_261, %dma_wait3A_266] : memref<10000x64xf32, #tpu.memory_space<vmem_shared>> -> memref<80x64xf32, #tpu.memory_space<vmem_shared>>
        %dma_wait3A_268 = arith.constant 0 : i32
        %dma_wait3A_269 = tpu.memref_slice %arg16[%multiple_of3A_261, %dma_wait3A_268] : memref<10000x64xf32, #tpu.memory_space<vmem_shared>> -> memref<80x64xf32, #tpu.memory_space<vmem_shared>>
        tpu.wait_dma2 semaphore(%run_scoped3A : memref<!tpu.dma_semaphore, #tpu.memory_space<semaphore_mem>>) src(%arg13 : memref<80x64xf32, #tpu.memory_space<vmem>>) dst(%dma_wait3A_269 : memref<80x64xf32, #tpu.memory_space<vmem_shared>>)
        tpu.yield
      }) : () -> ()
    } else {
    }
    %dma_wait3A = tpu.memref_slice %arg2[%multiple_of3A] : memref<640000xi32, #tpu.memory_space<hbm>> -> memref<20000xi32, #tpu.memory_space<hbm>>
    %dma_wait3A_63 = tpu.memref_slice %arg2[%multiple_of3A] : memref<640000xi32, #tpu.memory_space<hbm>> -> memref<20000xi32, #tpu.memory_space<hbm>>
    tpu.wait_dma2 semaphore(%arg17 : memref<!tpu.dma_semaphore, #tpu.memory_space<semaphore_mem>>) src(%dma_wait3A_63 : memref<20000xi32, #tpu.memory_space<hbm>>) dst(%arg7 : memref<20000xi32, #tpu.memory_space<vmem>>)
    %dma_wait3A_64 = tpu.memref_slice %arg2[%multiple_of3A] : memref<640000xi32, #tpu.memory_space<hbm>> -> memref<20000xi32, #tpu.memory_space<hbm>>
    %dma_wait3A_65 = tpu.memref_slice %arg2[%multiple_of3A] : memref<640000xi32, #tpu.memory_space<hbm>> -> memref<20000xi32, #tpu.memory_space<hbm>>
    tpu.wait_dma2 semaphore(%arg18 : memref<!tpu.dma_semaphore, #tpu.memory_space<semaphore_mem>>) src(%dma_wait3A_65 : memref<20000xi32, #tpu.memory_space<hbm>>) dst(%arg8 : memref<20000xi32, #tpu.memory_space<vmem>>)
    %barrier3A = arith.constant 0 : index
    tpu.barrier barrier_id(%barrier3A)
    %multiple_of3A_66 = arith.constant 0 : i32
    %multiple_of3A_67 = tpu.assume_multiple %multiple_of3A_66, 8 : i32
    %eq3A = arith.constant 0 : i32
    %eq3A_68 = arith.cmpi eq, %arg0, %eq3A : i32
    %convert_element_type3A_69 = arith.extui %eq3A_68 : i1 to i32
    %cond3A_70 = arith.constant 0 : i32
    %cond3A_71 = arith.cmpi ne, %convert_element_type3A_69, %cond3A_70 : i32
    scf.if %cond3A_71 {
      %dma_start3A_259 = arith.constant 0 : i32
      %dma_start3A_260 = arith.constant 0 : i32
      %dma_start3A_261 = arith.constant 0 : i32
      %dma_start3A_262 = tpu.memref_slice %arg11[%dma_start3A_259, %dma_start3A_260, %dma_start3A_261] : memref<4x128x64xf32, #tpu.memory_space<vmem>> -> memref<1x128x64xf32, #tpu.memory_space<vmem>>
      %dma_start3A_263 = tpu.memref_squeeze %dma_start3A_262 : memref<1x128x64xf32, #tpu.memory_space<vmem>> -> memref<128x64xf32, #tpu.memory_space<vmem>>
      %dma_start3A_264 = tpu.memref_slice %arg7[%multiple_of3A_67] : memref<20000xi32, #tpu.memory_space<vmem>> -> memref<128xi32, #tpu.memory_space<vmem>>
      %dma_start3A_265 = arith.constant 0 : i32
      %dma_start3A_266 = arith.constant 0 : i32
      %dma_start3A_267 = tpu.memref_slice %arg3[%dma_start3A_265, %dma_start3A_266] : memref<10000x64xf32, #tpu.memory_space<hbm>> -> memref<10000x64xf32, #tpu.memory_space<hbm>>
      tpu.enqueue_indirect_dma source(%dma_start3A_267 : memref<10000x64xf32, #tpu.memory_space<hbm>>) target(%dma_start3A_263 : memref<128x64xf32, #tpu.memory_space<vmem>>) offsets(%dma_start3A_264 : memref<128xi32, #tpu.memory_space<vmem>>) semaphore(%arg17 : memref<!tpu.dma_semaphore, #tpu.memory_space<semaphore_mem>>)
    } else {
    }
    %eq3A_72 = arith.constant 1 : i32
    %eq3A_73 = arith.cmpi eq, %arg0, %eq3A_72 : i32
    %convert_element_type3A_74 = arith.extui %eq3A_73 : i1 to i32
    %cond3A_75 = arith.constant 0 : i32
    %cond3A_76 = arith.cmpi ne, %convert_element_type3A_74, %cond3A_75 : i32
    scf.if %cond3A_76 {
      %dma_start3A_259 = arith.constant 0 : i32
      %dma_start3A_260 = arith.constant 0 : i32
      %dma_start3A_261 = arith.constant 0 : i32
      %dma_start3A_262 = tpu.memref_slice %arg11[%dma_start3A_259, %dma_start3A_260, %dma_start3A_261] : memref<4x128x64xf32, #tpu.memory_space<vmem>> -> memref<1x128x64xf32, #tpu.memory_space<vmem>>
      %dma_start3A_263 = tpu.memref_squeeze %dma_start3A_262 : memref<1x128x64xf32, #tpu.memory_space<vmem>> -> memref<128x64xf32, #tpu.memory_space<vmem>>
      %dma_start3A_264 = tpu.memref_slice %arg7[%multiple_of3A_67] : memref<20000xi32, #tpu.memory_space<vmem>> -> memref<128xi32, #tpu.memory_space<vmem>>
      %dma_start3A_265 = arith.constant 0 : i32
      %dma_start3A_266 = arith.constant 0 : i32
      %dma_start3A_267 = tpu.memref_slice %arg4[%dma_start3A_265, %dma_start3A_266] : memref<10000x64xf32, #tpu.memory_space<hbm>> -> memref<10000x64xf32, #tpu.memory_space<hbm>>
      tpu.enqueue_indirect_dma source(%dma_start3A_267 : memref<10000x64xf32, #tpu.memory_space<hbm>>) target(%dma_start3A_263 : memref<128x64xf32, #tpu.memory_space<vmem>>) offsets(%dma_start3A_264 : memref<128xi32, #tpu.memory_space<vmem>>) semaphore(%arg17 : memref<!tpu.dma_semaphore, #tpu.memory_space<semaphore_mem>>)
    } else {
    }
    %multiple_of3A_77 = arith.constant 128 : i32
    %multiple_of3A_78 = tpu.assume_multiple %multiple_of3A_77, 8 : i32
    %eq3A_79 = arith.constant 0 : i32
    %eq3A_80 = arith.cmpi eq, %arg0, %eq3A_79 : i32
    %convert_element_type3A_81 = arith.extui %eq3A_80 : i1 to i32
    %cond3A_82 = arith.constant 0 : i32
    %cond3A_83 = arith.cmpi ne, %convert_element_type3A_81, %cond3A_82 : i32
    scf.if %cond3A_83 {
      %dma_start3A_259 = arith.constant 1 : i32
      %dma_start3A_260 = arith.constant 0 : i32
      %dma_start3A_261 = arith.constant 0 : i32
      %dma_start3A_262 = tpu.memref_slice %arg11[%dma_start3A_259, %dma_start3A_260, %dma_start3A_261] : memref<4x128x64xf32, #tpu.memory_space<vmem>> -> memref<1x128x64xf32, #tpu.memory_space<vmem>>
      %dma_start3A_263 = tpu.memref_squeeze %dma_start3A_262 : memref<1x128x64xf32, #tpu.memory_space<vmem>> -> memref<128x64xf32, #tpu.memory_space<vmem>>
      %dma_start3A_264 = tpu.memref_slice %arg7[%multiple_of3A_78] : memref<20000xi32, #tpu.memory_space<vmem>> -> memref<128xi32, #tpu.memory_space<vmem>>
      %dma_start3A_265 = arith.constant 0 : i32
      %dma_start3A_266 = arith.constant 0 : i32
      %dma_start3A_267 = tpu.memref_slice %arg3[%dma_start3A_265, %dma_start3A_266] : memref<10000x64xf32, #tpu.memory_space<hbm>> -> memref<10000x64xf32, #tpu.memory_space<hbm>>
      tpu.enqueue_indirect_dma source(%dma_start3A_267 : memref<10000x64xf32, #tpu.memory_space<hbm>>) target(%dma_start3A_263 : memref<128x64xf32, #tpu.memory_space<vmem>>) offsets(%dma_start3A_264 : memref<128xi32, #tpu.memory_space<vmem>>) semaphore(%arg18 : memref<!tpu.dma_semaphore, #tpu.memory_space<semaphore_mem>>)
    } else {
    }
    %eq3A_84 = arith.constant 1 : i32
    %eq3A_85 = arith.cmpi eq, %arg0, %eq3A_84 : i32
    %convert_element_type3A_86 = arith.extui %eq3A_85 : i1 to i32
    %cond3A_87 = arith.constant 0 : i32
    %cond3A_88 = arith.cmpi ne, %convert_element_type3A_86, %cond3A_87 : i32
    scf.if %cond3A_88 {
      %dma_start3A_259 = arith.constant 1 : i32
      %dma_start3A_260 = arith.constant 0 : i32
      %dma_start3A_261 = arith.constant 0 : i32
      %dma_start3A_262 = tpu.memref_slice %arg11[%dma_start3A_259, %dma_start3A_260, %dma_start3A_261] : memref<4x128x64xf32, #tpu.memory_space<vmem>> -> memref<1x128x64xf32, #tpu.memory_space<vmem>>
      %dma_start3A_263 = tpu.memref_squeeze %dma_start3A_262 : memref<1x128x64xf32, #tpu.memory_space<vmem>> -> memref<128x64xf32, #tpu.memory_space<vmem>>
      %dma_start3A_264 = tpu.memref_slice %arg7[%multiple_of3A_78] : memref<20000xi32, #tpu.memory_space<vmem>> -> memref<128xi32, #tpu.memory_space<vmem>>
      %dma_start3A_265 = arith.constant 0 : i32
      %dma_start3A_266 = arith.constant 0 : i32
      %dma_start3A_267 = tpu.memref_slice %arg4[%dma_start3A_265, %dma_start3A_266] : memref<10000x64xf32, #tpu.memory_space<hbm>> -> memref<10000x64xf32, #tpu.memory_space<hbm>>
      tpu.enqueue_indirect_dma source(%dma_start3A_267 : memref<10000x64xf32, #tpu.memory_space<hbm>>) target(%dma_start3A_263 : memref<128x64xf32, #tpu.memory_space<vmem>>) offsets(%dma_start3A_264 : memref<128xi32, #tpu.memory_space<vmem>>) semaphore(%arg18 : memref<!tpu.dma_semaphore, #tpu.memory_space<semaphore_mem>>)
    } else {
    }
    %multiple_of3A_89 = arith.constant 256 : i32
    %multiple_of3A_90 = tpu.assume_multiple %multiple_of3A_89, 8 : i32
    %eq3A_91 = arith.constant 0 : i32
    %eq3A_92 = arith.cmpi eq, %arg0, %eq3A_91 : i32
    %convert_element_type3A_93 = arith.extui %eq3A_92 : i1 to i32
    %cond3A_94 = arith.constant 0 : i32
    %cond3A_95 = arith.cmpi ne, %convert_element_type3A_93, %cond3A_94 : i32
    scf.if %cond3A_95 {
      %dma_start3A_259 = arith.constant 2 : i32
      %dma_start3A_260 = arith.constant 0 : i32
      %dma_start3A_261 = arith.constant 0 : i32
      %dma_start3A_262 = tpu.memref_slice %arg11[%dma_start3A_259, %dma_start3A_260, %dma_start3A_261] : memref<4x128x64xf32, #tpu.memory_space<vmem>> -> memref<1x128x64xf32, #tpu.memory_space<vmem>>
      %dma_start3A_263 = tpu.memref_squeeze %dma_start3A_262 : memref<1x128x64xf32, #tpu.memory_space<vmem>> -> memref<128x64xf32, #tpu.memory_space<vmem>>
      %dma_start3A_264 = tpu.memref_slice %arg7[%multiple_of3A_90] : memref<20000xi32, #tpu.memory_space<vmem>> -> memref<128xi32, #tpu.memory_space<vmem>>
      %dma_start3A_265 = arith.constant 0 : i32
      %dma_start3A_266 = arith.constant 0 : i32
      %dma_start3A_267 = tpu.memref_slice %arg3[%dma_start3A_265, %dma_start3A_266] : memref<10000x64xf32, #tpu.memory_space<hbm>> -> memref<10000x64xf32, #tpu.memory_space<hbm>>
      tpu.enqueue_indirect_dma source(%dma_start3A_267 : memref<10000x64xf32, #tpu.memory_space<hbm>>) target(%dma_start3A_263 : memref<128x64xf32, #tpu.memory_space<vmem>>) offsets(%dma_start3A_264 : memref<128xi32, #tpu.memory_space<vmem>>) semaphore(%arg19 : memref<!tpu.dma_semaphore, #tpu.memory_space<semaphore_mem>>)
    } else {
    }
    %eq3A_96 = arith.constant 1 : i32
    %eq3A_97 = arith.cmpi eq, %arg0, %eq3A_96 : i32
    %convert_element_type3A_98 = arith.extui %eq3A_97 : i1 to i32
    %cond3A_99 = arith.constant 0 : i32
    %cond3A_100 = arith.cmpi ne, %convert_element_type3A_98, %cond3A_99 : i32
    scf.if %cond3A_100 {
      %dma_start3A_259 = arith.constant 2 : i32
      %dma_start3A_260 = arith.constant 0 : i32
      %dma_start3A_261 = arith.constant 0 : i32
      %dma_start3A_262 = tpu.memref_slice %arg11[%dma_start3A_259, %dma_start3A_260, %dma_start3A_261] : memref<4x128x64xf32, #tpu.memory_space<vmem>> -> memref<1x128x64xf32, #tpu.memory_space<vmem>>
      %dma_start3A_263 = tpu.memref_squeeze %dma_start3A_262 : memref<1x128x64xf32, #tpu.memory_space<vmem>> -> memref<128x64xf32, #tpu.memory_space<vmem>>
      %dma_start3A_264 = tpu.memref_slice %arg7[%multiple_of3A_90] : memref<20000xi32, #tpu.memory_space<vmem>> -> memref<128xi32, #tpu.memory_space<vmem>>
      %dma_start3A_265 = arith.constant 0 : i32
      %dma_start3A_266 = arith.constant 0 : i32
      %dma_start3A_267 = tpu.memref_slice %arg4[%dma_start3A_265, %dma_start3A_266] : memref<10000x64xf32, #tpu.memory_space<hbm>> -> memref<10000x64xf32, #tpu.memory_space<hbm>>
      tpu.enqueue_indirect_dma source(%dma_start3A_267 : memref<10000x64xf32, #tpu.memory_space<hbm>>) target(%dma_start3A_263 : memref<128x64xf32, #tpu.memory_space<vmem>>) offsets(%dma_start3A_264 : memref<128xi32, #tpu.memory_space<vmem>>) semaphore(%arg19 : memref<!tpu.dma_semaphore, #tpu.memory_space<semaphore_mem>>)
    } else {
    }
    %scan3A_101 = arith.constant 0 : i32
    %scan3A_102 = arith.constant 0 : i32
    %scan3A_103 = arith.constant 39 : i32
    %scan3A_104 = arith.addi %scan3A_102, %scan3A_103 : i32
    %scan3A_105 = arith.constant 1 : i32
    scf.for %scan3A_259 = %scan3A_102 to %scan3A_104 step %scan3A_105  : i32 {
      %mul3A_260 = arith.constant 4 : i32
      %mul3A_261 = arith.muli %mul3A_260, %scan3A_259 : i32
      %add3A_262 = arith.constant 0 : i32
      %add3A_263 = arith.addi %mul3A_261, %add3A_262 : i32
      %add3A_264 = arith.constant 3 : i32
      %add3A_265 = arith.addi %add3A_263, %add3A_264 : i32
      %lt3A_266 = arith.constant 156 : i32
      %lt3A_267 = arith.cmpi slt, %add3A_265, %lt3A_266 : i32
      %convert_element_type3A_268 = arith.extui %lt3A_267 : i1 to i32
      %cond3A_269 = arith.constant 0 : i32
      %cond3A_270 = arith.cmpi ne, %convert_element_type3A_268, %cond3A_269 : i32
      scf.if %cond3A_270 {
        %ge3A = arith.constant 4 : i32
        %ge3A_774 = arith.cmpi sge, %add3A_265, %ge3A : i32
        %convert_element_type3A_775 = arith.extui %ge3A_774 : i1 to i32
        %cond3A_776 = arith.constant 0 : i32
        %cond3A_777 = arith.cmpi ne, %convert_element_type3A_775, %cond3A_776 : i32
        scf.if %cond3A_777 {
          %dma_wait3A_791 = arith.constant 3 : i32
          %dma_wait3A_792 = arith.constant 3 : i32
          %dma_wait3A_793 = arith.constant 0 : i32
          %dma_wait3A_794 = arith.constant 0 : i32
          %dma_wait3A_795 = tpu.memref_slice %arg11[%dma_wait3A_791, %dma_wait3A_793, %dma_wait3A_794] : memref<4x128x64xf32, #tpu.memory_space<vmem>> -> memref<1x128x64xf32, #tpu.memory_space<vmem>>
          %dma_wait3A_796 = tpu.memref_squeeze %dma_wait3A_795 : memref<1x128x64xf32, #tpu.memory_space<vmem>> -> memref<128x64xf32, #tpu.memory_space<vmem>>
          %dma_wait3A_797 = arith.constant 0 : i32
          %dma_wait3A_798 = tpu.memref_slice %arg9[%dma_wait3A_792, %dma_wait3A_797] : memref<4x128xi32, #tpu.memory_space<vmem>> -> memref<1x128xi32, #tpu.memory_space<vmem>>
          %dma_wait3A_799 = tpu.memref_squeeze %dma_wait3A_798 : memref<1x128xi32, #tpu.memory_space<vmem>> -> memref<128xi32, #tpu.memory_space<vmem>>
          %dma_wait3A_800 = arith.constant 0 : i32
          %dma_wait3A_801 = arith.constant 0 : i32
          %dma_wait3A_802 = tpu.memref_slice %arg16[%dma_wait3A_800, %dma_wait3A_801] : memref<10000x64xf32, #tpu.memory_space<vmem_shared>> -> memref<10000x64xf32, #tpu.memory_space<vmem_shared>>
          tpu.wait_indirect_dma semaphore(%arg24 : memref<!tpu.dma_semaphore, #tpu.memory_space<semaphore_mem>>) src(%dma_wait3A_796 : memref<128x64xf32, #tpu.memory_space<vmem>>) dst(%dma_wait3A_802 : memref<10000x64xf32, #tpu.memory_space<vmem_shared>>)
        } else {
        }
        %mul3A_778 = arith.constant 128 : i32
        %mul3A_779 = arith.muli %add3A_265, %mul3A_778 : i32
        %multiple_of3A_780 = tpu.assume_multiple %mul3A_779, 8 : i32
        %eq3A_781 = arith.constant 0 : i32
        %eq3A_782 = arith.cmpi eq, %arg0, %eq3A_781 : i32
        %convert_element_type3A_783 = arith.extui %eq3A_782 : i1 to i32
        %cond3A_784 = arith.constant 0 : i32
        %cond3A_785 = arith.cmpi ne, %convert_element_type3A_783, %cond3A_784 : i32
        scf.if %cond3A_785 {
          %dma_start3A_791 = arith.constant 3 : i32
          %dma_start3A_792 = arith.constant 0 : i32
          %dma_start3A_793 = arith.constant 0 : i32
          %dma_start3A_794 = tpu.memref_slice %arg11[%dma_start3A_791, %dma_start3A_792, %dma_start3A_793] : memref<4x128x64xf32, #tpu.memory_space<vmem>> -> memref<1x128x64xf32, #tpu.memory_space<vmem>>
          %dma_start3A_795 = tpu.memref_squeeze %dma_start3A_794 : memref<1x128x64xf32, #tpu.memory_space<vmem>> -> memref<128x64xf32, #tpu.memory_space<vmem>>
          %dma_start3A_796 = tpu.memref_slice %arg7[%multiple_of3A_780] : memref<20000xi32, #tpu.memory_space<vmem>> -> memref<128xi32, #tpu.memory_space<vmem>>
          %dma_start3A_797 = arith.constant 0 : i32
          %dma_start3A_798 = arith.constant 0 : i32
          %dma_start3A_799 = tpu.memref_slice %arg3[%dma_start3A_797, %dma_start3A_798] : memref<10000x64xf32, #tpu.memory_space<hbm>> -> memref<10000x64xf32, #tpu.memory_space<hbm>>
          tpu.enqueue_indirect_dma source(%dma_start3A_799 : memref<10000x64xf32, #tpu.memory_space<hbm>>) target(%dma_start3A_795 : memref<128x64xf32, #tpu.memory_space<vmem>>) offsets(%dma_start3A_796 : memref<128xi32, #tpu.memory_space<vmem>>) semaphore(%arg20 : memref<!tpu.dma_semaphore, #tpu.memory_space<semaphore_mem>>)
        } else {
        }
        %eq3A_786 = arith.constant 1 : i32
        %eq3A_787 = arith.cmpi eq, %arg0, %eq3A_786 : i32
        %convert_element_type3A_788 = arith.extui %eq3A_787 : i1 to i32
        %cond3A_789 = arith.constant 0 : i32
        %cond3A_790 = arith.cmpi ne, %convert_element_type3A_788, %cond3A_789 : i32
        scf.if %cond3A_790 {
          %dma_start3A_791 = arith.constant 3 : i32
          %dma_start3A_792 = arith.constant 0 : i32
          %dma_start3A_793 = arith.constant 0 : i32
          %dma_start3A_794 = tpu.memref_slice %arg11[%dma_start3A_791, %dma_start3A_792, %dma_start3A_793] : memref<4x128x64xf32, #tpu.memory_space<vmem>> -> memref<1x128x64xf32, #tpu.memory_space<vmem>>
          %dma_start3A_795 = tpu.memref_squeeze %dma_start3A_794 : memref<1x128x64xf32, #tpu.memory_space<vmem>> -> memref<128x64xf32, #tpu.memory_space<vmem>>
          %dma_start3A_796 = tpu.memref_slice %arg7[%multiple_of3A_780] : memref<20000xi32, #tpu.memory_space<vmem>> -> memref<128xi32, #tpu.memory_space<vmem>>
          %dma_start3A_797 = arith.constant 0 : i32
          %dma_start3A_798 = arith.constant 0 : i32
          %dma_start3A_799 = tpu.memref_slice %arg4[%dma_start3A_797, %dma_start3A_798] : memref<10000x64xf32, #tpu.memory_space<hbm>> -> memref<10000x64xf32, #tpu.memory_space<hbm>>
          tpu.enqueue_indirect_dma source(%dma_start3A_799 : memref<10000x64xf32, #tpu.memory_space<hbm>>) target(%dma_start3A_795 : memref<128x64xf32, #tpu.memory_space<vmem>>) offsets(%dma_start3A_796 : memref<128xi32, #tpu.memory_space<vmem>>) semaphore(%arg20 : memref<!tpu.dma_semaphore, #tpu.memory_space<semaphore_mem>>)
        } else {
        }
      } else {
      }
      %add3A_271 = arith.constant 0 : i32
      %add3A_272 = arith.addi %mul3A_261, %add3A_271 : i32
      %mul3A_273 = arith.constant 128 : i32
      %mul3A_274 = arith.muli %add3A_272, %mul3A_273 : i32
      %multiple_of3A_275 = tpu.assume_multiple %mul3A_274, 8 : i32
      %dma_wait3A_276 = arith.constant 0 : i32
      %dma_wait3A_277 = arith.constant 0 : i32
      %dma_wait3A_278 = arith.constant 0 : i32
      %dma_wait3A_279 = tpu.memref_slice %arg11[%dma_wait3A_276, %dma_wait3A_277, %dma_wait3A_278] : memref<4x128x64xf32, #tpu.memory_space<vmem>> -> memref<1x128x64xf32, #tpu.memory_space<vmem>>
      %dma_wait3A_280 = tpu.memref_squeeze %dma_wait3A_279 : memref<1x128x64xf32, #tpu.memory_space<vmem>> -> memref<128x64xf32, #tpu.memory_space<vmem>>
      %dma_wait3A_281 = tpu.memref_slice %arg7[%multiple_of3A_275] : memref<20000xi32, #tpu.memory_space<vmem>> -> memref<128xi32, #tpu.memory_space<vmem>>
      %dma_wait3A_282 = arith.constant 0 : i32
      %dma_wait3A_283 = arith.constant 0 : i32
      %dma_wait3A_284 = tpu.memref_slice %arg3[%dma_wait3A_282, %dma_wait3A_283] : memref<10000x64xf32, #tpu.memory_space<hbm>> -> memref<10000x64xf32, #tpu.memory_space<hbm>>
      tpu.wait_indirect_dma semaphore(%arg17 : memref<!tpu.dma_semaphore, #tpu.memory_space<semaphore_mem>>) src(%dma_wait3A_284 : memref<10000x64xf32, #tpu.memory_space<hbm>>) dst(%dma_wait3A_280 : memref<128x64xf32, #tpu.memory_space<vmem>>)
      %add3A_285 = arith.constant 0 : i32
      %add3A_286 = arith.addi %mul3A_261, %add3A_285 : i32
      %mul3A_287 = arith.constant 128 : i32
      %mul3A_288 = arith.muli %add3A_286, %mul3A_287 : i32
      %multiple_of3A_289 = tpu.assume_multiple %mul3A_288, 8 : i32
      %add3A_290 = arith.constant 0 : i32
      %add3A_291 = arith.addi %multiple_of3A_289, %add3A_290 : i32
      %get3A_292 = arith.index_cast %add3A_291 : i32 to index
      %get3A_293 = tpu.vector_load %arg8[%get3A_292] {strides = array<i32>} : memref<20000xi32, #tpu.memory_space<vmem>>, vector<16xi32>,
      %get3A_294 = vector.shape_cast %get3A_293 : vector<16xi32> to vector<16xi32>
      %swap3A_295 = arith.constant 0 : i32
      %swap3A_296 = arith.index_cast %swap3A_295 : i32 to index
      %swap3A_297 = arith.constant 0 : index
      %swap3A_298 = tpu.vector_load %arg9[%swap3A_296, %swap3A_297] {strides = array<i32>} : memref<4x128xi32, #tpu.memory_space<vmem>>, vector<1x16xi32>,
      %swap3A_299 = vector.shape_cast %swap3A_298 : vector<1x16xi32> to vector<16xi32>
      %swap3A_300 = vector.shape_cast %get3A_294 : vector<16xi32> to vector<1x16xi32>
      tpu.vector_store %arg9[%swap3A_296, %swap3A_297], %swap3A_300 {strides = array<i32>} : memref<4x128xi32, #tpu.memory_space<vmem>>, vector<1x16xi32>,
      %add3A_301 = arith.constant 16 : i32
      %add3A_302 = arith.addi %multiple_of3A_289, %add3A_301 : i32
      %get3A_303 = arith.index_cast %add3A_302 : i32 to index
      %get3A_304 = tpu.vector_load %arg8[%get3A_303] {strides = array<i32>} : memref<20000xi32, #tpu.memory_space<vmem>>, vector<16xi32>,
      %get3A_305 = vector.shape_cast %get3A_304 : vector<16xi32> to vector<16xi32>
      %swap3A_306 = arith.constant 0 : i32
      %swap3A_307 = arith.index_cast %swap3A_306 : i32 to index
      %swap3A_308 = arith.constant 16 : index
      %swap3A_309 = tpu.vector_load %arg9[%swap3A_307, %swap3A_308] {strides = array<i32>} : memref<4x128xi32, #tpu.memory_space<vmem>>, vector<1x16xi32>,
      %swap3A_310 = vector.shape_cast %swap3A_309 : vector<1x16xi32> to vector<16xi32>
      %swap3A_311 = vector.shape_cast %get3A_305 : vector<16xi32> to vector<1x16xi32>
      tpu.vector_store %arg9[%swap3A_307, %swap3A_308], %swap3A_311 {strides = array<i32>} : memref<4x128xi32, #tpu.memory_space<vmem>>, vector<1x16xi32>,
      %add3A_312 = arith.constant 32 : i32
      %add3A_313 = arith.addi %multiple_of3A_289, %add3A_312 : i32
      %get3A_314 = arith.index_cast %add3A_313 : i32 to index
      %get3A_315 = tpu.vector_load %arg8[%get3A_314] {strides = array<i32>} : memref<20000xi32, #tpu.memory_space<vmem>>, vector<16xi32>,
      %get3A_316 = vector.shape_cast %get3A_315 : vector<16xi32> to vector<16xi32>
      %swap3A_317 = arith.constant 0 : i32
      %swap3A_318 = arith.index_cast %swap3A_317 : i32 to index
      %swap3A_319 = arith.constant 32 : index
      %swap3A_320 = tpu.vector_load %arg9[%swap3A_318, %swap3A_319] {strides = array<i32>} : memref<4x128xi32, #tpu.memory_space<vmem>>, vector<1x16xi32>,
      %swap3A_321 = vector.shape_cast %swap3A_320 : vector<1x16xi32> to vector<16xi32>
      %swap3A_322 = vector.shape_cast %get3A_316 : vector<16xi32> to vector<1x16xi32>
      tpu.vector_store %arg9[%swap3A_318, %swap3A_319], %swap3A_322 {strides = array<i32>} : memref<4x128xi32, #tpu.memory_space<vmem>>, vector<1x16xi32>,
      %add3A_323 = arith.constant 48 : i32
      %add3A_324 = arith.addi %multiple_of3A_289, %add3A_323 : i32
      %get3A_325 = arith.index_cast %add3A_324 : i32 to index
      %get3A_326 = tpu.vector_load %arg8[%get3A_325] {strides = array<i32>} : memref<20000xi32, #tpu.memory_space<vmem>>, vector<16xi32>,
      %get3A_327 = vector.shape_cast %get3A_326 : vector<16xi32> to vector<16xi32>
      %swap3A_328 = arith.constant 0 : i32
      %swap3A_329 = arith.index_cast %swap3A_328 : i32 to index
      %swap3A_330 = arith.constant 48 : index
      %swap3A_331 = tpu.vector_load %arg9[%swap3A_329, %swap3A_330] {strides = array<i32>} : memref<4x128xi32, #tpu.memory_space<vmem>>, vector<1x16xi32>,
      %swap3A_332 = vector.shape_cast %swap3A_331 : vector<1x16xi32> to vector<16xi32>
      %swap3A_333 = vector.shape_cast %get3A_327 : vector<16xi32> to vector<1x16xi32>
      tpu.vector_store %arg9[%swap3A_329, %swap3A_330], %swap3A_333 {strides = array<i32>} : memref<4x128xi32, #tpu.memory_space<vmem>>, vector<1x16xi32>,
      %add3A_334 = arith.constant 64 : i32
      %add3A_335 = arith.addi %multiple_of3A_289, %add3A_334 : i32
      %get3A_336 = arith.index_cast %add3A_335 : i32 to index
      %get3A_337 = tpu.vector_load %arg8[%get3A_336] {strides = array<i32>} : memref<20000xi32, #tpu.memory_space<vmem>>, vector<16xi32>,
      %get3A_338 = vector.shape_cast %get3A_337 : vector<16xi32> to vector<16xi32>
      %swap3A_339 = arith.constant 0 : i32
      %swap3A_340 = arith.index_cast %swap3A_339 : i32 to index
      %swap3A_341 = arith.constant 64 : index
      %swap3A_342 = tpu.vector_load %arg9[%swap3A_340, %swap3A_341] {strides = array<i32>} : memref<4x128xi32, #tpu.memory_space<vmem>>, vector<1x16xi32>,
      %swap3A_343 = vector.shape_cast %swap3A_342 : vector<1x16xi32> to vector<16xi32>
      %swap3A_344 = vector.shape_cast %get3A_338 : vector<16xi32> to vector<1x16xi32>
      tpu.vector_store %arg9[%swap3A_340, %swap3A_341], %swap3A_344 {strides = array<i32>} : memref<4x128xi32, #tpu.memory_space<vmem>>, vector<1x16xi32>,
      %add3A_345 = arith.constant 80 : i32
      %add3A_346 = arith.addi %multiple_of3A_289, %add3A_345 : i32
      %get3A_347 = arith.index_cast %add3A_346 : i32 to index
      %get3A_348 = tpu.vector_load %arg8[%get3A_347] {strides = array<i32>} : memref<20000xi32, #tpu.memory_space<vmem>>, vector<16xi32>,
      %get3A_349 = vector.shape_cast %get3A_348 : vector<16xi32> to vector<16xi32>
      %swap3A_350 = arith.constant 0 : i32
      %swap3A_351 = arith.index_cast %swap3A_350 : i32 to index
      %swap3A_352 = arith.constant 80 : index
      %swap3A_353 = tpu.vector_load %arg9[%swap3A_351, %swap3A_352] {strides = array<i32>} : memref<4x128xi32, #tpu.memory_space<vmem>>, vector<1x16xi32>,
      %swap3A_354 = vector.shape_cast %swap3A_353 : vector<1x16xi32> to vector<16xi32>
      %swap3A_355 = vector.shape_cast %get3A_349 : vector<16xi32> to vector<1x16xi32>
      tpu.vector_store %arg9[%swap3A_351, %swap3A_352], %swap3A_355 {strides = array<i32>} : memref<4x128xi32, #tpu.memory_space<vmem>>, vector<1x16xi32>,
      %add3A_356 = arith.constant 96 : i32
      %add3A_357 = arith.addi %multiple_of3A_289, %add3A_356 : i32
      %get3A_358 = arith.index_cast %add3A_357 : i32 to index
      %get3A_359 = tpu.vector_load %arg8[%get3A_358] {strides = array<i32>} : memref<20000xi32, #tpu.memory_space<vmem>>, vector<16xi32>,
      %get3A_360 = vector.shape_cast %get3A_359 : vector<16xi32> to vector<16xi32>
      %swap3A_361 = arith.constant 0 : i32
      %swap3A_362 = arith.index_cast %swap3A_361 : i32 to index
      %swap3A_363 = arith.constant 96 : index
      %swap3A_364 = tpu.vector_load %arg9[%swap3A_362, %swap3A_363] {strides = array<i32>} : memref<4x128xi32, #tpu.memory_space<vmem>>, vector<1x16xi32>,
      %swap3A_365 = vector.shape_cast %swap3A_364 : vector<1x16xi32> to vector<16xi32>
      %swap3A_366 = vector.shape_cast %get3A_360 : vector<16xi32> to vector<1x16xi32>
      tpu.vector_store %arg9[%swap3A_362, %swap3A_363], %swap3A_366 {strides = array<i32>} : memref<4x128xi32, #tpu.memory_space<vmem>>, vector<1x16xi32>,
      %add3A_367 = arith.constant 112 : i32
      %add3A_368 = arith.addi %multiple_of3A_289, %add3A_367 : i32
      %get3A_369 = arith.index_cast %add3A_368 : i32 to index
      %get3A_370 = tpu.vector_load %arg8[%get3A_369] {strides = array<i32>} : memref<20000xi32, #tpu.memory_space<vmem>>, vector<16xi32>,
      %get3A_371 = vector.shape_cast %get3A_370 : vector<16xi32> to vector<16xi32>
      %swap3A_372 = arith.constant 0 : i32
      %swap3A_373 = arith.index_cast %swap3A_372 : i32 to index
      %swap3A_374 = arith.constant 112 : index
      %swap3A_375 = tpu.vector_load %arg9[%swap3A_373, %swap3A_374] {strides = array<i32>} : memref<4x128xi32, #tpu.memory_space<vmem>>, vector<1x16xi32>,
      %swap3A_376 = vector.shape_cast %swap3A_375 : vector<1x16xi32> to vector<16xi32>
      %swap3A_377 = vector.shape_cast %get3A_371 : vector<16xi32> to vector<1x16xi32>
      tpu.vector_store %arg9[%swap3A_373, %swap3A_374], %swap3A_377 {strides = array<i32>} : memref<4x128xi32, #tpu.memory_space<vmem>>, vector<1x16xi32>,
      %dma_start3A_378 = arith.constant 0 : i32
      %dma_start3A_379 = arith.constant 0 : i32
      %dma_start3A_380 = arith.constant 0 : i32
      %dma_start3A_381 = arith.constant 0 : i32
      %dma_start3A_382 = tpu.memref_slice %arg11[%dma_start3A_378, %dma_start3A_380, %dma_start3A_381] : memref<4x128x64xf32, #tpu.memory_space<vmem>> -> memref<1x128x64xf32, #tpu.memory_space<vmem>>
      %dma_start3A_383 = tpu.memref_squeeze %dma_start3A_382 : memref<1x128x64xf32, #tpu.memory_space<vmem>> -> memref<128x64xf32, #tpu.memory_space<vmem>>
      %dma_start3A_384 = arith.constant 0 : i32
      %dma_start3A_385 = tpu.memref_slice %arg9[%dma_start3A_379, %dma_start3A_384] : memref<4x128xi32, #tpu.memory_space<vmem>> -> memref<1x128xi32, #tpu.memory_space<vmem>>
      %dma_start3A_386 = tpu.memref_squeeze %dma_start3A_385 : memref<1x128xi32, #tpu.memory_space<vmem>> -> memref<128xi32, #tpu.memory_space<vmem>>
      %dma_start3A_387 = arith.constant 0 : i32
      %dma_start3A_388 = arith.constant 0 : i32
      %dma_start3A_389 = tpu.memref_slice %arg16[%dma_start3A_387, %dma_start3A_388] : memref<10000x64xf32, #tpu.memory_space<vmem_shared>> -> memref<10000x64xf32, #tpu.memory_space<vmem_shared>>
      tpu.enqueue_indirect_dma source(%dma_start3A_383 : memref<128x64xf32, #tpu.memory_space<vmem>>) target(%dma_start3A_389 : memref<10000x64xf32, #tpu.memory_space<vmem_shared>>) offsets(%dma_start3A_386 : memref<128xi32, #tpu.memory_space<vmem>>) semaphore(%arg21 : memref<!tpu.dma_semaphore, #tpu.memory_space<semaphore_mem>>) {add = true}
      %add3A_390 = arith.constant 1 : i32
      %add3A_391 = arith.addi %mul3A_261, %add3A_390 : i32
      %add3A_392 = arith.constant 3 : i32
      %add3A_393 = arith.addi %add3A_391, %add3A_392 : i32
      %lt3A_394 = arith.constant 156 : i32
      %lt3A_395 = arith.cmpi slt, %add3A_393, %lt3A_394 : i32
      %convert_element_type3A_396 = arith.extui %lt3A_395 : i1 to i32
      %cond3A_397 = arith.constant 0 : i32
      %cond3A_398 = arith.cmpi ne, %convert_element_type3A_396, %cond3A_397 : i32
      scf.if %cond3A_398 {
        %ge3A = arith.constant 4 : i32
        %ge3A_774 = arith.cmpi sge, %add3A_393, %ge3A : i32
        %convert_element_type3A_775 = arith.extui %ge3A_774 : i1 to i32
        %cond3A_776 = arith.constant 0 : i32
        %cond3A_777 = arith.cmpi ne, %convert_element_type3A_775, %cond3A_776 : i32
        scf.if %cond3A_777 {
          %dma_wait3A_791 = arith.constant 0 : i32
          %dma_wait3A_792 = arith.constant 0 : i32
          %dma_wait3A_793 = arith.constant 0 : i32
          %dma_wait3A_794 = arith.constant 0 : i32
          %dma_wait3A_795 = tpu.memref_slice %arg11[%dma_wait3A_791, %dma_wait3A_793, %dma_wait3A_794] : memref<4x128x64xf32, #tpu.memory_space<vmem>> -> memref<1x128x64xf32, #tpu.memory_space<vmem>>
          %dma_wait3A_796 = tpu.memref_squeeze %dma_wait3A_795 : memref<1x128x64xf32, #tpu.memory_space<vmem>> -> memref<128x64xf32, #tpu.memory_space<vmem>>
          %dma_wait3A_797 = arith.constant 0 : i32
          %dma_wait3A_798 = tpu.memref_slice %arg9[%dma_wait3A_792, %dma_wait3A_797] : memref<4x128xi32, #tpu.memory_space<vmem>> -> memref<1x128xi32, #tpu.memory_space<vmem>>
          %dma_wait3A_799 = tpu.memref_squeeze %dma_wait3A_798 : memref<1x128xi32, #tpu.memory_space<vmem>> -> memref<128xi32, #tpu.memory_space<vmem>>
          %dma_wait3A_800 = arith.constant 0 : i32
          %dma_wait3A_801 = arith.constant 0 : i32
          %dma_wait3A_802 = tpu.memref_slice %arg16[%dma_wait3A_800, %dma_wait3A_801] : memref<10000x64xf32, #tpu.memory_space<vmem_shared>> -> memref<10000x64xf32, #tpu.memory_space<vmem_shared>>
          tpu.wait_indirect_dma semaphore(%arg21 : memref<!tpu.dma_semaphore, #tpu.memory_space<semaphore_mem>>) src(%dma_wait3A_796 : memref<128x64xf32, #tpu.memory_space<vmem>>) dst(%dma_wait3A_802 : memref<10000x64xf32, #tpu.memory_space<vmem_shared>>)
        } else {
        }
        %mul3A_778 = arith.constant 128 : i32
        %mul3A_779 = arith.muli %add3A_393, %mul3A_778 : i32
        %multiple_of3A_780 = tpu.assume_multiple %mul3A_779, 8 : i32
        %eq3A_781 = arith.constant 0 : i32
        %eq3A_782 = arith.cmpi eq, %arg0, %eq3A_781 : i32
        %convert_element_type3A_783 = arith.extui %eq3A_782 : i1 to i32
        %cond3A_784 = arith.constant 0 : i32
        %cond3A_785 = arith.cmpi ne, %convert_element_type3A_783, %cond3A_784 : i32
        scf.if %cond3A_785 {
          %dma_start3A_791 = arith.constant 0 : i32
          %dma_start3A_792 = arith.constant 0 : i32
          %dma_start3A_793 = arith.constant 0 : i32
          %dma_start3A_794 = tpu.memref_slice %arg11[%dma_start3A_791, %dma_start3A_792, %dma_start3A_793] : memref<4x128x64xf32, #tpu.memory_space<vmem>> -> memref<1x128x64xf32, #tpu.memory_space<vmem>>
          %dma_start3A_795 = tpu.memref_squeeze %dma_start3A_794 : memref<1x128x64xf32, #tpu.memory_space<vmem>> -> memref<128x64xf32, #tpu.memory_space<vmem>>
          %dma_start3A_796 = tpu.memref_slice %arg7[%multiple_of3A_780] : memref<20000xi32, #tpu.memory_space<vmem>> -> memref<128xi32, #tpu.memory_space<vmem>>
          %dma_start3A_797 = arith.constant 0 : i32
          %dma_start3A_798 = arith.constant 0 : i32
          %dma_start3A_799 = tpu.memref_slice %arg3[%dma_start3A_797, %dma_start3A_798] : memref<10000x64xf32, #tpu.memory_space<hbm>> -> memref<10000x64xf32, #tpu.memory_space<hbm>>
          tpu.enqueue_indirect_dma source(%dma_start3A_799 : memref<10000x64xf32, #tpu.memory_space<hbm>>) target(%dma_start3A_795 : memref<128x64xf32, #tpu.memory_space<vmem>>) offsets(%dma_start3A_796 : memref<128xi32, #tpu.memory_space<vmem>>) semaphore(%arg17 : memref<!tpu.dma_semaphore, #tpu.memory_space<semaphore_mem>>)
        } else {
        }
        %eq3A_786 = arith.constant 1 : i32
        %eq3A_787 = arith.cmpi eq, %arg0, %eq3A_786 : i32
        %convert_element_type3A_788 = arith.extui %eq3A_787 : i1 to i32
        %cond3A_789 = arith.constant 0 : i32
        %cond3A_790 = arith.cmpi ne, %convert_element_type3A_788, %cond3A_789 : i32
        scf.if %cond3A_790 {
          %dma_start3A_791 = arith.constant 0 : i32
          %dma_start3A_792 = arith.constant 0 : i32
          %dma_start3A_793 = arith.constant 0 : i32
          %dma_start3A_794 = tpu.memref_slice %arg11[%dma_start3A_791, %dma_start3A_792, %dma_start3A_793] : memref<4x128x64xf32, #tpu.memory_space<vmem>> -> memref<1x128x64xf32, #tpu.memory_space<vmem>>
          %dma_start3A_795 = tpu.memref_squeeze %dma_start3A_794 : memref<1x128x64xf32, #tpu.memory_space<vmem>> -> memref<128x64xf32, #tpu.memory_space<vmem>>
          %dma_start3A_796 = tpu.memref_slice %arg7[%multiple_of3A_780] : memref<20000xi32, #tpu.memory_space<vmem>> -> memref<128xi32, #tpu.memory_space<vmem>>
          %dma_start3A_797 = arith.constant 0 : i32
          %dma_start3A_798 = arith.constant 0 : i32
          %dma_start3A_799 = tpu.memref_slice %arg4[%dma_start3A_797, %dma_start3A_798] : memref<10000x64xf32, #tpu.memory_space<hbm>> -> memref<10000x64xf32, #tpu.memory_space<hbm>>
          tpu.enqueue_indirect_dma source(%dma_start3A_799 : memref<10000x64xf32, #tpu.memory_space<hbm>>) target(%dma_start3A_795 : memref<128x64xf32, #tpu.memory_space<vmem>>) offsets(%dma_start3A_796 : memref<128xi32, #tpu.memory_space<vmem>>) semaphore(%arg17 : memref<!tpu.dma_semaphore, #tpu.memory_space<semaphore_mem>>)
        } else {
        }
      } else {
      }
      %add3A_399 = arith.constant 1 : i32
      %add3A_400 = arith.addi %mul3A_261, %add3A_399 : i32
      %mul3A_401 = arith.constant 128 : i32
      %mul3A_402 = arith.muli %add3A_400, %mul3A_401 : i32
      %multiple_of3A_403 = tpu.assume_multiple %mul3A_402, 8 : i32
      %dma_wait3A_404 = arith.constant 1 : i32
      %dma_wait3A_405 = arith.constant 0 : i32
      %dma_wait3A_406 = arith.constant 0 : i32
      %dma_wait3A_407 = tpu.memref_slice %arg11[%dma_wait3A_404, %dma_wait3A_405, %dma_wait3A_406] : memref<4x128x64xf32, #tpu.memory_space<vmem>> -> memref<1x128x64xf32, #tpu.memory_space<vmem>>
      %dma_wait3A_408 = tpu.memref_squeeze %dma_wait3A_407 : memref<1x128x64xf32, #tpu.memory_space<vmem>> -> memref<128x64xf32, #tpu.memory_space<vmem>>
      %dma_wait3A_409 = tpu.memref_slice %arg7[%multiple_of3A_403] : memref<20000xi32, #tpu.memory_space<vmem>> -> memref<128xi32, #tpu.memory_space<vmem>>
      %dma_wait3A_410 = arith.constant 0 : i32
      %dma_wait3A_411 = arith.constant 0 : i32
      %dma_wait3A_412 = tpu.memref_slice %arg3[%dma_wait3A_410, %dma_wait3A_411] : memref<10000x64xf32, #tpu.memory_space<hbm>> -> memref<10000x64xf32, #tpu.memory_space<hbm>>
      tpu.wait_indirect_dma semaphore(%arg18 : memref<!tpu.dma_semaphore, #tpu.memory_space<semaphore_mem>>) src(%dma_wait3A_412 : memref<10000x64xf32, #tpu.memory_space<hbm>>) dst(%dma_wait3A_408 : memref<128x64xf32, #tpu.memory_space<vmem>>)
      %add3A_413 = arith.constant 1 : i32
      %add3A_414 = arith.addi %mul3A_261, %add3A_413 : i32
      %mul3A_415 = arith.constant 128 : i32
      %mul3A_416 = arith.muli %add3A_414, %mul3A_415 : i32
      %multiple_of3A_417 = tpu.assume_multiple %mul3A_416, 8 : i32
      %add3A_418 = arith.constant 0 : i32
      %add3A_419 = arith.addi %multiple_of3A_417, %add3A_418 : i32
      %get3A_420 = arith.index_cast %add3A_419 : i32 to index
      %get3A_421 = tpu.vector_load %arg8[%get3A_420] {strides = array<i32>} : memref<20000xi32, #tpu.memory_space<vmem>>, vector<16xi32>,
      %get3A_422 = vector.shape_cast %get3A_421 : vector<16xi32> to vector<16xi32>
      %swap3A_423 = arith.constant 1 : i32
      %swap3A_424 = arith.index_cast %swap3A_423 : i32 to index
      %swap3A_425 = arith.constant 0 : index
      %swap3A_426 = tpu.vector_load %arg9[%swap3A_424, %swap3A_425] {strides = array<i32>} : memref<4x128xi32, #tpu.memory_space<vmem>>, vector<1x16xi32>,
      %swap3A_427 = vector.shape_cast %swap3A_426 : vector<1x16xi32> to vector<16xi32>
      %swap3A_428 = vector.shape_cast %get3A_422 : vector<16xi32> to vector<1x16xi32>
      tpu.vector_store %arg9[%swap3A_424, %swap3A_425], %swap3A_428 {strides = array<i32>} : memref<4x128xi32, #tpu.memory_space<vmem>>, vector<1x16xi32>,
      %add3A_429 = arith.constant 16 : i32
      %add3A_430 = arith.addi %multiple_of3A_417, %add3A_429 : i32
      %get3A_431 = arith.index_cast %add3A_430 : i32 to index
      %get3A_432 = tpu.vector_load %arg8[%get3A_431] {strides = array<i32>} : memref<20000xi32, #tpu.memory_space<vmem>>, vector<16xi32>,
      %get3A_433 = vector.shape_cast %get3A_432 : vector<16xi32> to vector<16xi32>
      %swap3A_434 = arith.constant 1 : i32
      %swap3A_435 = arith.index_cast %swap3A_434 : i32 to index
      %swap3A_436 = arith.constant 16 : index
      %swap3A_437 = tpu.vector_load %arg9[%swap3A_435, %swap3A_436] {strides = array<i32>} : memref<4x128xi32, #tpu.memory_space<vmem>>, vector<1x16xi32>,
      %swap3A_438 = vector.shape_cast %swap3A_437 : vector<1x16xi32> to vector<16xi32>
      %swap3A_439 = vector.shape_cast %get3A_433 : vector<16xi32> to vector<1x16xi32>
      tpu.vector_store %arg9[%swap3A_435, %swap3A_436], %swap3A_439 {strides = array<i32>} : memref<4x128xi32, #tpu.memory_space<vmem>>, vector<1x16xi32>,
      %add3A_440 = arith.constant 32 : i32
      %add3A_441 = arith.addi %multiple_of3A_417, %add3A_440 : i32
      %get3A_442 = arith.index_cast %add3A_441 : i32 to index
      %get3A_443 = tpu.vector_load %arg8[%get3A_442] {strides = array<i32>} : memref<20000xi32, #tpu.memory_space<vmem>>, vector<16xi32>,
      %get3A_444 = vector.shape_cast %get3A_443 : vector<16xi32> to vector<16xi32>
      %swap3A_445 = arith.constant 1 : i32
      %swap3A_446 = arith.index_cast %swap3A_445 : i32 to index
      %swap3A_447 = arith.constant 32 : index
      %swap3A_448 = tpu.vector_load %arg9[%swap3A_446, %swap3A_447] {strides = array<i32>} : memref<4x128xi32, #tpu.memory_space<vmem>>, vector<1x16xi32>,
      %swap3A_449 = vector.shape_cast %swap3A_448 : vector<1x16xi32> to vector<16xi32>
      %swap3A_450 = vector.shape_cast %get3A_444 : vector<16xi32> to vector<1x16xi32>
      tpu.vector_store %arg9[%swap3A_446, %swap3A_447], %swap3A_450 {strides = array<i32>} : memref<4x128xi32, #tpu.memory_space<vmem>>, vector<1x16xi32>,
      %add3A_451 = arith.constant 48 : i32
      %add3A_452 = arith.addi %multiple_of3A_417, %add3A_451 : i32
      %get3A_453 = arith.index_cast %add3A_452 : i32 to index
      %get3A_454 = tpu.vector_load %arg8[%get3A_453] {strides = array<i32>} : memref<20000xi32, #tpu.memory_space<vmem>>, vector<16xi32>,
      %get3A_455 = vector.shape_cast %get3A_454 : vector<16xi32> to vector<16xi32>
      %swap3A_456 = arith.constant 1 : i32
      %swap3A_457 = arith.index_cast %swap3A_456 : i32 to index
      %swap3A_458 = arith.constant 48 : index
      %swap3A_459 = tpu.vector_load %arg9[%swap3A_457, %swap3A_458] {strides = array<i32>} : memref<4x128xi32, #tpu.memory_space<vmem>>, vector<1x16xi32>,
      %swap3A_460 = vector.shape_cast %swap3A_459 : vector<1x16xi32> to vector<16xi32>
      %swap3A_461 = vector.shape_cast %get3A_455 : vector<16xi32> to vector<1x16xi32>
      tpu.vector_store %arg9[%swap3A_457, %swap3A_458], %swap3A_461 {strides = array<i32>} : memref<4x128xi32, #tpu.memory_space<vmem>>, vector<1x16xi32>,
      %add3A_462 = arith.constant 64 : i32
      %add3A_463 = arith.addi %multiple_of3A_417, %add3A_462 : i32
      %get3A_464 = arith.index_cast %add3A_463 : i32 to index
      %get3A_465 = tpu.vector_load %arg8[%get3A_464] {strides = array<i32>} : memref<20000xi32, #tpu.memory_space<vmem>>, vector<16xi32>,
      %get3A_466 = vector.shape_cast %get3A_465 : vector<16xi32> to vector<16xi32>
      %swap3A_467 = arith.constant 1 : i32
      %swap3A_468 = arith.index_cast %swap3A_467 : i32 to index
      %swap3A_469 = arith.constant 64 : index
      %swap3A_470 = tpu.vector_load %arg9[%swap3A_468, %swap3A_469] {strides = array<i32>} : memref<4x128xi32, #tpu.memory_space<vmem>>, vector<1x16xi32>,
      %swap3A_471 = vector.shape_cast %swap3A_470 : vector<1x16xi32> to vector<16xi32>
      %swap3A_472 = vector.shape_cast %get3A_466 : vector<16xi32> to vector<1x16xi32>
      tpu.vector_store %arg9[%swap3A_468, %swap3A_469], %swap3A_472 {strides = array<i32>} : memref<4x128xi32, #tpu.memory_space<vmem>>, vector<1x16xi32>,
      %add3A_473 = arith.constant 80 : i32
      %add3A_474 = arith.addi %multiple_of3A_417, %add3A_473 : i32
      %get3A_475 = arith.index_cast %add3A_474 : i32 to index
      %get3A_476 = tpu.vector_load %arg8[%get3A_475] {strides = array<i32>} : memref<20000xi32, #tpu.memory_space<vmem>>, vector<16xi32>,
      %get3A_477 = vector.shape_cast %get3A_476 : vector<16xi32> to vector<16xi32>
      %swap3A_478 = arith.constant 1 : i32
      %swap3A_479 = arith.index_cast %swap3A_478 : i32 to index
      %swap3A_480 = arith.constant 80 : index
      %swap3A_481 = tpu.vector_load %arg9[%swap3A_479, %swap3A_480] {strides = array<i32>} : memref<4x128xi32, #tpu.memory_space<vmem>>, vector<1x16xi32>,
      %swap3A_482 = vector.shape_cast %swap3A_481 : vector<1x16xi32> to vector<16xi32>
      %swap3A_483 = vector.shape_cast %get3A_477 : vector<16xi32> to vector<1x16xi32>
      tpu.vector_store %arg9[%swap3A_479, %swap3A_480], %swap3A_483 {strides = array<i32>} : memref<4x128xi32, #tpu.memory_space<vmem>>, vector<1x16xi32>,
      %add3A_484 = arith.constant 96 : i32
      %add3A_485 = arith.addi %multiple_of3A_417, %add3A_484 : i32
      %get3A_486 = arith.index_cast %add3A_485 : i32 to index
      %get3A_487 = tpu.vector_load %arg8[%get3A_486] {strides = array<i32>} : memref<20000xi32, #tpu.memory_space<vmem>>, vector<16xi32>,
      %get3A_488 = vector.shape_cast %get3A_487 : vector<16xi32> to vector<16xi32>
      %swap3A_489 = arith.constant 1 : i32
      %swap3A_490 = arith.index_cast %swap3A_489 : i32 to index
      %swap3A_491 = arith.constant 96 : index
      %swap3A_492 = tpu.vector_load %arg9[%swap3A_490, %swap3A_491] {strides = array<i32>} : memref<4x128xi32, #tpu.memory_space<vmem>>, vector<1x16xi32>,
      %swap3A_493 = vector.shape_cast %swap3A_492 : vector<1x16xi32> to vector<16xi32>
      %swap3A_494 = vector.shape_cast %get3A_488 : vector<16xi32> to vector<1x16xi32>
      tpu.vector_store %arg9[%swap3A_490, %swap3A_491], %swap3A_494 {strides = array<i32>} : memref<4x128xi32, #tpu.memory_space<vmem>>, vector<1x16xi32>,
      %add3A_495 = arith.constant 112 : i32
      %add3A_496 = arith.addi %multiple_of3A_417, %add3A_495 : i32
      %get3A_497 = arith.index_cast %add3A_496 : i32 to index
      %get3A_498 = tpu.vector_load %arg8[%get3A_497] {strides = array<i32>} : memref<20000xi32, #tpu.memory_space<vmem>>, vector<16xi32>,
      %get3A_499 = vector.shape_cast %get3A_498 : vector<16xi32> to vector<16xi32>
      %swap3A_500 = arith.constant 1 : i32
      %swap3A_501 = arith.index_cast %swap3A_500 : i32 to index
      %swap3A_502 = arith.constant 112 : index
      %swap3A_503 = tpu.vector_load %arg9[%swap3A_501, %swap3A_502] {strides = array<i32>} : memref<4x128xi32, #tpu.memory_space<vmem>>, vector<1x16xi32>,
      %swap3A_504 = vector.shape_cast %swap3A_503 : vector<1x16xi32> to vector<16xi32>
      %swap3A_505 = vector.shape_cast %get3A_499 : vector<16xi32> to vector<1x16xi32>
      tpu.vector_store %arg9[%swap3A_501, %swap3A_502], %swap3A_505 {strides = array<i32>} : memref<4x128xi32, #tpu.memory_space<vmem>>, vector<1x16xi32>,
      %dma_start3A_506 = arith.constant 1 : i32
      %dma_start3A_507 = arith.constant 1 : i32
      %dma_start3A_508 = arith.constant 0 : i32
      %dma_start3A_509 = arith.constant 0 : i32
      %dma_start3A_510 = tpu.memref_slice %arg11[%dma_start3A_506, %dma_start3A_508, %dma_start3A_509] : memref<4x128x64xf32, #tpu.memory_space<vmem>> -> memref<1x128x64xf32, #tpu.memory_space<vmem>>
      %dma_start3A_511 = tpu.memref_squeeze %dma_start3A_510 : memref<1x128x64xf32, #tpu.memory_space<vmem>> -> memref<128x64xf32, #tpu.memory_space<vmem>>
      %dma_start3A_512 = arith.constant 0 : i32
      %dma_start3A_513 = tpu.memref_slice %arg9[%dma_start3A_507, %dma_start3A_512] : memref<4x128xi32, #tpu.memory_space<vmem>> -> memref<1x128xi32, #tpu.memory_space<vmem>>
      %dma_start3A_514 = tpu.memref_squeeze %dma_start3A_513 : memref<1x128xi32, #tpu.memory_space<vmem>> -> memref<128xi32, #tpu.memory_space<vmem>>
      %dma_start3A_515 = arith.constant 0 : i32
      %dma_start3A_516 = arith.constant 0 : i32
      %dma_start3A_517 = tpu.memref_slice %arg16[%dma_start3A_515, %dma_start3A_516] : memref<10000x64xf32, #tpu.memory_space<vmem_shared>> -> memref<10000x64xf32, #tpu.memory_space<vmem_shared>>
      tpu.enqueue_indirect_dma source(%dma_start3A_511 : memref<128x64xf32, #tpu.memory_space<vmem>>) target(%dma_start3A_517 : memref<10000x64xf32, #tpu.memory_space<vmem_shared>>) offsets(%dma_start3A_514 : memref<128xi32, #tpu.memory_space<vmem>>) semaphore(%arg22 : memref<!tpu.dma_semaphore, #tpu.memory_space<semaphore_mem>>) {add = true}
      %add3A_518 = arith.constant 2 : i32
      %add3A_519 = arith.addi %mul3A_261, %add3A_518 : i32
      %add3A_520 = arith.constant 3 : i32
      %add3A_521 = arith.addi %add3A_519, %add3A_520 : i32
      %lt3A_522 = arith.constant 156 : i32
      %lt3A_523 = arith.cmpi slt, %add3A_521, %lt3A_522 : i32
      %convert_element_type3A_524 = arith.extui %lt3A_523 : i1 to i32
      %cond3A_525 = arith.constant 0 : i32
      %cond3A_526 = arith.cmpi ne, %convert_element_type3A_524, %cond3A_525 : i32
      scf.if %cond3A_526 {
        %ge3A = arith.constant 4 : i32
        %ge3A_774 = arith.cmpi sge, %add3A_521, %ge3A : i32
        %convert_element_type3A_775 = arith.extui %ge3A_774 : i1 to i32
        %cond3A_776 = arith.constant 0 : i32
        %cond3A_777 = arith.cmpi ne, %convert_element_type3A_775, %cond3A_776 : i32
        scf.if %cond3A_777 {
          %dma_wait3A_791 = arith.constant 1 : i32
          %dma_wait3A_792 = arith.constant 1 : i32
          %dma_wait3A_793 = arith.constant 0 : i32
          %dma_wait3A_794 = arith.constant 0 : i32
          %dma_wait3A_795 = tpu.memref_slice %arg11[%dma_wait3A_791, %dma_wait3A_793, %dma_wait3A_794] : memref<4x128x64xf32, #tpu.memory_space<vmem>> -> memref<1x128x64xf32, #tpu.memory_space<vmem>>
          %dma_wait3A_796 = tpu.memref_squeeze %dma_wait3A_795 : memref<1x128x64xf32, #tpu.memory_space<vmem>> -> memref<128x64xf32, #tpu.memory_space<vmem>>
          %dma_wait3A_797 = arith.constant 0 : i32
          %dma_wait3A_798 = tpu.memref_slice %arg9[%dma_wait3A_792, %dma_wait3A_797] : memref<4x128xi32, #tpu.memory_space<vmem>> -> memref<1x128xi32, #tpu.memory_space<vmem>>
          %dma_wait3A_799 = tpu.memref_squeeze %dma_wait3A_798 : memref<1x128xi32, #tpu.memory_space<vmem>> -> memref<128xi32, #tpu.memory_space<vmem>>
          %dma_wait3A_800 = arith.constant 0 : i32
          %dma_wait3A_801 = arith.constant 0 : i32
          %dma_wait3A_802 = tpu.memref_slice %arg16[%dma_wait3A_800, %dma_wait3A_801] : memref<10000x64xf32, #tpu.memory_space<vmem_shared>> -> memref<10000x64xf32, #tpu.memory_space<vmem_shared>>
          tpu.wait_indirect_dma semaphore(%arg22 : memref<!tpu.dma_semaphore, #tpu.memory_space<semaphore_mem>>) src(%dma_wait3A_796 : memref<128x64xf32, #tpu.memory_space<vmem>>) dst(%dma_wait3A_802 : memref<10000x64xf32, #tpu.memory_space<vmem_shared>>)
        } else {
        }
        %mul3A_778 = arith.constant 128 : i32
        %mul3A_779 = arith.muli %add3A_521, %mul3A_778 : i32
        %multiple_of3A_780 = tpu.assume_multiple %mul3A_779, 8 : i32
        %eq3A_781 = arith.constant 0 : i32
        %eq3A_782 = arith.cmpi eq, %arg0, %eq3A_781 : i32
        %convert_element_type3A_783 = arith.extui %eq3A_782 : i1 to i32
        %cond3A_784 = arith.constant 0 : i32
        %cond3A_785 = arith.cmpi ne, %convert_element_type3A_783, %cond3A_784 : i32
        scf.if %cond3A_785 {
          %dma_start3A_791 = arith.constant 1 : i32
          %dma_start3A_792 = arith.constant 0 : i32
          %dma_start3A_793 = arith.constant 0 : i32
          %dma_start3A_794 = tpu.memref_slice %arg11[%dma_start3A_791, %dma_start3A_792, %dma_start3A_793] : memref<4x128x64xf32, #tpu.memory_space<vmem>> -> memref<1x128x64xf32, #tpu.memory_space<vmem>>
          %dma_start3A_795 = tpu.memref_squeeze %dma_start3A_794 : memref<1x128x64xf32, #tpu.memory_space<vmem>> -> memref<128x64xf32, #tpu.memory_space<vmem>>
          %dma_start3A_796 = tpu.memref_slice %arg7[%multiple_of3A_780] : memref<20000xi32, #tpu.memory_space<vmem>> -> memref<128xi32, #tpu.memory_space<vmem>>
          %dma_start3A_797 = arith.constant 0 : i32
          %dma_start3A_798 = arith.constant 0 : i32
          %dma_start3A_799 = tpu.memref_slice %arg3[%dma_start3A_797, %dma_start3A_798] : memref<10000x64xf32, #tpu.memory_space<hbm>> -> memref<10000x64xf32, #tpu.memory_space<hbm>>
          tpu.enqueue_indirect_dma source(%dma_start3A_799 : memref<10000x64xf32, #tpu.memory_space<hbm>>) target(%dma_start3A_795 : memref<128x64xf32, #tpu.memory_space<vmem>>) offsets(%dma_start3A_796 : memref<128xi32, #tpu.memory_space<vmem>>) semaphore(%arg18 : memref<!tpu.dma_semaphore, #tpu.memory_space<semaphore_mem>>)
        } else {
        }
        %eq3A_786 = arith.constant 1 : i32
        %eq3A_787 = arith.cmpi eq, %arg0, %eq3A_786 : i32
        %convert_element_type3A_788 = arith.extui %eq3A_787 : i1 to i32
        %cond3A_789 = arith.constant 0 : i32
        %cond3A_790 = arith.cmpi ne, %convert_element_type3A_788, %cond3A_789 : i32
        scf.if %cond3A_790 {
          %dma_start3A_791 = arith.constant 1 : i32
          %dma_start3A_792 = arith.constant 0 : i32
          %dma_start3A_793 = arith.constant 0 : i32
          %dma_start3A_794 = tpu.memref_slice %arg11[%dma_start3A_791, %dma_start3A_792, %dma_start3A_793] : memref<4x128x64xf32, #tpu.memory_space<vmem>> -> memref<1x128x64xf32, #tpu.memory_space<vmem>>
          %dma_start3A_795 = tpu.memref_squeeze %dma_start3A_794 : memref<1x128x64xf32, #tpu.memory_space<vmem>> -> memref<128x64xf32, #tpu.memory_space<vmem>>
          %dma_start3A_796 = tpu.memref_slice %arg7[%multiple_of3A_780] : memref<20000xi32, #tpu.memory_space<vmem>> -> memref<128xi32, #tpu.memory_space<vmem>>
          %dma_start3A_797 = arith.constant 0 : i32
          %dma_start3A_798 = arith.constant 0 : i32
          %dma_start3A_799 = tpu.memref_slice %arg4[%dma_start3A_797, %dma_start3A_798] : memref<10000x64xf32, #tpu.memory_space<hbm>> -> memref<10000x64xf32, #tpu.memory_space<hbm>>
          tpu.enqueue_indirect_dma source(%dma_start3A_799 : memref<10000x64xf32, #tpu.memory_space<hbm>>) target(%dma_start3A_795 : memref<128x64xf32, #tpu.memory_space<vmem>>) offsets(%dma_start3A_796 : memref<128xi32, #tpu.memory_space<vmem>>) semaphore(%arg18 : memref<!tpu.dma_semaphore, #tpu.memory_space<semaphore_mem>>)
        } else {
        }
      } else {
      }
      %add3A_527 = arith.constant 2 : i32
      %add3A_528 = arith.addi %mul3A_261, %add3A_527 : i32
      %mul3A_529 = arith.constant 128 : i32
      %mul3A_530 = arith.muli %add3A_528, %mul3A_529 : i32
      %multiple_of3A_531 = tpu.assume_multiple %mul3A_530, 8 : i32
      %dma_wait3A_532 = arith.constant 2 : i32
      %dma_wait3A_533 = arith.constant 0 : i32
      %dma_wait3A_534 = arith.constant 0 : i32
      %dma_wait3A_535 = tpu.memref_slice %arg11[%dma_wait3A_532, %dma_wait3A_533, %dma_wait3A_534] : memref<4x128x64xf32, #tpu.memory_space<vmem>> -> memref<1x128x64xf32, #tpu.memory_space<vmem>>
      %dma_wait3A_536 = tpu.memref_squeeze %dma_wait3A_535 : memref<1x128x64xf32, #tpu.memory_space<vmem>> -> memref<128x64xf32, #tpu.memory_space<vmem>>
      %dma_wait3A_537 = tpu.memref_slice %arg7[%multiple_of3A_531] : memref<20000xi32, #tpu.memory_space<vmem>> -> memref<128xi32, #tpu.memory_space<vmem>>
      %dma_wait3A_538 = arith.constant 0 : i32
      %dma_wait3A_539 = arith.constant 0 : i32
      %dma_wait3A_540 = tpu.memref_slice %arg3[%dma_wait3A_538, %dma_wait3A_539] : memref<10000x64xf32, #tpu.memory_space<hbm>> -> memref<10000x64xf32, #tpu.memory_space<hbm>>
      tpu.wait_indirect_dma semaphore(%arg19 : memref<!tpu.dma_semaphore, #tpu.memory_space<semaphore_mem>>) src(%dma_wait3A_540 : memref<10000x64xf32, #tpu.memory_space<hbm>>) dst(%dma_wait3A_536 : memref<128x64xf32, #tpu.memory_space<vmem>>)
      %add3A_541 = arith.constant 2 : i32
      %add3A_542 = arith.addi %mul3A_261, %add3A_541 : i32
      %mul3A_543 = arith.constant 128 : i32
      %mul3A_544 = arith.muli %add3A_542, %mul3A_543 : i32
      %multiple_of3A_545 = tpu.assume_multiple %mul3A_544, 8 : i32
      %add3A_546 = arith.constant 0 : i32
      %add3A_547 = arith.addi %multiple_of3A_545, %add3A_546 : i32
      %get3A_548 = arith.index_cast %add3A_547 : i32 to index
      %get3A_549 = tpu.vector_load %arg8[%get3A_548] {strides = array<i32>} : memref<20000xi32, #tpu.memory_space<vmem>>, vector<16xi32>,
      %get3A_550 = vector.shape_cast %get3A_549 : vector<16xi32> to vector<16xi32>
      %swap3A_551 = arith.constant 2 : i32
      %swap3A_552 = arith.index_cast %swap3A_551 : i32 to index
      %swap3A_553 = arith.constant 0 : index
      %swap3A_554 = tpu.vector_load %arg9[%swap3A_552, %swap3A_553] {strides = array<i32>} : memref<4x128xi32, #tpu.memory_space<vmem>>, vector<1x16xi32>,
      %swap3A_555 = vector.shape_cast %swap3A_554 : vector<1x16xi32> to vector<16xi32>
      %swap3A_556 = vector.shape_cast %get3A_550 : vector<16xi32> to vector<1x16xi32>
      tpu.vector_store %arg9[%swap3A_552, %swap3A_553], %swap3A_556 {strides = array<i32>} : memref<4x128xi32, #tpu.memory_space<vmem>>, vector<1x16xi32>,
      %add3A_557 = arith.constant 16 : i32
      %add3A_558 = arith.addi %multiple_of3A_545, %add3A_557 : i32
      %get3A_559 = arith.index_cast %add3A_558 : i32 to index
      %get3A_560 = tpu.vector_load %arg8[%get3A_559] {strides = array<i32>} : memref<20000xi32, #tpu.memory_space<vmem>>, vector<16xi32>,
      %get3A_561 = vector.shape_cast %get3A_560 : vector<16xi32> to vector<16xi32>
      %swap3A_562 = arith.constant 2 : i32
      %swap3A_563 = arith.index_cast %swap3A_562 : i32 to index
      %swap3A_564 = arith.constant 16 : index
      %swap3A_565 = tpu.vector_load %arg9[%swap3A_563, %swap3A_564] {strides = array<i32>} : memref<4x128xi32, #tpu.memory_space<vmem>>, vector<1x16xi32>,
      %swap3A_566 = vector.shape_cast %swap3A_565 : vector<1x16xi32> to vector<16xi32>
      %swap3A_567 = vector.shape_cast %get3A_561 : vector<16xi32> to vector<1x16xi32>
      tpu.vector_store %arg9[%swap3A_563, %swap3A_564], %swap3A_567 {strides = array<i32>} : memref<4x128xi32, #tpu.memory_space<vmem>>, vector<1x16xi32>,
      %add3A_568 = arith.constant 32 : i32
      %add3A_569 = arith.addi %multiple_of3A_545, %add3A_568 : i32
      %get3A_570 = arith.index_cast %add3A_569 : i32 to index
      %get3A_571 = tpu.vector_load %arg8[%get3A_570] {strides = array<i32>} : memref<20000xi32, #tpu.memory_space<vmem>>, vector<16xi32>,
      %get3A_572 = vector.shape_cast %get3A_571 : vector<16xi32> to vector<16xi32>
      %swap3A_573 = arith.constant 2 : i32
      %swap3A_574 = arith.index_cast %swap3A_573 : i32 to index
      %swap3A_575 = arith.constant 32 : index
      %swap3A_576 = tpu.vector_load %arg9[%swap3A_574, %swap3A_575] {strides = array<i32>} : memref<4x128xi32, #tpu.memory_space<vmem>>, vector<1x16xi32>,
      %swap3A_577 = vector.shape_cast %swap3A_576 : vector<1x16xi32> to vector<16xi32>
      %swap3A_578 = vector.shape_cast %get3A_572 : vector<16xi32> to vector<1x16xi32>
      tpu.vector_store %arg9[%swap3A_574, %swap3A_575], %swap3A_578 {strides = array<i32>} : memref<4x128xi32, #tpu.memory_space<vmem>>, vector<1x16xi32>,
      %add3A_579 = arith.constant 48 : i32
      %add3A_580 = arith.addi %multiple_of3A_545, %add3A_579 : i32
      %get3A_581 = arith.index_cast %add3A_580 : i32 to index
      %get3A_582 = tpu.vector_load %arg8[%get3A_581] {strides = array<i32>} : memref<20000xi32, #tpu.memory_space<vmem>>, vector<16xi32>,
      %get3A_583 = vector.shape_cast %get3A_582 : vector<16xi32> to vector<16xi32>
      %swap3A_584 = arith.constant 2 : i32
      %swap3A_585 = arith.index_cast %swap3A_584 : i32 to index
      %swap3A_586 = arith.constant 48 : index
      %swap3A_587 = tpu.vector_load %arg9[%swap3A_585, %swap3A_586] {strides = array<i32>} : memref<4x128xi32, #tpu.memory_space<vmem>>, vector<1x16xi32>,
      %swap3A_588 = vector.shape_cast %swap3A_587 : vector<1x16xi32> to vector<16xi32>
      %swap3A_589 = vector.shape_cast %get3A_583 : vector<16xi32> to vector<1x16xi32>
      tpu.vector_store %arg9[%swap3A_585, %swap3A_586], %swap3A_589 {strides = array<i32>} : memref<4x128xi32, #tpu.memory_space<vmem>>, vector<1x16xi32>,
      %add3A_590 = arith.constant 64 : i32
      %add3A_591 = arith.addi %multiple_of3A_545, %add3A_590 : i32
      %get3A_592 = arith.index_cast %add3A_591 : i32 to index
      %get3A_593 = tpu.vector_load %arg8[%get3A_592] {strides = array<i32>} : memref<20000xi32, #tpu.memory_space<vmem>>, vector<16xi32>,
      %get3A_594 = vector.shape_cast %get3A_593 : vector<16xi32> to vector<16xi32>
      %swap3A_595 = arith.constant 2 : i32
      %swap3A_596 = arith.index_cast %swap3A_595 : i32 to index
      %swap3A_597 = arith.constant 64 : index
      %swap3A_598 = tpu.vector_load %arg9[%swap3A_596, %swap3A_597] {strides = array<i32>} : memref<4x128xi32, #tpu.memory_space<vmem>>, vector<1x16xi32>,
      %swap3A_599 = vector.shape_cast %swap3A_598 : vector<1x16xi32> to vector<16xi32>
      %swap3A_600 = vector.shape_cast %get3A_594 : vector<16xi32> to vector<1x16xi32>
      tpu.vector_store %arg9[%swap3A_596, %swap3A_597], %swap3A_600 {strides = array<i32>} : memref<4x128xi32, #tpu.memory_space<vmem>>, vector<1x16xi32>,
      %add3A_601 = arith.constant 80 : i32
      %add3A_602 = arith.addi %multiple_of3A_545, %add3A_601 : i32
      %get3A_603 = arith.index_cast %add3A_602 : i32 to index
      %get3A_604 = tpu.vector_load %arg8[%get3A_603] {strides = array<i32>} : memref<20000xi32, #tpu.memory_space<vmem>>, vector<16xi32>,
      %get3A_605 = vector.shape_cast %get3A_604 : vector<16xi32> to vector<16xi32>
      %swap3A_606 = arith.constant 2 : i32
      %swap3A_607 = arith.index_cast %swap3A_606 : i32 to index
      %swap3A_608 = arith.constant 80 : index
      %swap3A_609 = tpu.vector_load %arg9[%swap3A_607, %swap3A_608] {strides = array<i32>} : memref<4x128xi32, #tpu.memory_space<vmem>>, vector<1x16xi32>,
      %swap3A_610 = vector.shape_cast %swap3A_609 : vector<1x16xi32> to vector<16xi32>
      %swap3A_611 = vector.shape_cast %get3A_605 : vector<16xi32> to vector<1x16xi32>
      tpu.vector_store %arg9[%swap3A_607, %swap3A_608], %swap3A_611 {strides = array<i32>} : memref<4x128xi32, #tpu.memory_space<vmem>>, vector<1x16xi32>,
      %add3A_612 = arith.constant 96 : i32
      %add3A_613 = arith.addi %multiple_of3A_545, %add3A_612 : i32
      %get3A_614 = arith.index_cast %add3A_613 : i32 to index
      %get3A_615 = tpu.vector_load %arg8[%get3A_614] {strides = array<i32>} : memref<20000xi32, #tpu.memory_space<vmem>>, vector<16xi32>,
      %get3A_616 = vector.shape_cast %get3A_615 : vector<16xi32> to vector<16xi32>
      %swap3A_617 = arith.constant 2 : i32
      %swap3A_618 = arith.index_cast %swap3A_617 : i32 to index
      %swap3A_619 = arith.constant 96 : index
      %swap3A_620 = tpu.vector_load %arg9[%swap3A_618, %swap3A_619] {strides = array<i32>} : memref<4x128xi32, #tpu.memory_space<vmem>>, vector<1x16xi32>,
      %swap3A_621 = vector.shape_cast %swap3A_620 : vector<1x16xi32> to vector<16xi32>
      %swap3A_622 = vector.shape_cast %get3A_616 : vector<16xi32> to vector<1x16xi32>
      tpu.vector_store %arg9[%swap3A_618, %swap3A_619], %swap3A_622 {strides = array<i32>} : memref<4x128xi32, #tpu.memory_space<vmem>>, vector<1x16xi32>,
      %add3A_623 = arith.constant 112 : i32
      %add3A_624 = arith.addi %multiple_of3A_545, %add3A_623 : i32
      %get3A_625 = arith.index_cast %add3A_624 : i32 to index
      %get3A_626 = tpu.vector_load %arg8[%get3A_625] {strides = array<i32>} : memref<20000xi32, #tpu.memory_space<vmem>>, vector<16xi32>,
      %get3A_627 = vector.shape_cast %get3A_626 : vector<16xi32> to vector<16xi32>
      %swap3A_628 = arith.constant 2 : i32
      %swap3A_629 = arith.index_cast %swap3A_628 : i32 to index
      %swap3A_630 = arith.constant 112 : index
      %swap3A_631 = tpu.vector_load %arg9[%swap3A_629, %swap3A_630] {strides = array<i32>} : memref<4x128xi32, #tpu.memory_space<vmem>>, vector<1x16xi32>,
      %swap3A_632 = vector.shape_cast %swap3A_631 : vector<1x16xi32> to vector<16xi32>
      %swap3A_633 = vector.shape_cast %get3A_627 : vector<16xi32> to vector<1x16xi32>
      tpu.vector_store %arg9[%swap3A_629, %swap3A_630], %swap3A_633 {strides = array<i32>} : memref<4x128xi32, #tpu.memory_space<vmem>>, vector<1x16xi32>,
      %dma_start3A_634 = arith.constant 2 : i32
      %dma_start3A_635 = arith.constant 2 : i32
      %dma_start3A_636 = arith.constant 0 : i32
      %dma_start3A_637 = arith.constant 0 : i32
      %dma_start3A_638 = tpu.memref_slice %arg11[%dma_start3A_634, %dma_start3A_636, %dma_start3A_637] : memref<4x128x64xf32, #tpu.memory_space<vmem>> -> memref<1x128x64xf32, #tpu.memory_space<vmem>>
      %dma_start3A_639 = tpu.memref_squeeze %dma_start3A_638 : memref<1x128x64xf32, #tpu.memory_space<vmem>> -> memref<128x64xf32, #tpu.memory_space<vmem>>
      %dma_start3A_640 = arith.constant 0 : i32
      %dma_start3A_641 = tpu.memref_slice %arg9[%dma_start3A_635, %dma_start3A_640] : memref<4x128xi32, #tpu.memory_space<vmem>> -> memref<1x128xi32, #tpu.memory_space<vmem>>
      %dma_start3A_642 = tpu.memref_squeeze %dma_start3A_641 : memref<1x128xi32, #tpu.memory_space<vmem>> -> memref<128xi32, #tpu.memory_space<vmem>>
      %dma_start3A_643 = arith.constant 0 : i32
      %dma_start3A_644 = arith.constant 0 : i32
      %dma_start3A_645 = tpu.memref_slice %arg16[%dma_start3A_643, %dma_start3A_644] : memref<10000x64xf32, #tpu.memory_space<vmem_shared>> -> memref<10000x64xf32, #tpu.memory_space<vmem_shared>>
      tpu.enqueue_indirect_dma source(%dma_start3A_639 : memref<128x64xf32, #tpu.memory_space<vmem>>) target(%dma_start3A_645 : memref<10000x64xf32, #tpu.memory_space<vmem_shared>>) offsets(%dma_start3A_642 : memref<128xi32, #tpu.memory_space<vmem>>) semaphore(%arg23 : memref<!tpu.dma_semaphore, #tpu.memory_space<semaphore_mem>>) {add = true}
      %add3A_646 = arith.constant 3 : i32
      %add3A_647 = arith.addi %mul3A_261, %add3A_646 : i32
      %add3A_648 = arith.constant 3 : i32
      %add3A_649 = arith.addi %add3A_647, %add3A_648 : i32
      %lt3A_650 = arith.constant 156 : i32
      %lt3A_651 = arith.cmpi slt, %add3A_649, %lt3A_650 : i32
      %convert_element_type3A_652 = arith.extui %lt3A_651 : i1 to i32
      %cond3A_653 = arith.constant 0 : i32
      %cond3A_654 = arith.cmpi ne, %convert_element_type3A_652, %cond3A_653 : i32
      scf.if %cond3A_654 {
        %ge3A = arith.constant 4 : i32
        %ge3A_774 = arith.cmpi sge, %add3A_649, %ge3A : i32
        %convert_element_type3A_775 = arith.extui %ge3A_774 : i1 to i32
        %cond3A_776 = arith.constant 0 : i32
        %cond3A_777 = arith.cmpi ne, %convert_element_type3A_775, %cond3A_776 : i32
        scf.if %cond3A_777 {
          %dma_wait3A_791 = arith.constant 2 : i32
          %dma_wait3A_792 = arith.constant 2 : i32
          %dma_wait3A_793 = arith.constant 0 : i32
          %dma_wait3A_794 = arith.constant 0 : i32
          %dma_wait3A_795 = tpu.memref_slice %arg11[%dma_wait3A_791, %dma_wait3A_793, %dma_wait3A_794] : memref<4x128x64xf32, #tpu.memory_space<vmem>> -> memref<1x128x64xf32, #tpu.memory_space<vmem>>
          %dma_wait3A_796 = tpu.memref_squeeze %dma_wait3A_795 : memref<1x128x64xf32, #tpu.memory_space<vmem>> -> memref<128x64xf32, #tpu.memory_space<vmem>>
          %dma_wait3A_797 = arith.constant 0 : i32
          %dma_wait3A_798 = tpu.memref_slice %arg9[%dma_wait3A_792, %dma_wait3A_797] : memref<4x128xi32, #tpu.memory_space<vmem>> -> memref<1x128xi32, #tpu.memory_space<vmem>>
          %dma_wait3A_799 = tpu.memref_squeeze %dma_wait3A_798 : memref<1x128xi32, #tpu.memory_space<vmem>> -> memref<128xi32, #tpu.memory_space<vmem>>
          %dma_wait3A_800 = arith.constant 0 : i32
          %dma_wait3A_801 = arith.constant 0 : i32
          %dma_wait3A_802 = tpu.memref_slice %arg16[%dma_wait3A_800, %dma_wait3A_801] : memref<10000x64xf32, #tpu.memory_space<vmem_shared>> -> memref<10000x64xf32, #tpu.memory_space<vmem_shared>>
          tpu.wait_indirect_dma semaphore(%arg23 : memref<!tpu.dma_semaphore, #tpu.memory_space<semaphore_mem>>) src(%dma_wait3A_796 : memref<128x64xf32, #tpu.memory_space<vmem>>) dst(%dma_wait3A_802 : memref<10000x64xf32, #tpu.memory_space<vmem_shared>>)
        } else {
        }
        %mul3A_778 = arith.constant 128 : i32
        %mul3A_779 = arith.muli %add3A_649, %mul3A_778 : i32
        %multiple_of3A_780 = tpu.assume_multiple %mul3A_779, 8 : i32
        %eq3A_781 = arith.constant 0 : i32
        %eq3A_782 = arith.cmpi eq, %arg0, %eq3A_781 : i32
        %convert_element_type3A_783 = arith.extui %eq3A_782 : i1 to i32
        %cond3A_784 = arith.constant 0 : i32
        %cond3A_785 = arith.cmpi ne, %convert_element_type3A_783, %cond3A_784 : i32
        scf.if %cond3A_785 {
          %dma_start3A_791 = arith.constant 2 : i32
          %dma_start3A_792 = arith.constant 0 : i32
          %dma_start3A_793 = arith.constant 0 : i32
          %dma_start3A_794 = tpu.memref_slice %arg11[%dma_start3A_791, %dma_start3A_792, %dma_start3A_793] : memref<4x128x64xf32, #tpu.memory_space<vmem>> -> memref<1x128x64xf32, #tpu.memory_space<vmem>>
          %dma_start3A_795 = tpu.memref_squeeze %dma_start3A_794 : memref<1x128x64xf32, #tpu.memory_space<vmem>> -> memref<128x64xf32, #tpu.memory_space<vmem>>
          %dma_start3A_796 = tpu.memref_slice %arg7[%multiple_of3A_780] : memref<20000xi32, #tpu.memory_space<vmem>> -> memref<128xi32, #tpu.memory_space<vmem>>
          %dma_start3A_797 = arith.constant 0 : i32
          %dma_start3A_798 = arith.constant 0 : i32
          %dma_start3A_799 = tpu.memref_slice %arg3[%dma_start3A_797, %dma_start3A_798] : memref<10000x64xf32, #tpu.memory_space<hbm>> -> memref<10000x64xf32, #tpu.memory_space<hbm>>
          tpu.enqueue_indirect_dma source(%dma_start3A_799 : memref<10000x64xf32, #tpu.memory_space<hbm>>) target(%dma_start3A_795 : memref<128x64xf32, #tpu.memory_space<vmem>>) offsets(%dma_start3A_796 : memref<128xi32, #tpu.memory_space<vmem>>) semaphore(%arg19 : memref<!tpu.dma_semaphore, #tpu.memory_space<semaphore_mem>>)
        } else {
        }
        %eq3A_786 = arith.constant 1 : i32
        %eq3A_787 = arith.cmpi eq, %arg0, %eq3A_786 : i32
        %convert_element_type3A_788 = arith.extui %eq3A_787 : i1 to i32
        %cond3A_789 = arith.constant 0 : i32
        %cond3A_790 = arith.cmpi ne, %convert_element_type3A_788, %cond3A_789 : i32
        scf.if %cond3A_790 {
          %dma_start3A_791 = arith.constant 2 : i32
          %dma_start3A_792 = arith.constant 0 : i32
          %dma_start3A_793 = arith.constant 0 : i32
          %dma_start3A_794 = tpu.memref_slice %arg11[%dma_start3A_791, %dma_start3A_792, %dma_start3A_793] : memref<4x128x64xf32, #tpu.memory_space<vmem>> -> memref<1x128x64xf32, #tpu.memory_space<vmem>>
          %dma_start3A_795 = tpu.memref_squeeze %dma_start3A_794 : memref<1x128x64xf32, #tpu.memory_space<vmem>> -> memref<128x64xf32, #tpu.memory_space<vmem>>
          %dma_start3A_796 = tpu.memref_slice %arg7[%multiple_of3A_780] : memref<20000xi32, #tpu.memory_space<vmem>> -> memref<128xi32, #tpu.memory_space<vmem>>
          %dma_start3A_797 = arith.constant 0 : i32
          %dma_start3A_798 = arith.constant 0 : i32
          %dma_start3A_799 = tpu.memref_slice %arg4[%dma_start3A_797, %dma_start3A_798] : memref<10000x64xf32, #tpu.memory_space<hbm>> -> memref<10000x64xf32, #tpu.memory_space<hbm>>
          tpu.enqueue_indirect_dma source(%dma_start3A_799 : memref<10000x64xf32, #tpu.memory_space<hbm>>) target(%dma_start3A_795 : memref<128x64xf32, #tpu.memory_space<vmem>>) offsets(%dma_start3A_796 : memref<128xi32, #tpu.memory_space<vmem>>) semaphore(%arg19 : memref<!tpu.dma_semaphore, #tpu.memory_space<semaphore_mem>>)
        } else {
        }
      } else {
      }
      %add3A_655 = arith.constant 3 : i32
      %add3A_656 = arith.addi %mul3A_261, %add3A_655 : i32
      %mul3A_657 = arith.constant 128 : i32
      %mul3A_658 = arith.muli %add3A_656, %mul3A_657 : i32
      %multiple_of3A_659 = tpu.assume_multiple %mul3A_658, 8 : i32
      %dma_wait3A_660 = arith.constant 3 : i32
      %dma_wait3A_661 = arith.constant 0 : i32
      %dma_wait3A_662 = arith.constant 0 : i32
      %dma_wait3A_663 = tpu.memref_slice %arg11[%dma_wait3A_660, %dma_wait3A_661, %dma_wait3A_662] : memref<4x128x64xf32, #tpu.memory_space<vmem>> -> memref<1x128x64xf32, #tpu.memory_space<vmem>>
      %dma_wait3A_664 = tpu.memref_squeeze %dma_wait3A_663 : memref<1x128x64xf32, #tpu.memory_space<vmem>> -> memref<128x64xf32, #tpu.memory_space<vmem>>
      %dma_wait3A_665 = tpu.memref_slice %arg7[%multiple_of3A_659] : memref<20000xi32, #tpu.memory_space<vmem>> -> memref<128xi32, #tpu.memory_space<vmem>>
      %dma_wait3A_666 = arith.constant 0 : i32
      %dma_wait3A_667 = arith.constant 0 : i32
      %dma_wait3A_668 = tpu.memref_slice %arg3[%dma_wait3A_666, %dma_wait3A_667] : memref<10000x64xf32, #tpu.memory_space<hbm>> -> memref<10000x64xf32, #tpu.memory_space<hbm>>
      tpu.wait_indirect_dma semaphore(%arg20 : memref<!tpu.dma_semaphore, #tpu.memory_space<semaphore_mem>>) src(%dma_wait3A_668 : memref<10000x64xf32, #tpu.memory_space<hbm>>) dst(%dma_wait3A_664 : memref<128x64xf32, #tpu.memory_space<vmem>>)
      %add3A_669 = arith.constant 3 : i32
      %add3A_670 = arith.addi %mul3A_261, %add3A_669 : i32
      %mul3A_671 = arith.constant 128 : i32
      %mul3A_672 = arith.muli %add3A_670, %mul3A_671 : i32
      %multiple_of3A_673 = tpu.assume_multiple %mul3A_672, 8 : i32
      %add3A_674 = arith.constant 0 : i32
      %add3A_675 = arith.addi %multiple_of3A_673, %add3A_674 : i32
      %get3A_676 = arith.index_cast %add3A_675 : i32 to index
      %get3A_677 = tpu.vector_load %arg8[%get3A_676] {strides = array<i32>} : memref<20000xi32, #tpu.memory_space<vmem>>, vector<16xi32>,
      %get3A_678 = vector.shape_cast %get3A_677 : vector<16xi32> to vector<16xi32>
      %swap3A_679 = arith.constant 3 : i32
      %swap3A_680 = arith.index_cast %swap3A_679 : i32 to index
      %swap3A_681 = arith.constant 0 : index
      %swap3A_682 = tpu.vector_load %arg9[%swap3A_680, %swap3A_681] {strides = array<i32>} : memref<4x128xi32, #tpu.memory_space<vmem>>, vector<1x16xi32>,
      %swap3A_683 = vector.shape_cast %swap3A_682 : vector<1x16xi32> to vector<16xi32>
      %swap3A_684 = vector.shape_cast %get3A_678 : vector<16xi32> to vector<1x16xi32>
      tpu.vector_store %arg9[%swap3A_680, %swap3A_681], %swap3A_684 {strides = array<i32>} : memref<4x128xi32, #tpu.memory_space<vmem>>, vector<1x16xi32>,
      %add3A_685 = arith.constant 16 : i32
      %add3A_686 = arith.addi %multiple_of3A_673, %add3A_685 : i32
      %get3A_687 = arith.index_cast %add3A_686 : i32 to index
      %get3A_688 = tpu.vector_load %arg8[%get3A_687] {strides = array<i32>} : memref<20000xi32, #tpu.memory_space<vmem>>, vector<16xi32>,
      %get3A_689 = vector.shape_cast %get3A_688 : vector<16xi32> to vector<16xi32>
      %swap3A_690 = arith.constant 3 : i32
      %swap3A_691 = arith.index_cast %swap3A_690 : i32 to index
      %swap3A_692 = arith.constant 16 : index
      %swap3A_693 = tpu.vector_load %arg9[%swap3A_691, %swap3A_692] {strides = array<i32>} : memref<4x128xi32, #tpu.memory_space<vmem>>, vector<1x16xi32>,
      %swap3A_694 = vector.shape_cast %swap3A_693 : vector<1x16xi32> to vector<16xi32>
      %swap3A_695 = vector.shape_cast %get3A_689 : vector<16xi32> to vector<1x16xi32>
      tpu.vector_store %arg9[%swap3A_691, %swap3A_692], %swap3A_695 {strides = array<i32>} : memref<4x128xi32, #tpu.memory_space<vmem>>, vector<1x16xi32>,
      %add3A_696 = arith.constant 32 : i32
      %add3A_697 = arith.addi %multiple_of3A_673, %add3A_696 : i32
      %get3A_698 = arith.index_cast %add3A_697 : i32 to index
      %get3A_699 = tpu.vector_load %arg8[%get3A_698] {strides = array<i32>} : memref<20000xi32, #tpu.memory_space<vmem>>, vector<16xi32>,
      %get3A_700 = vector.shape_cast %get3A_699 : vector<16xi32> to vector<16xi32>
      %swap3A_701 = arith.constant 3 : i32
      %swap3A_702 = arith.index_cast %swap3A_701 : i32 to index
      %swap3A_703 = arith.constant 32 : index
      %swap3A_704 = tpu.vector_load %arg9[%swap3A_702, %swap3A_703] {strides = array<i32>} : memref<4x128xi32, #tpu.memory_space<vmem>>, vector<1x16xi32>,
      %swap3A_705 = vector.shape_cast %swap3A_704 : vector<1x16xi32> to vector<16xi32>
      %swap3A_706 = vector.shape_cast %get3A_700 : vector<16xi32> to vector<1x16xi32>
      tpu.vector_store %arg9[%swap3A_702, %swap3A_703], %swap3A_706 {strides = array<i32>} : memref<4x128xi32, #tpu.memory_space<vmem>>, vector<1x16xi32>,
      %add3A_707 = arith.constant 48 : i32
      %add3A_708 = arith.addi %multiple_of3A_673, %add3A_707 : i32
      %get3A_709 = arith.index_cast %add3A_708 : i32 to index
      %get3A_710 = tpu.vector_load %arg8[%get3A_709] {strides = array<i32>} : memref<20000xi32, #tpu.memory_space<vmem>>, vector<16xi32>,
      %get3A_711 = vector.shape_cast %get3A_710 : vector<16xi32> to vector<16xi32>
      %swap3A_712 = arith.constant 3 : i32
      %swap3A_713 = arith.index_cast %swap3A_712 : i32 to index
      %swap3A_714 = arith.constant 48 : index
      %swap3A_715 = tpu.vector_load %arg9[%swap3A_713, %swap3A_714] {strides = array<i32>} : memref<4x128xi32, #tpu.memory_space<vmem>>, vector<1x16xi32>,
      %swap3A_716 = vector.shape_cast %swap3A_715 : vector<1x16xi32> to vector<16xi32>
      %swap3A_717 = vector.shape_cast %get3A_711 : vector<16xi32> to vector<1x16xi32>
      tpu.vector_store %arg9[%swap3A_713, %swap3A_714], %swap3A_717 {strides = array<i32>} : memref<4x128xi32, #tpu.memory_space<vmem>>, vector<1x16xi32>,
      %add3A_718 = arith.constant 64 : i32
      %add3A_719 = arith.addi %multiple_of3A_673, %add3A_718 : i32
      %get3A_720 = arith.index_cast %add3A_719 : i32 to index
      %get3A_721 = tpu.vector_load %arg8[%get3A_720] {strides = array<i32>} : memref<20000xi32, #tpu.memory_space<vmem>>, vector<16xi32>,
      %get3A_722 = vector.shape_cast %get3A_721 : vector<16xi32> to vector<16xi32>
      %swap3A_723 = arith.constant 3 : i32
      %swap3A_724 = arith.index_cast %swap3A_723 : i32 to index
      %swap3A_725 = arith.constant 64 : index
      %swap3A_726 = tpu.vector_load %arg9[%swap3A_724, %swap3A_725] {strides = array<i32>} : memref<4x128xi32, #tpu.memory_space<vmem>>, vector<1x16xi32>,
      %swap3A_727 = vector.shape_cast %swap3A_726 : vector<1x16xi32> to vector<16xi32>
      %swap3A_728 = vector.shape_cast %get3A_722 : vector<16xi32> to vector<1x16xi32>
      tpu.vector_store %arg9[%swap3A_724, %swap3A_725], %swap3A_728 {strides = array<i32>} : memref<4x128xi32, #tpu.memory_space<vmem>>, vector<1x16xi32>,
      %add3A_729 = arith.constant 80 : i32
      %add3A_730 = arith.addi %multiple_of3A_673, %add3A_729 : i32
      %get3A_731 = arith.index_cast %add3A_730 : i32 to index
      %get3A_732 = tpu.vector_load %arg8[%get3A_731] {strides = array<i32>} : memref<20000xi32, #tpu.memory_space<vmem>>, vector<16xi32>,
      %get3A_733 = vector.shape_cast %get3A_732 : vector<16xi32> to vector<16xi32>
      %swap3A_734 = arith.constant 3 : i32
      %swap3A_735 = arith.index_cast %swap3A_734 : i32 to index
      %swap3A_736 = arith.constant 80 : index
      %swap3A_737 = tpu.vector_load %arg9[%swap3A_735, %swap3A_736] {strides = array<i32>} : memref<4x128xi32, #tpu.memory_space<vmem>>, vector<1x16xi32>,
      %swap3A_738 = vector.shape_cast %swap3A_737 : vector<1x16xi32> to vector<16xi32>
      %swap3A_739 = vector.shape_cast %get3A_733 : vector<16xi32> to vector<1x16xi32>
      tpu.vector_store %arg9[%swap3A_735, %swap3A_736], %swap3A_739 {strides = array<i32>} : memref<4x128xi32, #tpu.memory_space<vmem>>, vector<1x16xi32>,
      %add3A_740 = arith.constant 96 : i32
      %add3A_741 = arith.addi %multiple_of3A_673, %add3A_740 : i32
      %get3A_742 = arith.index_cast %add3A_741 : i32 to index
      %get3A_743 = tpu.vector_load %arg8[%get3A_742] {strides = array<i32>} : memref<20000xi32, #tpu.memory_space<vmem>>, vector<16xi32>,
      %get3A_744 = vector.shape_cast %get3A_743 : vector<16xi32> to vector<16xi32>
      %swap3A_745 = arith.constant 3 : i32
      %swap3A_746 = arith.index_cast %swap3A_745 : i32 to index
      %swap3A_747 = arith.constant 96 : index
      %swap3A_748 = tpu.vector_load %arg9[%swap3A_746, %swap3A_747] {strides = array<i32>} : memref<4x128xi32, #tpu.memory_space<vmem>>, vector<1x16xi32>,
      %swap3A_749 = vector.shape_cast %swap3A_748 : vector<1x16xi32> to vector<16xi32>
      %swap3A_750 = vector.shape_cast %get3A_744 : vector<16xi32> to vector<1x16xi32>
      tpu.vector_store %arg9[%swap3A_746, %swap3A_747], %swap3A_750 {strides = array<i32>} : memref<4x128xi32, #tpu.memory_space<vmem>>, vector<1x16xi32>,
      %add3A_751 = arith.constant 112 : i32
      %add3A_752 = arith.addi %multiple_of3A_673, %add3A_751 : i32
      %get3A_753 = arith.index_cast %add3A_752 : i32 to index
      %get3A_754 = tpu.vector_load %arg8[%get3A_753] {strides = array<i32>} : memref<20000xi32, #tpu.memory_space<vmem>>, vector<16xi32>,
      %get3A_755 = vector.shape_cast %get3A_754 : vector<16xi32> to vector<16xi32>
      %swap3A_756 = arith.constant 3 : i32
      %swap3A_757 = arith.index_cast %swap3A_756 : i32 to index
      %swap3A_758 = arith.constant 112 : index
      %swap3A_759 = tpu.vector_load %arg9[%swap3A_757, %swap3A_758] {strides = array<i32>} : memref<4x128xi32, #tpu.memory_space<vmem>>, vector<1x16xi32>,
      %swap3A_760 = vector.shape_cast %swap3A_759 : vector<1x16xi32> to vector<16xi32>
      %swap3A_761 = vector.shape_cast %get3A_755 : vector<16xi32> to vector<1x16xi32>
      tpu.vector_store %arg9[%swap3A_757, %swap3A_758], %swap3A_761 {strides = array<i32>} : memref<4x128xi32, #tpu.memory_space<vmem>>, vector<1x16xi32>,
      %dma_start3A_762 = arith.constant 3 : i32
      %dma_start3A_763 = arith.constant 3 : i32
      %dma_start3A_764 = arith.constant 0 : i32
      %dma_start3A_765 = arith.constant 0 : i32
      %dma_start3A_766 = tpu.memref_slice %arg11[%dma_start3A_762, %dma_start3A_764, %dma_start3A_765] : memref<4x128x64xf32, #tpu.memory_space<vmem>> -> memref<1x128x64xf32, #tpu.memory_space<vmem>>
      %dma_start3A_767 = tpu.memref_squeeze %dma_start3A_766 : memref<1x128x64xf32, #tpu.memory_space<vmem>> -> memref<128x64xf32, #tpu.memory_space<vmem>>
      %dma_start3A_768 = arith.constant 0 : i32
      %dma_start3A_769 = tpu.memref_slice %arg9[%dma_start3A_763, %dma_start3A_768] : memref<4x128xi32, #tpu.memory_space<vmem>> -> memref<1x128xi32, #tpu.memory_space<vmem>>
      %dma_start3A_770 = tpu.memref_squeeze %dma_start3A_769 : memref<1x128xi32, #tpu.memory_space<vmem>> -> memref<128xi32, #tpu.memory_space<vmem>>
      %dma_start3A_771 = arith.constant 0 : i32
      %dma_start3A_772 = arith.constant 0 : i32
      %dma_start3A_773 = tpu.memref_slice %arg16[%dma_start3A_771, %dma_start3A_772] : memref<10000x64xf32, #tpu.memory_space<vmem_shared>> -> memref<10000x64xf32, #tpu.memory_space<vmem_shared>>
      tpu.enqueue_indirect_dma source(%dma_start3A_767 : memref<128x64xf32, #tpu.memory_space<vmem>>) target(%dma_start3A_773 : memref<10000x64xf32, #tpu.memory_space<vmem_shared>>) offsets(%dma_start3A_770 : memref<128xi32, #tpu.memory_space<vmem>>) semaphore(%arg24 : memref<!tpu.dma_semaphore, #tpu.memory_space<semaphore_mem>>) {add = true}
    }
    %scan3A_106 = arith.constant 39 : i32
    %dma_wait3A_107 = arith.constant 0 : i32
    %dma_wait3A_108 = arith.constant 0 : i32
    %dma_wait3A_109 = arith.constant 0 : i32
    %dma_wait3A_110 = arith.constant 0 : i32
    %dma_wait3A_111 = tpu.memref_slice %arg11[%dma_wait3A_107, %dma_wait3A_109, %dma_wait3A_110] : memref<4x128x64xf32, #tpu.memory_space<vmem>> -> memref<1x128x64xf32, #tpu.memory_space<vmem>>
    %dma_wait3A_112 = tpu.memref_squeeze %dma_wait3A_111 : memref<1x128x64xf32, #tpu.memory_space<vmem>> -> memref<128x64xf32, #tpu.memory_space<vmem>>
    %dma_wait3A_113 = arith.constant 0 : i32
    %dma_wait3A_114 = tpu.memref_slice %arg9[%dma_wait3A_108, %dma_wait3A_113] : memref<4x128xi32, #tpu.memory_space<vmem>> -> memref<1x128xi32, #tpu.memory_space<vmem>>
    %dma_wait3A_115 = tpu.memref_squeeze %dma_wait3A_114 : memref<1x128xi32, #tpu.memory_space<vmem>> -> memref<128xi32, #tpu.memory_space<vmem>>
    %dma_wait3A_116 = arith.constant 0 : i32
    %dma_wait3A_117 = arith.constant 0 : i32
    %dma_wait3A_118 = tpu.memref_slice %arg16[%dma_wait3A_116, %dma_wait3A_117] : memref<10000x64xf32, #tpu.memory_space<vmem_shared>> -> memref<10000x64xf32, #tpu.memory_space<vmem_shared>>
    tpu.wait_indirect_dma semaphore(%arg21 : memref<!tpu.dma_semaphore, #tpu.memory_space<semaphore_mem>>) src(%dma_wait3A_112 : memref<128x64xf32, #tpu.memory_space<vmem>>) dst(%dma_wait3A_118 : memref<10000x64xf32, #tpu.memory_space<vmem_shared>>)
    %dma_wait3A_119 = arith.constant 1 : i32
    %dma_wait3A_120 = arith.constant 1 : i32
    %dma_wait3A_121 = arith.constant 0 : i32
    %dma_wait3A_122 = arith.constant 0 : i32
    %dma_wait3A_123 = tpu.memref_slice %arg11[%dma_wait3A_119, %dma_wait3A_121, %dma_wait3A_122] : memref<4x128x64xf32, #tpu.memory_space<vmem>> -> memref<1x128x64xf32, #tpu.memory_space<vmem>>
    %dma_wait3A_124 = tpu.memref_squeeze %dma_wait3A_123 : memref<1x128x64xf32, #tpu.memory_space<vmem>> -> memref<128x64xf32, #tpu.memory_space<vmem>>
    %dma_wait3A_125 = arith.constant 0 : i32
    %dma_wait3A_126 = tpu.memref_slice %arg9[%dma_wait3A_120, %dma_wait3A_125] : memref<4x128xi32, #tpu.memory_space<vmem>> -> memref<1x128xi32, #tpu.memory_space<vmem>>
    %dma_wait3A_127 = tpu.memref_squeeze %dma_wait3A_126 : memref<1x128xi32, #tpu.memory_space<vmem>> -> memref<128xi32, #tpu.memory_space<vmem>>
    %dma_wait3A_128 = arith.constant 0 : i32
    %dma_wait3A_129 = arith.constant 0 : i32
    %dma_wait3A_130 = tpu.memref_slice %arg16[%dma_wait3A_128, %dma_wait3A_129] : memref<10000x64xf32, #tpu.memory_space<vmem_shared>> -> memref<10000x64xf32, #tpu.memory_space<vmem_shared>>
    tpu.wait_indirect_dma semaphore(%arg22 : memref<!tpu.dma_semaphore, #tpu.memory_space<semaphore_mem>>) src(%dma_wait3A_124 : memref<128x64xf32, #tpu.memory_space<vmem>>) dst(%dma_wait3A_130 : memref<10000x64xf32, #tpu.memory_space<vmem_shared>>)
    %dma_wait3A_131 = arith.constant 2 : i32
    %dma_wait3A_132 = arith.constant 2 : i32
    %dma_wait3A_133 = arith.constant 0 : i32
    %dma_wait3A_134 = arith.constant 0 : i32
    %dma_wait3A_135 = tpu.memref_slice %arg11[%dma_wait3A_131, %dma_wait3A_133, %dma_wait3A_134] : memref<4x128x64xf32, #tpu.memory_space<vmem>> -> memref<1x128x64xf32, #tpu.memory_space<vmem>>
    %dma_wait3A_136 = tpu.memref_squeeze %dma_wait3A_135 : memref<1x128x64xf32, #tpu.memory_space<vmem>> -> memref<128x64xf32, #tpu.memory_space<vmem>>
    %dma_wait3A_137 = arith.constant 0 : i32
    %dma_wait3A_138 = tpu.memref_slice %arg9[%dma_wait3A_132, %dma_wait3A_137] : memref<4x128xi32, #tpu.memory_space<vmem>> -> memref<1x128xi32, #tpu.memory_space<vmem>>
    %dma_wait3A_139 = tpu.memref_squeeze %dma_wait3A_138 : memref<1x128xi32, #tpu.memory_space<vmem>> -> memref<128xi32, #tpu.memory_space<vmem>>
    %dma_wait3A_140 = arith.constant 0 : i32
    %dma_wait3A_141 = arith.constant 0 : i32
    %dma_wait3A_142 = tpu.memref_slice %arg16[%dma_wait3A_140, %dma_wait3A_141] : memref<10000x64xf32, #tpu.memory_space<vmem_shared>> -> memref<10000x64xf32, #tpu.memory_space<vmem_shared>>
    tpu.wait_indirect_dma semaphore(%arg23 : memref<!tpu.dma_semaphore, #tpu.memory_space<semaphore_mem>>) src(%dma_wait3A_136 : memref<128x64xf32, #tpu.memory_space<vmem>>) dst(%dma_wait3A_142 : memref<10000x64xf32, #tpu.memory_space<vmem_shared>>)
    %dma_wait3A_143 = arith.constant 3 : i32
    %dma_wait3A_144 = arith.constant 3 : i32
    %dma_wait3A_145 = arith.constant 0 : i32
    %dma_wait3A_146 = arith.constant 0 : i32
    %dma_wait3A_147 = tpu.memref_slice %arg11[%dma_wait3A_143, %dma_wait3A_145, %dma_wait3A_146] : memref<4x128x64xf32, #tpu.memory_space<vmem>> -> memref<1x128x64xf32, #tpu.memory_space<vmem>>
    %dma_wait3A_148 = tpu.memref_squeeze %dma_wait3A_147 : memref<1x128x64xf32, #tpu.memory_space<vmem>> -> memref<128x64xf32, #tpu.memory_space<vmem>>
    %dma_wait3A_149 = arith.constant 0 : i32
    %dma_wait3A_150 = tpu.memref_slice %arg9[%dma_wait3A_144, %dma_wait3A_149] : memref<4x128xi32, #tpu.memory_space<vmem>> -> memref<1x128xi32, #tpu.memory_space<vmem>>
    %dma_wait3A_151 = tpu.memref_squeeze %dma_wait3A_150 : memref<1x128xi32, #tpu.memory_space<vmem>> -> memref<128xi32, #tpu.memory_space<vmem>>
    %dma_wait3A_152 = arith.constant 0 : i32
    %dma_wait3A_153 = arith.constant 0 : i32
    %dma_wait3A_154 = tpu.memref_slice %arg16[%dma_wait3A_152, %dma_wait3A_153] : memref<10000x64xf32, #tpu.memory_space<vmem_shared>> -> memref<10000x64xf32, #tpu.memory_space<vmem_shared>>
    tpu.wait_indirect_dma semaphore(%arg24 : memref<!tpu.dma_semaphore, #tpu.memory_space<semaphore_mem>>) src(%dma_wait3A_148 : memref<128x64xf32, #tpu.memory_space<vmem>>) dst(%dma_wait3A_154 : memref<10000x64xf32, #tpu.memory_space<vmem_shared>>)
    %multiple_of3A_155 = arith.constant 19968 : i32
    %multiple_of3A_156 = tpu.assume_multiple %multiple_of3A_155, 8 : i32
    %eq3A_157 = arith.constant 0 : i32
    %eq3A_158 = arith.cmpi eq, %arg0, %eq3A_157 : i32
    %convert_element_type3A_159 = arith.extui %eq3A_158 : i1 to i32
    %cond3A_160 = arith.constant 0 : i32
    %cond3A_161 = arith.cmpi ne, %convert_element_type3A_159, %cond3A_160 : i32
    scf.if %cond3A_161 {
      %dma_start3A_259 = tpu.memref_slice %arg7[%multiple_of3A_156] : memref<20000xi32, #tpu.memory_space<vmem>> -> memref<32xi32, #tpu.memory_space<vmem>>
      %dma_start3A_260 = arith.constant 0 : i32
      %dma_start3A_261 = arith.constant 0 : i32
      %dma_start3A_262 = tpu.memref_slice %arg3[%dma_start3A_260, %dma_start3A_261] : memref<10000x64xf32, #tpu.memory_space<hbm>> -> memref<10000x64xf32, #tpu.memory_space<hbm>>
      tpu.enqueue_indirect_dma source(%dma_start3A_262 : memref<10000x64xf32, #tpu.memory_space<hbm>>) target(%arg12 : memref<32x64xf32, #tpu.memory_space<vmem>>) offsets(%dma_start3A_259 : memref<32xi32, #tpu.memory_space<vmem>>) semaphore(%arg17 : memref<!tpu.dma_semaphore, #tpu.memory_space<semaphore_mem>>)
    } else {
    }
    %eq3A_162 = arith.constant 1 : i32
    %eq3A_163 = arith.cmpi eq, %arg0, %eq3A_162 : i32
    %convert_element_type3A_164 = arith.extui %eq3A_163 : i1 to i32
    %cond3A_165 = arith.constant 0 : i32
    %cond3A_166 = arith.cmpi ne, %convert_element_type3A_164, %cond3A_165 : i32
    scf.if %cond3A_166 {
      %dma_start3A_259 = tpu.memref_slice %arg7[%multiple_of3A_156] : memref<20000xi32, #tpu.memory_space<vmem>> -> memref<32xi32, #tpu.memory_space<vmem>>
      %dma_start3A_260 = arith.constant 0 : i32
      %dma_start3A_261 = arith.constant 0 : i32
      %dma_start3A_262 = tpu.memref_slice %arg4[%dma_start3A_260, %dma_start3A_261] : memref<10000x64xf32, #tpu.memory_space<hbm>> -> memref<10000x64xf32, #tpu.memory_space<hbm>>
      tpu.enqueue_indirect_dma source(%dma_start3A_262 : memref<10000x64xf32, #tpu.memory_space<hbm>>) target(%arg12 : memref<32x64xf32, #tpu.memory_space<vmem>>) offsets(%dma_start3A_259 : memref<32xi32, #tpu.memory_space<vmem>>) semaphore(%arg17 : memref<!tpu.dma_semaphore, #tpu.memory_space<semaphore_mem>>)
    } else {
    }
    %dma_wait3A_167 = tpu.memref_slice %arg7[%multiple_of3A_156] : memref<20000xi32, #tpu.memory_space<vmem>> -> memref<32xi32, #tpu.memory_space<vmem>>
    %dma_wait3A_168 = arith.constant 0 : i32
    %dma_wait3A_169 = arith.constant 0 : i32
    %dma_wait3A_170 = tpu.memref_slice %arg3[%dma_wait3A_168, %dma_wait3A_169] : memref<10000x64xf32, #tpu.memory_space<hbm>> -> memref<10000x64xf32, #tpu.memory_space<hbm>>
    tpu.wait_indirect_dma semaphore(%arg17 : memref<!tpu.dma_semaphore, #tpu.memory_space<semaphore_mem>>) src(%dma_wait3A_170 : memref<10000x64xf32, #tpu.memory_space<hbm>>) dst(%arg12 : memref<32x64xf32, #tpu.memory_space<vmem>>)
    %add3A_171 = arith.constant 0 : i32
    %add3A_172 = arith.addi %multiple_of3A_156, %add3A_171 : i32
    %get3A = arith.index_cast %add3A_172 : i32 to index
    %get3A_173 = tpu.vector_load %arg8[%get3A] {strides = array<i32>} : memref<20000xi32, #tpu.memory_space<vmem>>, vector<16xi32>,
    %get3A_174 = vector.shape_cast %get3A_173 : vector<16xi32> to vector<16xi32>
    %swap3A = arith.constant 0 : index
    %swap3A_175 = tpu.vector_load %arg10[%swap3A] {strides = array<i32>} : memref<32xi32, #tpu.memory_space<vmem>>, vector<16xi32>,
    %swap3A_176 = vector.shape_cast %swap3A_175 : vector<16xi32> to vector<16xi32>
    %swap3A_177 = vector.shape_cast %get3A_174 : vector<16xi32> to vector<16xi32>
    tpu.vector_store %arg10[%swap3A], %swap3A_177 {strides = array<i32>} : memref<32xi32, #tpu.memory_space<vmem>>, vector<16xi32>,
    %add3A_178 = arith.constant 16 : i32
    %add3A_179 = arith.addi %multiple_of3A_156, %add3A_178 : i32
    %get3A_180 = arith.index_cast %add3A_179 : i32 to index
    %get3A_181 = tpu.vector_load %arg8[%get3A_180] {strides = array<i32>} : memref<20000xi32, #tpu.memory_space<vmem>>, vector<16xi32>,
    %get3A_182 = vector.shape_cast %get3A_181 : vector<16xi32> to vector<16xi32>
    %swap3A_183 = arith.constant 16 : index
    %swap3A_184 = tpu.vector_load %arg10[%swap3A_183] {strides = array<i32>} : memref<32xi32, #tpu.memory_space<vmem>>, vector<16xi32>,
    %swap3A_185 = vector.shape_cast %swap3A_184 : vector<16xi32> to vector<16xi32>
    %swap3A_186 = vector.shape_cast %get3A_182 : vector<16xi32> to vector<16xi32>
    tpu.vector_store %arg10[%swap3A_183], %swap3A_186 {strides = array<i32>} : memref<32xi32, #tpu.memory_space<vmem>>, vector<16xi32>,
    "tpu.region"() ({
      %run_scoped3A = tpu.sem_alloc : memref<!tpu.dma_semaphore, #tpu.memory_space<semaphore_mem>>
      %dma_start3A_259 = arith.constant 0 : i32
      %dma_start3A_260 = arith.constant 0 : i32
      %dma_start3A_261 = tpu.memref_slice %arg16[%dma_start3A_259, %dma_start3A_260] : memref<10000x64xf32, #tpu.memory_space<vmem_shared>> -> memref<10000x64xf32, #tpu.memory_space<vmem_shared>>
      tpu.enqueue_indirect_dma source(%arg12 : memref<32x64xf32, #tpu.memory_space<vmem>>) target(%dma_start3A_261 : memref<10000x64xf32, #tpu.memory_space<vmem_shared>>) offsets(%arg10 : memref<32xi32, #tpu.memory_space<vmem>>) semaphore(%run_scoped3A : memref<!tpu.dma_semaphore, #tpu.memory_space<semaphore_mem>>) {add = true}
      %dma_wait3A_262 = arith.constant 0 : i32
      %dma_wait3A_263 = arith.constant 0 : i32
      %dma_wait3A_264 = tpu.memref_slice %arg16[%dma_wait3A_262, %dma_wait3A_263] : memref<10000x64xf32, #tpu.memory_space<vmem_shared>> -> memref<10000x64xf32, #tpu.memory_space<vmem_shared>>
      tpu.wait_indirect_dma semaphore(%run_scoped3A : memref<!tpu.dma_semaphore, #tpu.memory_space<semaphore_mem>>) src(%arg12 : memref<32x64xf32, #tpu.memory_space<vmem>>) dst(%dma_wait3A_264 : memref<10000x64xf32, #tpu.memory_space<vmem_shared>>)
      tpu.yield
    }) : () -> ()
    %barrier3A_187 = arith.constant 0 : index
    tpu.barrier barrier_id(%barrier3A_187)
    %mul3A_188 = arith.constant 64 : i32
    %mul3A_189 = arith.muli %arg0, %mul3A_188 : i32
    %multiple_of3A_190 = tpu.assume_multiple %mul3A_189, 8 : i32
    "tpu.region"() ({
      %run_scoped3A = tpu.sem_alloc : memref<!tpu.dma_semaphore, #tpu.memory_space<semaphore_mem>>
      %dma_start3A_259 = tpu.memref_slice %arg5[%multiple_of3A_190] : memref<128xf32, #tpu.memory_space<hbm>> -> memref<64xf32, #tpu.memory_space<hbm>>
      %dma_start3A_260 = tpu.memref_slice %arg5[%multiple_of3A_190] : memref<128xf32, #tpu.memory_space<hbm>> -> memref<64xf32, #tpu.memory_space<hbm>>
      tpu.enqueue_dma source(%dma_start3A_260 : memref<64xf32, #tpu.memory_space<hbm>>) target(%arg15 : memref<64xf32, #tpu.memory_space<vmem>>) target_semaphore(%run_scoped3A : memref<!tpu.dma_semaphore, #tpu.memory_space<semaphore_mem>>)
      %dma_wait3A_261 = tpu.memref_slice %arg5[%multiple_of3A_190] : memref<128xf32, #tpu.memory_space<hbm>> -> memref<64xf32, #tpu.memory_space<hbm>>
      %dma_wait3A_262 = tpu.memref_slice %arg5[%multiple_of3A_190] : memref<128xf32, #tpu.memory_space<hbm>> -> memref<64xf32, #tpu.memory_space<hbm>>
      tpu.wait_dma2 semaphore(%run_scoped3A : memref<!tpu.dma_semaphore, #tpu.memory_space<semaphore_mem>>) src(%dma_wait3A_262 : memref<64xf32, #tpu.memory_space<hbm>>) dst(%arg15 : memref<64xf32, #tpu.memory_space<vmem>>)
      tpu.yield
    }) : () -> ()
    %get3A_191 = arith.constant 0 : index
    %get3A_192 = tpu.vector_load %arg15[%get3A_191] {strides = array<i32>} : memref<64xf32, #tpu.memory_space<vmem>>, vector<16xf32>,
    %get3A_193 = vector.shape_cast %get3A_192 : vector<16xf32> to vector<16xf32>
    %get3A_194 = arith.constant 16 : index
    %get3A_195 = tpu.vector_load %arg15[%get3A_194] {strides = array<i32>} : memref<64xf32, #tpu.memory_space<vmem>>, vector<16xf32>,
    %get3A_196 = vector.shape_cast %get3A_195 : vector<16xf32> to vector<16xf32>
    %get3A_197 = arith.constant 32 : index
    %get3A_198 = tpu.vector_load %arg15[%get3A_197] {strides = array<i32>} : memref<64xf32, #tpu.memory_space<vmem>>, vector<16xf32>,
    %get3A_199 = vector.shape_cast %get3A_198 : vector<16xf32> to vector<16xf32>
    %get3A_200 = arith.constant 48 : index
    %get3A_201 = tpu.vector_load %arg15[%get3A_200] {strides = array<i32>} : memref<64xf32, #tpu.memory_space<vmem>>, vector<16xf32>,
    %get3A_202 = vector.shape_cast %get3A_201 : vector<16xf32> to vector<16xf32>
    %iota3A = tpu.iota {dimensions = array<i32: 0>} : vector<16xi32>
    %add3A_203 = arith.constant 0 : i32
    %add3A_204 = arith.addi %arg1, %add3A_203 : i32
    %lt3A_205 = arith.constant 125 : i32
    %lt3A_206 = arith.cmpi slt, %add3A_204, %lt3A_205 : i32
    %convert_element_type3A_207 = arith.extui %lt3A_206 : i1 to i32
    %cond3A_208 = arith.constant 0 : i32
    %cond3A_209 = arith.cmpi ne, %convert_element_type3A_207, %cond3A_208 : i32
    scf.if %cond3A_209 {
      %mul3A_259 = arith.constant 80 : i32
      %mul3A_260 = arith.muli %add3A_204, %mul3A_259 : i32
      %multiple_of3A_261 = tpu.assume_multiple %mul3A_260, 8 : i32
      "tpu.region"() ({
        %run_scoped3A = tpu.sem_alloc : memref<!tpu.dma_semaphore, #tpu.memory_space<semaphore_mem>>
        %dma_start3A_333 = arith.constant 0 : i32
        %dma_start3A_334 = tpu.memref_slice %arg16[%multiple_of3A_261, %dma_start3A_333] : memref<10000x64xf32, #tpu.memory_space<vmem_shared>> -> memref<80x64xf32, #tpu.memory_space<vmem_shared>>
        %dma_start3A_335 = arith.constant 0 : i32
        %dma_start3A_336 = tpu.memref_slice %arg16[%multiple_of3A_261, %dma_start3A_335] : memref<10000x64xf32, #tpu.memory_space<vmem_shared>> -> memref<80x64xf32, #tpu.memory_space<vmem_shared>>
        tpu.enqueue_dma source(%dma_start3A_336 : memref<80x64xf32, #tpu.memory_space<vmem_shared>>) target(%arg13 : memref<80x64xf32, #tpu.memory_space<vmem>>) target_semaphore(%run_scoped3A : memref<!tpu.dma_semaphore, #tpu.memory_space<semaphore_mem>>)
        %dma_wait3A_337 = arith.constant 0 : i32
        %dma_wait3A_338 = tpu.memref_slice %arg16[%multiple_of3A_261, %dma_wait3A_337] : memref<10000x64xf32, #tpu.memory_space<vmem_shared>> -> memref<80x64xf32, #tpu.memory_space<vmem_shared>>
        %dma_wait3A_339 = arith.constant 0 : i32
        %dma_wait3A_340 = tpu.memref_slice %arg16[%multiple_of3A_261, %dma_wait3A_339] : memref<10000x64xf32, #tpu.memory_space<vmem_shared>> -> memref<80x64xf32, #tpu.memory_space<vmem_shared>>
        tpu.wait_dma2 semaphore(%run_scoped3A : memref<!tpu.dma_semaphore, #tpu.memory_space<semaphore_mem>>) src(%dma_wait3A_340 : memref<80x64xf32, #tpu.memory_space<vmem_shared>>) dst(%arg13 : memref<80x64xf32, #tpu.memory_space<vmem>>)
        tpu.yield
      }) : () -> ()
      %scan3A_262 = arith.constant 0 : i32
      %scan3A_263 = arith.constant 0 : i32
      %scan3A_264 = arith.constant 80 : i32
      %scan3A_265 = arith.addi %scan3A_263, %scan3A_264 : i32
      %scan3A_266 = arith.constant 1 : i32
      scf.for %scan3A_333 = %scan3A_263 to %scan3A_265 step %scan3A_266  : i32 {
        %get3A_334 = arith.index_cast %scan3A_333 : i32 to index
        %get3A_335 = arith.constant 0 : index
        %get3A_336 = tpu.vector_load %arg13[%get3A_334, %get3A_335] {strides = array<i32>} : memref<80x64xf32, #tpu.memory_space<vmem>>, vector<1x16xf32>,
        %get3A_337 = vector.shape_cast %get3A_336 : vector<1x16xf32> to vector<16xf32>
        %add3A_338 = arith.addf %get3A_337, %get3A_193 : vector<16xf32>
        %max3A = arith.constant 0.000000e+00 : f32
        %max3A_339 = vector.broadcast %max3A : f32 to vector<16xf32>
        %max3A_340 = arith.maximumf %add3A_338, %max3A_339 : vector<16xf32>
        %swap3A_341 = arith.index_cast %scan3A_333 : i32 to index
        %swap3A_342 = arith.constant 0 : index
        %swap3A_343 = tpu.vector_load %arg13[%swap3A_341, %swap3A_342] {strides = array<i32>} : memref<80x64xf32, #tpu.memory_space<vmem>>, vector<1x16xf32>,
        %swap3A_344 = vector.shape_cast %swap3A_343 : vector<1x16xf32> to vector<16xf32>
        %swap3A_345 = vector.shape_cast %max3A_340 : vector<16xf32> to vector<1x16xf32>
        tpu.vector_store %arg13[%swap3A_341, %swap3A_342], %swap3A_345 {strides = array<i32>} : memref<80x64xf32, #tpu.memory_space<vmem>>, vector<1x16xf32>,
        %get3A_346 = arith.index_cast %scan3A_333 : i32 to index
        %get3A_347 = arith.constant 16 : index
        %get3A_348 = tpu.vector_load %arg13[%get3A_346, %get3A_347] {strides = array<i32>} : memref<80x64xf32, #tpu.memory_space<vmem>>, vector<1x16xf32>,
        %get3A_349 = vector.shape_cast %get3A_348 : vector<1x16xf32> to vector<16xf32>
        %add3A_350 = arith.addf %get3A_349, %get3A_196 : vector<16xf32>
        %max3A_351 = arith.constant 0.000000e+00 : f32
        %max3A_352 = vector.broadcast %max3A_351 : f32 to vector<16xf32>
        %max3A_353 = arith.maximumf %add3A_350, %max3A_352 : vector<16xf32>
        %swap3A_354 = arith.index_cast %scan3A_333 : i32 to index
        %swap3A_355 = arith.constant 16 : index
        %swap3A_356 = tpu.vector_load %arg13[%swap3A_354, %swap3A_355] {strides = array<i32>} : memref<80x64xf32, #tpu.memory_space<vmem>>, vector<1x16xf32>,
        %swap3A_357 = vector.shape_cast %swap3A_356 : vector<1x16xf32> to vector<16xf32>
        %swap3A_358 = vector.shape_cast %max3A_353 : vector<16xf32> to vector<1x16xf32>
        tpu.vector_store %arg13[%swap3A_354, %swap3A_355], %swap3A_358 {strides = array<i32>} : memref<80x64xf32, #tpu.memory_space<vmem>>, vector<1x16xf32>,
        %get3A_359 = arith.index_cast %scan3A_333 : i32 to index
        %get3A_360 = arith.constant 32 : index
        %get3A_361 = tpu.vector_load %arg13[%get3A_359, %get3A_360] {strides = array<i32>} : memref<80x64xf32, #tpu.memory_space<vmem>>, vector<1x16xf32>,
        %get3A_362 = vector.shape_cast %get3A_361 : vector<1x16xf32> to vector<16xf32>
        %add3A_363 = arith.addf %get3A_362, %get3A_199 : vector<16xf32>
        %max3A_364 = arith.constant 0.000000e+00 : f32
        %max3A_365 = vector.broadcast %max3A_364 : f32 to vector<16xf32>
        %max3A_366 = arith.maximumf %add3A_363, %max3A_365 : vector<16xf32>
        %swap3A_367 = arith.index_cast %scan3A_333 : i32 to index
        %swap3A_368 = arith.constant 32 : index
        %swap3A_369 = tpu.vector_load %arg13[%swap3A_367, %swap3A_368] {strides = array<i32>} : memref<80x64xf32, #tpu.memory_space<vmem>>, vector<1x16xf32>,
        %swap3A_370 = vector.shape_cast %swap3A_369 : vector<1x16xf32> to vector<16xf32>
        %swap3A_371 = vector.shape_cast %max3A_366 : vector<16xf32> to vector<1x16xf32>
        tpu.vector_store %arg13[%swap3A_367, %swap3A_368], %swap3A_371 {strides = array<i32>} : memref<80x64xf32, #tpu.memory_space<vmem>>, vector<1x16xf32>,
        %get3A_372 = arith.index_cast %scan3A_333 : i32 to index
        %get3A_373 = arith.constant 48 : index
        %get3A_374 = tpu.vector_load %arg13[%get3A_372, %get3A_373] {strides = array<i32>} : memref<80x64xf32, #tpu.memory_space<vmem>>, vector<1x16xf32>,
        %get3A_375 = vector.shape_cast %get3A_374 : vector<1x16xf32> to vector<16xf32>
        %add3A_376 = arith.addf %get3A_375, %get3A_202 : vector<16xf32>
        %max3A_377 = arith.constant 0.000000e+00 : f32
        %max3A_378 = vector.broadcast %max3A_377 : f32 to vector<16xf32>
        %max3A_379 = arith.maximumf %add3A_376, %max3A_378 : vector<16xf32>
        %swap3A_380 = arith.index_cast %scan3A_333 : i32 to index
        %swap3A_381 = arith.constant 48 : index
        %swap3A_382 = tpu.vector_load %arg13[%swap3A_380, %swap3A_381] {strides = array<i32>} : memref<80x64xf32, #tpu.memory_space<vmem>>, vector<1x16xf32>,
        %swap3A_383 = vector.shape_cast %swap3A_382 : vector<1x16xf32> to vector<16xf32>
        %swap3A_384 = vector.shape_cast %max3A_379 : vector<16xf32> to vector<1x16xf32>
        tpu.vector_store %arg13[%swap3A_380, %swap3A_381], %swap3A_384 {strides = array<i32>} : memref<80x64xf32, #tpu.memory_space<vmem>>, vector<1x16xf32>,
      }
      %scan3A_267 = arith.constant 80 : i32
      %add3A_268 = arith.constant 0 : i32
      %add3A_269 = arith.addi %multiple_of3A_261, %add3A_268 : i32
      %add3A_270 = vector.broadcast %add3A_269 : i32 to vector<16xi32>
      %add3A_271 = arith.addi %iota3A, %add3A_270 : vector<16xi32>
      %mul3A_272 = arith.constant 2 : i32
      %mul3A_273 = vector.broadcast %mul3A_272 : i32 to vector<16xi32>
      %mul3A_274 = arith.muli %add3A_271, %mul3A_273 : vector<16xi32>
      %add3A_275 = vector.broadcast %arg0 : i32 to vector<16xi32>
      %add3A_276 = arith.addi %mul3A_274, %add3A_275 : vector<16xi32>
      %swap3A_277 = arith.constant 0 : index
      %swap3A_278 = tpu.vector_load %arg14[%swap3A_277] {strides = array<i32>} : memref<80xi32, #tpu.memory_space<vmem>>, vector<16xi32>,
      %swap3A_279 = vector.shape_cast %swap3A_278 : vector<16xi32> to vector<16xi32>
      %swap3A_280 = vector.shape_cast %add3A_276 : vector<16xi32> to vector<16xi32>
      tpu.vector_store %arg14[%swap3A_277], %swap3A_280 {strides = array<i32>} : memref<80xi32, #tpu.memory_space<vmem>>, vector<16xi32>,
      %add3A_281 = arith.constant 16 : i32
      %add3A_282 = arith.addi %multiple_of3A_261, %add3A_281 : i32
      %add3A_283 = vector.broadcast %add3A_282 : i32 to vector<16xi32>
      %add3A_284 = arith.addi %iota3A, %add3A_283 : vector<16xi32>
      %mul3A_285 = arith.constant 2 : i32
      %mul3A_286 = vector.broadcast %mul3A_285 : i32 to vector<16xi32>
      %mul3A_287 = arith.muli %add3A_284, %mul3A_286 : vector<16xi32>
      %add3A_288 = vector.broadcast %arg0 : i32 to vector<16xi32>
      %add3A_289 = arith.addi %mul3A_287, %add3A_288 : vector<16xi32>
      %swap3A_290 = arith.constant 16 : index
      %swap3A_291 = tpu.vector_load %arg14[%swap3A_290] {strides = array<i32>} : memref<80xi32, #tpu.memory_space<vmem>>, vector<16xi32>,
      %swap3A_292 = vector.shape_cast %swap3A_291 : vector<16xi32> to vector<16xi32>
      %swap3A_293 = vector.shape_cast %add3A_289 : vector<16xi32> to vector<16xi32>
      tpu.vector_store %arg14[%swap3A_290], %swap3A_293 {strides = array<i32>} : memref<80xi32, #tpu.memory_space<vmem>>, vector<16xi32>,
      %add3A_294 = arith.constant 32 : i32
      %add3A_295 = arith.addi %multiple_of3A_261, %add3A_294 : i32
      %add3A_296 = vector.broadcast %add3A_295 : i32 to vector<16xi32>
      %add3A_297 = arith.addi %iota3A, %add3A_296 : vector<16xi32>
      %mul3A_298 = arith.constant 2 : i32
      %mul3A_299 = vector.broadcast %mul3A_298 : i32 to vector<16xi32>
      %mul3A_300 = arith.muli %add3A_297, %mul3A_299 : vector<16xi32>
      %add3A_301 = vector.broadcast %arg0 : i32 to vector<16xi32>
      %add3A_302 = arith.addi %mul3A_300, %add3A_301 : vector<16xi32>
      %swap3A_303 = arith.constant 32 : index
      %swap3A_304 = tpu.vector_load %arg14[%swap3A_303] {strides = array<i32>} : memref<80xi32, #tpu.memory_space<vmem>>, vector<16xi32>,
      %swap3A_305 = vector.shape_cast %swap3A_304 : vector<16xi32> to vector<16xi32>
      %swap3A_306 = vector.shape_cast %add3A_302 : vector<16xi32> to vector<16xi32>
      tpu.vector_store %arg14[%swap3A_303], %swap3A_306 {strides = array<i32>} : memref<80xi32, #tpu.memory_space<vmem>>, vector<16xi32>,
      %add3A_307 = arith.constant 48 : i32
      %add3A_308 = arith.addi %multiple_of3A_261, %add3A_307 : i32
      %add3A_309 = vector.broadcast %add3A_308 : i32 to vector<16xi32>
      %add3A_310 = arith.addi %iota3A, %add3A_309 : vector<16xi32>
      %mul3A_311 = arith.constant 2 : i32
      %mul3A_312 = vector.broadcast %mul3A_311 : i32 to vector<16xi32>
      %mul3A_313 = arith.muli %add3A_310, %mul3A_312 : vector<16xi32>
      %add3A_314 = vector.broadcast %arg0 : i32 to vector<16xi32>
      %add3A_315 = arith.addi %mul3A_313, %add3A_314 : vector<16xi32>
      %swap3A_316 = arith.constant 48 : index
      %swap3A_317 = tpu.vector_load %arg14[%swap3A_316] {strides = array<i32>} : memref<80xi32, #tpu.memory_space<vmem>>, vector<16xi32>,
      %swap3A_318 = vector.shape_cast %swap3A_317 : vector<16xi32> to vector<16xi32>
      %swap3A_319 = vector.shape_cast %add3A_315 : vector<16xi32> to vector<16xi32>
      tpu.vector_store %arg14[%swap3A_316], %swap3A_319 {strides = array<i32>} : memref<80xi32, #tpu.memory_space<vmem>>, vector<16xi32>,
      %add3A_320 = arith.constant 64 : i32
      %add3A_321 = arith.addi %multiple_of3A_261, %add3A_320 : i32
      %add3A_322 = vector.broadcast %add3A_321 : i32 to vector<16xi32>
      %add3A_323 = arith.addi %iota3A, %add3A_322 : vector<16xi32>
      %mul3A_324 = arith.constant 2 : i32
      %mul3A_325 = vector.broadcast %mul3A_324 : i32 to vector<16xi32>
      %mul3A_326 = arith.muli %add3A_323, %mul3A_325 : vector<16xi32>
      %add3A_327 = vector.broadcast %arg0 : i32 to vector<16xi32>
      %add3A_328 = arith.addi %mul3A_326, %add3A_327 : vector<16xi32>
      %swap3A_329 = arith.constant 64 : index
      %swap3A_330 = tpu.vector_load %arg14[%swap3A_329] {strides = array<i32>} : memref<80xi32, #tpu.memory_space<vmem>>, vector<16xi32>,
      %swap3A_331 = vector.shape_cast %swap3A_330 : vector<16xi32> to vector<16xi32>
      %swap3A_332 = vector.shape_cast %add3A_328 : vector<16xi32> to vector<16xi32>
      tpu.vector_store %arg14[%swap3A_329], %swap3A_332 {strides = array<i32>} : memref<80xi32, #tpu.memory_space<vmem>>, vector<16xi32>,
      "tpu.region"() ({
        %run_scoped3A = tpu.sem_alloc : memref<!tpu.dma_semaphore, #tpu.memory_space<semaphore_mem>>
        %dma_start3A_333 = arith.constant 0 : i32
        %dma_start3A_334 = arith.constant 0 : i32
        %dma_start3A_335 = tpu.memref_slice %arg6[%dma_start3A_333, %dma_start3A_334] : memref<20000x64xf32, #tpu.memory_space<hbm>> -> memref<20000x64xf32, #tpu.memory_space<hbm>>
        tpu.enqueue_indirect_dma source(%arg13 : memref<80x64xf32, #tpu.memory_space<vmem>>) target(%dma_start3A_335 : memref<20000x64xf32, #tpu.memory_space<hbm>>) offsets(%arg14 : memref<80xi32, #tpu.memory_space<vmem>>) semaphore(%run_scoped3A : memref<!tpu.dma_semaphore, #tpu.memory_space<semaphore_mem>>)
        %dma_wait3A_336 = arith.constant 0 : i32
        %dma_wait3A_337 = arith.constant 0 : i32
        %dma_wait3A_338 = tpu.memref_slice %arg6[%dma_wait3A_336, %dma_wait3A_337] : memref<20000x64xf32, #tpu.memory_space<hbm>> -> memref<20000x64xf32, #tpu.memory_space<hbm>>
        tpu.wait_indirect_dma semaphore(%run_scoped3A : memref<!tpu.dma_semaphore, #tpu.memory_space<semaphore_mem>>) src(%arg13 : memref<80x64xf32, #tpu.memory_space<vmem>>) dst(%dma_wait3A_338 : memref<20000x64xf32, #tpu.memory_space<hbm>>)
        tpu.yield
      }) : () -> ()
    } else {
    }
    %add3A_210 = arith.constant 16 : i32
    %add3A_211 = arith.addi %arg1, %add3A_210 : i32
    %lt3A_212 = arith.constant 125 : i32
    %lt3A_213 = arith.cmpi slt, %add3A_211, %lt3A_212 : i32
    %convert_element_type3A_214 = arith.extui %lt3A_213 : i1 to i32
    %cond3A_215 = arith.constant 0 : i32
    %cond3A_216 = arith.cmpi ne, %convert_element_type3A_214, %cond3A_215 : i32
    scf.if %cond3A_216 {
      %mul3A_259 = arith.constant 80 : i32
      %mul3A_260 = arith.muli %add3A_211, %mul3A_259 : i32
      %multiple_of3A_261 = tpu.assume_multiple %mul3A_260, 8 : i32
      "tpu.region"() ({
        %run_scoped3A = tpu.sem_alloc : memref<!tpu.dma_semaphore, #tpu.memory_space<semaphore_mem>>
        %dma_start3A_333 = arith.constant 0 : i32
        %dma_start3A_334 = tpu.memref_slice %arg16[%multiple_of3A_261, %dma_start3A_333] : memref<10000x64xf32, #tpu.memory_space<vmem_shared>> -> memref<80x64xf32, #tpu.memory_space<vmem_shared>>
        %dma_start3A_335 = arith.constant 0 : i32
        %dma_start3A_336 = tpu.memref_slice %arg16[%multiple_of3A_261, %dma_start3A_335] : memref<10000x64xf32, #tpu.memory_space<vmem_shared>> -> memref<80x64xf32, #tpu.memory_space<vmem_shared>>
        tpu.enqueue_dma source(%dma_start3A_336 : memref<80x64xf32, #tpu.memory_space<vmem_shared>>) target(%arg13 : memref<80x64xf32, #tpu.memory_space<vmem>>) target_semaphore(%run_scoped3A : memref<!tpu.dma_semaphore, #tpu.memory_space<semaphore_mem>>)
        %dma_wait3A_337 = arith.constant 0 : i32
        %dma_wait3A_338 = tpu.memref_slice %arg16[%multiple_of3A_261, %dma_wait3A_337] : memref<10000x64xf32, #tpu.memory_space<vmem_shared>> -> memref<80x64xf32, #tpu.memory_space<vmem_shared>>
        %dma_wait3A_339 = arith.constant 0 : i32
        %dma_wait3A_340 = tpu.memref_slice %arg16[%multiple_of3A_261, %dma_wait3A_339] : memref<10000x64xf32, #tpu.memory_space<vmem_shared>> -> memref<80x64xf32, #tpu.memory_space<vmem_shared>>
        tpu.wait_dma2 semaphore(%run_scoped3A : memref<!tpu.dma_semaphore, #tpu.memory_space<semaphore_mem>>) src(%dma_wait3A_340 : memref<80x64xf32, #tpu.memory_space<vmem_shared>>) dst(%arg13 : memref<80x64xf32, #tpu.memory_space<vmem>>)
        tpu.yield
      }) : () -> ()
      %scan3A_262 = arith.constant 0 : i32
      %scan3A_263 = arith.constant 0 : i32
      %scan3A_264 = arith.constant 80 : i32
      %scan3A_265 = arith.addi %scan3A_263, %scan3A_264 : i32
      %scan3A_266 = arith.constant 1 : i32
      scf.for %scan3A_333 = %scan3A_263 to %scan3A_265 step %scan3A_266  : i32 {
        %get3A_334 = arith.index_cast %scan3A_333 : i32 to index
        %get3A_335 = arith.constant 0 : index
        %get3A_336 = tpu.vector_load %arg13[%get3A_334, %get3A_335] {strides = array<i32>} : memref<80x64xf32, #tpu.memory_space<vmem>>, vector<1x16xf32>,
        %get3A_337 = vector.shape_cast %get3A_336 : vector<1x16xf32> to vector<16xf32>
        %add3A_338 = arith.addf %get3A_337, %get3A_193 : vector<16xf32>
        %max3A = arith.constant 0.000000e+00 : f32
        %max3A_339 = vector.broadcast %max3A : f32 to vector<16xf32>
        %max3A_340 = arith.maximumf %add3A_338, %max3A_339 : vector<16xf32>
        %swap3A_341 = arith.index_cast %scan3A_333 : i32 to index
        %swap3A_342 = arith.constant 0 : index
        %swap3A_343 = tpu.vector_load %arg13[%swap3A_341, %swap3A_342] {strides = array<i32>} : memref<80x64xf32, #tpu.memory_space<vmem>>, vector<1x16xf32>,
        %swap3A_344 = vector.shape_cast %swap3A_343 : vector<1x16xf32> to vector<16xf32>
        %swap3A_345 = vector.shape_cast %max3A_340 : vector<16xf32> to vector<1x16xf32>
        tpu.vector_store %arg13[%swap3A_341, %swap3A_342], %swap3A_345 {strides = array<i32>} : memref<80x64xf32, #tpu.memory_space<vmem>>, vector<1x16xf32>,
        %get3A_346 = arith.index_cast %scan3A_333 : i32 to index
        %get3A_347 = arith.constant 16 : index
        %get3A_348 = tpu.vector_load %arg13[%get3A_346, %get3A_347] {strides = array<i32>} : memref<80x64xf32, #tpu.memory_space<vmem>>, vector<1x16xf32>,
        %get3A_349 = vector.shape_cast %get3A_348 : vector<1x16xf32> to vector<16xf32>
        %add3A_350 = arith.addf %get3A_349, %get3A_196 : vector<16xf32>
        %max3A_351 = arith.constant 0.000000e+00 : f32
        %max3A_352 = vector.broadcast %max3A_351 : f32 to vector<16xf32>
        %max3A_353 = arith.maximumf %add3A_350, %max3A_352 : vector<16xf32>
        %swap3A_354 = arith.index_cast %scan3A_333 : i32 to index
        %swap3A_355 = arith.constant 16 : index
        %swap3A_356 = tpu.vector_load %arg13[%swap3A_354, %swap3A_355] {strides = array<i32>} : memref<80x64xf32, #tpu.memory_space<vmem>>, vector<1x16xf32>,
        %swap3A_357 = vector.shape_cast %swap3A_356 : vector<1x16xf32> to vector<16xf32>
        %swap3A_358 = vector.shape_cast %max3A_353 : vector<16xf32> to vector<1x16xf32>
        tpu.vector_store %arg13[%swap3A_354, %swap3A_355], %swap3A_358 {strides = array<i32>} : memref<80x64xf32, #tpu.memory_space<vmem>>, vector<1x16xf32>,
        %get3A_359 = arith.index_cast %scan3A_333 : i32 to index
        %get3A_360 = arith.constant 32 : index
        %get3A_361 = tpu.vector_load %arg13[%get3A_359, %get3A_360] {strides = array<i32>} : memref<80x64xf32, #tpu.memory_space<vmem>>, vector<1x16xf32>,
        %get3A_362 = vector.shape_cast %get3A_361 : vector<1x16xf32> to vector<16xf32>
        %add3A_363 = arith.addf %get3A_362, %get3A_199 : vector<16xf32>
        %max3A_364 = arith.constant 0.000000e+00 : f32
        %max3A_365 = vector.broadcast %max3A_364 : f32 to vector<16xf32>
        %max3A_366 = arith.maximumf %add3A_363, %max3A_365 : vector<16xf32>
        %swap3A_367 = arith.index_cast %scan3A_333 : i32 to index
        %swap3A_368 = arith.constant 32 : index
        %swap3A_369 = tpu.vector_load %arg13[%swap3A_367, %swap3A_368] {strides = array<i32>} : memref<80x64xf32, #tpu.memory_space<vmem>>, vector<1x16xf32>,
        %swap3A_370 = vector.shape_cast %swap3A_369 : vector<1x16xf32> to vector<16xf32>
        %swap3A_371 = vector.shape_cast %max3A_366 : vector<16xf32> to vector<1x16xf32>
        tpu.vector_store %arg13[%swap3A_367, %swap3A_368], %swap3A_371 {strides = array<i32>} : memref<80x64xf32, #tpu.memory_space<vmem>>, vector<1x16xf32>,
        %get3A_372 = arith.index_cast %scan3A_333 : i32 to index
        %get3A_373 = arith.constant 48 : index
        %get3A_374 = tpu.vector_load %arg13[%get3A_372, %get3A_373] {strides = array<i32>} : memref<80x64xf32, #tpu.memory_space<vmem>>, vector<1x16xf32>,
        %get3A_375 = vector.shape_cast %get3A_374 : vector<1x16xf32> to vector<16xf32>
        %add3A_376 = arith.addf %get3A_375, %get3A_202 : vector<16xf32>
        %max3A_377 = arith.constant 0.000000e+00 : f32
        %max3A_378 = vector.broadcast %max3A_377 : f32 to vector<16xf32>
        %max3A_379 = arith.maximumf %add3A_376, %max3A_378 : vector<16xf32>
        %swap3A_380 = arith.index_cast %scan3A_333 : i32 to index
        %swap3A_381 = arith.constant 48 : index
        %swap3A_382 = tpu.vector_load %arg13[%swap3A_380, %swap3A_381] {strides = array<i32>} : memref<80x64xf32, #tpu.memory_space<vmem>>, vector<1x16xf32>,
        %swap3A_383 = vector.shape_cast %swap3A_382 : vector<1x16xf32> to vector<16xf32>
        %swap3A_384 = vector.shape_cast %max3A_379 : vector<16xf32> to vector<1x16xf32>
        tpu.vector_store %arg13[%swap3A_380, %swap3A_381], %swap3A_384 {strides = array<i32>} : memref<80x64xf32, #tpu.memory_space<vmem>>, vector<1x16xf32>,
      }
      %scan3A_267 = arith.constant 80 : i32
      %add3A_268 = arith.constant 0 : i32
      %add3A_269 = arith.addi %multiple_of3A_261, %add3A_268 : i32
      %add3A_270 = vector.broadcast %add3A_269 : i32 to vector<16xi32>
      %add3A_271 = arith.addi %iota3A, %add3A_270 : vector<16xi32>
      %mul3A_272 = arith.constant 2 : i32
      %mul3A_273 = vector.broadcast %mul3A_272 : i32 to vector<16xi32>
      %mul3A_274 = arith.muli %add3A_271, %mul3A_273 : vector<16xi32>
      %add3A_275 = vector.broadcast %arg0 : i32 to vector<16xi32>
      %add3A_276 = arith.addi %mul3A_274, %add3A_275 : vector<16xi32>
      %swap3A_277 = arith.constant 0 : index
      %swap3A_278 = tpu.vector_load %arg14[%swap3A_277] {strides = array<i32>} : memref<80xi32, #tpu.memory_space<vmem>>, vector<16xi32>,
      %swap3A_279 = vector.shape_cast %swap3A_278 : vector<16xi32> to vector<16xi32>
      %swap3A_280 = vector.shape_cast %add3A_276 : vector<16xi32> to vector<16xi32>
      tpu.vector_store %arg14[%swap3A_277], %swap3A_280 {strides = array<i32>} : memref<80xi32, #tpu.memory_space<vmem>>, vector<16xi32>,
      %add3A_281 = arith.constant 16 : i32
      %add3A_282 = arith.addi %multiple_of3A_261, %add3A_281 : i32
      %add3A_283 = vector.broadcast %add3A_282 : i32 to vector<16xi32>
      %add3A_284 = arith.addi %iota3A, %add3A_283 : vector<16xi32>
      %mul3A_285 = arith.constant 2 : i32
      %mul3A_286 = vector.broadcast %mul3A_285 : i32 to vector<16xi32>
      %mul3A_287 = arith.muli %add3A_284, %mul3A_286 : vector<16xi32>
      %add3A_288 = vector.broadcast %arg0 : i32 to vector<16xi32>
      %add3A_289 = arith.addi %mul3A_287, %add3A_288 : vector<16xi32>
      %swap3A_290 = arith.constant 16 : index
      %swap3A_291 = tpu.vector_load %arg14[%swap3A_290] {strides = array<i32>} : memref<80xi32, #tpu.memory_space<vmem>>, vector<16xi32>,
      %swap3A_292 = vector.shape_cast %swap3A_291 : vector<16xi32> to vector<16xi32>
      %swap3A_293 = vector.shape_cast %add3A_289 : vector<16xi32> to vector<16xi32>
      tpu.vector_store %arg14[%swap3A_290], %swap3A_293 {strides = array<i32>} : memref<80xi32, #tpu.memory_space<vmem>>, vector<16xi32>,
      %add3A_294 = arith.constant 32 : i32
      %add3A_295 = arith.addi %multiple_of3A_261, %add3A_294 : i32
      %add3A_296 = vector.broadcast %add3A_295 : i32 to vector<16xi32>
      %add3A_297 = arith.addi %iota3A, %add3A_296 : vector<16xi32>
      %mul3A_298 = arith.constant 2 : i32
      %mul3A_299 = vector.broadcast %mul3A_298 : i32 to vector<16xi32>
      %mul3A_300 = arith.muli %add3A_297, %mul3A_299 : vector<16xi32>
      %add3A_301 = vector.broadcast %arg0 : i32 to vector<16xi32>
      %add3A_302 = arith.addi %mul3A_300, %add3A_301 : vector<16xi32>
      %swap3A_303 = arith.constant 32 : index
      %swap3A_304 = tpu.vector_load %arg14[%swap3A_303] {strides = array<i32>} : memref<80xi32, #tpu.memory_space<vmem>>, vector<16xi32>,
      %swap3A_305 = vector.shape_cast %swap3A_304 : vector<16xi32> to vector<16xi32>
      %swap3A_306 = vector.shape_cast %add3A_302 : vector<16xi32> to vector<16xi32>
      tpu.vector_store %arg14[%swap3A_303], %swap3A_306 {strides = array<i32>} : memref<80xi32, #tpu.memory_space<vmem>>, vector<16xi32>,
      %add3A_307 = arith.constant 48 : i32
      %add3A_308 = arith.addi %multiple_of3A_261, %add3A_307 : i32
      %add3A_309 = vector.broadcast %add3A_308 : i32 to vector<16xi32>
      %add3A_310 = arith.addi %iota3A, %add3A_309 : vector<16xi32>
      %mul3A_311 = arith.constant 2 : i32
      %mul3A_312 = vector.broadcast %mul3A_311 : i32 to vector<16xi32>
      %mul3A_313 = arith.muli %add3A_310, %mul3A_312 : vector<16xi32>
      %add3A_314 = vector.broadcast %arg0 : i32 to vector<16xi32>
      %add3A_315 = arith.addi %mul3A_313, %add3A_314 : vector<16xi32>
      %swap3A_316 = arith.constant 48 : index
      %swap3A_317 = tpu.vector_load %arg14[%swap3A_316] {strides = array<i32>} : memref<80xi32, #tpu.memory_space<vmem>>, vector<16xi32>,
      %swap3A_318 = vector.shape_cast %swap3A_317 : vector<16xi32> to vector<16xi32>
      %swap3A_319 = vector.shape_cast %add3A_315 : vector<16xi32> to vector<16xi32>
      tpu.vector_store %arg14[%swap3A_316], %swap3A_319 {strides = array<i32>} : memref<80xi32, #tpu.memory_space<vmem>>, vector<16xi32>,
      %add3A_320 = arith.constant 64 : i32
      %add3A_321 = arith.addi %multiple_of3A_261, %add3A_320 : i32
      %add3A_322 = vector.broadcast %add3A_321 : i32 to vector<16xi32>
      %add3A_323 = arith.addi %iota3A, %add3A_322 : vector<16xi32>
      %mul3A_324 = arith.constant 2 : i32
      %mul3A_325 = vector.broadcast %mul3A_324 : i32 to vector<16xi32>
      %mul3A_326 = arith.muli %add3A_323, %mul3A_325 : vector<16xi32>
      %add3A_327 = vector.broadcast %arg0 : i32 to vector<16xi32>
      %add3A_328 = arith.addi %mul3A_326, %add3A_327 : vector<16xi32>
      %swap3A_329 = arith.constant 64 : index
      %swap3A_330 = tpu.vector_load %arg14[%swap3A_329] {strides = array<i32>} : memref<80xi32, #tpu.memory_space<vmem>>, vector<16xi32>,
      %swap3A_331 = vector.shape_cast %swap3A_330 : vector<16xi32> to vector<16xi32>
      %swap3A_332 = vector.shape_cast %add3A_328 : vector<16xi32> to vector<16xi32>
      tpu.vector_store %arg14[%swap3A_329], %swap3A_332 {strides = array<i32>} : memref<80xi32, #tpu.memory_space<vmem>>, vector<16xi32>,
      "tpu.region"() ({
        %run_scoped3A = tpu.sem_alloc : memref<!tpu.dma_semaphore, #tpu.memory_space<semaphore_mem>>
        %dma_start3A_333 = arith.constant 0 : i32
        %dma_start3A_334 = arith.constant 0 : i32
        %dma_start3A_335 = tpu.memref_slice %arg6[%dma_start3A_333, %dma_start3A_334] : memref<20000x64xf32, #tpu.memory_space<hbm>> -> memref<20000x64xf32, #tpu.memory_space<hbm>>
        tpu.enqueue_indirect_dma source(%arg13 : memref<80x64xf32, #tpu.memory_space<vmem>>) target(%dma_start3A_335 : memref<20000x64xf32, #tpu.memory_space<hbm>>) offsets(%arg14 : memref<80xi32, #tpu.memory_space<vmem>>) semaphore(%run_scoped3A : memref<!tpu.dma_semaphore, #tpu.memory_space<semaphore_mem>>)
        %dma_wait3A_336 = arith.constant 0 : i32
        %dma_wait3A_337 = arith.constant 0 : i32
        %dma_wait3A_338 = tpu.memref_slice %arg6[%dma_wait3A_336, %dma_wait3A_337] : memref<20000x64xf32, #tpu.memory_space<hbm>> -> memref<20000x64xf32, #tpu.memory_space<hbm>>
        tpu.wait_indirect_dma semaphore(%run_scoped3A : memref<!tpu.dma_semaphore, #tpu.memory_space<semaphore_mem>>) src(%arg13 : memref<80x64xf32, #tpu.memory_space<vmem>>) dst(%dma_wait3A_338 : memref<20000x64xf32, #tpu.memory_space<hbm>>)
        tpu.yield
      }) : () -> ()
    } else {
    }
    %add3A_217 = arith.constant 32 : i32
    %add3A_218 = arith.addi %arg1, %add3A_217 : i32
    %lt3A_219 = arith.constant 125 : i32
    %lt3A_220 = arith.cmpi slt, %add3A_218, %lt3A_219 : i32
    %convert_element_type3A_221 = arith.extui %lt3A_220 : i1 to i32
    %cond3A_222 = arith.constant 0 : i32
    %cond3A_223 = arith.cmpi ne, %convert_element_type3A_221, %cond3A_222 : i32
    scf.if %cond3A_223 {
      %mul3A_259 = arith.constant 80 : i32
      %mul3A_260 = arith.muli %add3A_218, %mul3A_259 : i32
      %multiple_of3A_261 = tpu.assume_multiple %mul3A_260, 8 : i32
      "tpu.region"() ({
        %run_scoped3A = tpu.sem_alloc : memref<!tpu.dma_semaphore, #tpu.memory_space<semaphore_mem>>
        %dma_start3A_333 = arith.constant 0 : i32
        %dma_start3A_334 = tpu.memref_slice %arg16[%multiple_of3A_261, %dma_start3A_333] : memref<10000x64xf32, #tpu.memory_space<vmem_shared>> -> memref<80x64xf32, #tpu.memory_space<vmem_shared>>
        %dma_start3A_335 = arith.constant 0 : i32
        %dma_start3A_336 = tpu.memref_slice %arg16[%multiple_of3A_261, %dma_start3A_335] : memref<10000x64xf32, #tpu.memory_space<vmem_shared>> -> memref<80x64xf32, #tpu.memory_space<vmem_shared>>
        tpu.enqueue_dma source(%dma_start3A_336 : memref<80x64xf32, #tpu.memory_space<vmem_shared>>) target(%arg13 : memref<80x64xf32, #tpu.memory_space<vmem>>) target_semaphore(%run_scoped3A : memref<!tpu.dma_semaphore, #tpu.memory_space<semaphore_mem>>)
        %dma_wait3A_337 = arith.constant 0 : i32
        %dma_wait3A_338 = tpu.memref_slice %arg16[%multiple_of3A_261, %dma_wait3A_337] : memref<10000x64xf32, #tpu.memory_space<vmem_shared>> -> memref<80x64xf32, #tpu.memory_space<vmem_shared>>
        %dma_wait3A_339 = arith.constant 0 : i32
        %dma_wait3A_340 = tpu.memref_slice %arg16[%multiple_of3A_261, %dma_wait3A_339] : memref<10000x64xf32, #tpu.memory_space<vmem_shared>> -> memref<80x64xf32, #tpu.memory_space<vmem_shared>>
        tpu.wait_dma2 semaphore(%run_scoped3A : memref<!tpu.dma_semaphore, #tpu.memory_space<semaphore_mem>>) src(%dma_wait3A_340 : memref<80x64xf32, #tpu.memory_space<vmem_shared>>) dst(%arg13 : memref<80x64xf32, #tpu.memory_space<vmem>>)
        tpu.yield
      }) : () -> ()
      %scan3A_262 = arith.constant 0 : i32
      %scan3A_263 = arith.constant 0 : i32
      %scan3A_264 = arith.constant 80 : i32
      %scan3A_265 = arith.addi %scan3A_263, %scan3A_264 : i32
      %scan3A_266 = arith.constant 1 : i32
      scf.for %scan3A_333 = %scan3A_263 to %scan3A_265 step %scan3A_266  : i32 {
        %get3A_334 = arith.index_cast %scan3A_333 : i32 to index
        %get3A_335 = arith.constant 0 : index
        %get3A_336 = tpu.vector_load %arg13[%get3A_334, %get3A_335] {strides = array<i32>} : memref<80x64xf32, #tpu.memory_space<vmem>>, vector<1x16xf32>,
        %get3A_337 = vector.shape_cast %get3A_336 : vector<1x16xf32> to vector<16xf32>
        %add3A_338 = arith.addf %get3A_337, %get3A_193 : vector<16xf32>
        %max3A = arith.constant 0.000000e+00 : f32
        %max3A_339 = vector.broadcast %max3A : f32 to vector<16xf32>
        %max3A_340 = arith.maximumf %add3A_338, %max3A_339 : vector<16xf32>
        %swap3A_341 = arith.index_cast %scan3A_333 : i32 to index
        %swap3A_342 = arith.constant 0 : index
        %swap3A_343 = tpu.vector_load %arg13[%swap3A_341, %swap3A_342] {strides = array<i32>} : memref<80x64xf32, #tpu.memory_space<vmem>>, vector<1x16xf32>,
        %swap3A_344 = vector.shape_cast %swap3A_343 : vector<1x16xf32> to vector<16xf32>
        %swap3A_345 = vector.shape_cast %max3A_340 : vector<16xf32> to vector<1x16xf32>
        tpu.vector_store %arg13[%swap3A_341, %swap3A_342], %swap3A_345 {strides = array<i32>} : memref<80x64xf32, #tpu.memory_space<vmem>>, vector<1x16xf32>,
        %get3A_346 = arith.index_cast %scan3A_333 : i32 to index
        %get3A_347 = arith.constant 16 : index
        %get3A_348 = tpu.vector_load %arg13[%get3A_346, %get3A_347] {strides = array<i32>} : memref<80x64xf32, #tpu.memory_space<vmem>>, vector<1x16xf32>,
        %get3A_349 = vector.shape_cast %get3A_348 : vector<1x16xf32> to vector<16xf32>
        %add3A_350 = arith.addf %get3A_349, %get3A_196 : vector<16xf32>
        %max3A_351 = arith.constant 0.000000e+00 : f32
        %max3A_352 = vector.broadcast %max3A_351 : f32 to vector<16xf32>
        %max3A_353 = arith.maximumf %add3A_350, %max3A_352 : vector<16xf32>
        %swap3A_354 = arith.index_cast %scan3A_333 : i32 to index
        %swap3A_355 = arith.constant 16 : index
        %swap3A_356 = tpu.vector_load %arg13[%swap3A_354, %swap3A_355] {strides = array<i32>} : memref<80x64xf32, #tpu.memory_space<vmem>>, vector<1x16xf32>,
        %swap3A_357 = vector.shape_cast %swap3A_356 : vector<1x16xf32> to vector<16xf32>
        %swap3A_358 = vector.shape_cast %max3A_353 : vector<16xf32> to vector<1x16xf32>
        tpu.vector_store %arg13[%swap3A_354, %swap3A_355], %swap3A_358 {strides = array<i32>} : memref<80x64xf32, #tpu.memory_space<vmem>>, vector<1x16xf32>,
        %get3A_359 = arith.index_cast %scan3A_333 : i32 to index
        %get3A_360 = arith.constant 32 : index
        %get3A_361 = tpu.vector_load %arg13[%get3A_359, %get3A_360] {strides = array<i32>} : memref<80x64xf32, #tpu.memory_space<vmem>>, vector<1x16xf32>,
        %get3A_362 = vector.shape_cast %get3A_361 : vector<1x16xf32> to vector<16xf32>
        %add3A_363 = arith.addf %get3A_362, %get3A_199 : vector<16xf32>
        %max3A_364 = arith.constant 0.000000e+00 : f32
        %max3A_365 = vector.broadcast %max3A_364 : f32 to vector<16xf32>
        %max3A_366 = arith.maximumf %add3A_363, %max3A_365 : vector<16xf32>
        %swap3A_367 = arith.index_cast %scan3A_333 : i32 to index
        %swap3A_368 = arith.constant 32 : index
        %swap3A_369 = tpu.vector_load %arg13[%swap3A_367, %swap3A_368] {strides = array<i32>} : memref<80x64xf32, #tpu.memory_space<vmem>>, vector<1x16xf32>,
        %swap3A_370 = vector.shape_cast %swap3A_369 : vector<1x16xf32> to vector<16xf32>
        %swap3A_371 = vector.shape_cast %max3A_366 : vector<16xf32> to vector<1x16xf32>
        tpu.vector_store %arg13[%swap3A_367, %swap3A_368], %swap3A_371 {strides = array<i32>} : memref<80x64xf32, #tpu.memory_space<vmem>>, vector<1x16xf32>,
        %get3A_372 = arith.index_cast %scan3A_333 : i32 to index
        %get3A_373 = arith.constant 48 : index
        %get3A_374 = tpu.vector_load %arg13[%get3A_372, %get3A_373] {strides = array<i32>} : memref<80x64xf32, #tpu.memory_space<vmem>>, vector<1x16xf32>,
        %get3A_375 = vector.shape_cast %get3A_374 : vector<1x16xf32> to vector<16xf32>
        %add3A_376 = arith.addf %get3A_375, %get3A_202 : vector<16xf32>
        %max3A_377 = arith.constant 0.000000e+00 : f32
        %max3A_378 = vector.broadcast %max3A_377 : f32 to vector<16xf32>
        %max3A_379 = arith.maximumf %add3A_376, %max3A_378 : vector<16xf32>
        %swap3A_380 = arith.index_cast %scan3A_333 : i32 to index
        %swap3A_381 = arith.constant 48 : index
        %swap3A_382 = tpu.vector_load %arg13[%swap3A_380, %swap3A_381] {strides = array<i32>} : memref<80x64xf32, #tpu.memory_space<vmem>>, vector<1x16xf32>,
        %swap3A_383 = vector.shape_cast %swap3A_382 : vector<1x16xf32> to vector<16xf32>
        %swap3A_384 = vector.shape_cast %max3A_379 : vector<16xf32> to vector<1x16xf32>
        tpu.vector_store %arg13[%swap3A_380, %swap3A_381], %swap3A_384 {strides = array<i32>} : memref<80x64xf32, #tpu.memory_space<vmem>>, vector<1x16xf32>,
      }
      %scan3A_267 = arith.constant 80 : i32
      %add3A_268 = arith.constant 0 : i32
      %add3A_269 = arith.addi %multiple_of3A_261, %add3A_268 : i32
      %add3A_270 = vector.broadcast %add3A_269 : i32 to vector<16xi32>
      %add3A_271 = arith.addi %iota3A, %add3A_270 : vector<16xi32>
      %mul3A_272 = arith.constant 2 : i32
      %mul3A_273 = vector.broadcast %mul3A_272 : i32 to vector<16xi32>
      %mul3A_274 = arith.muli %add3A_271, %mul3A_273 : vector<16xi32>
      %add3A_275 = vector.broadcast %arg0 : i32 to vector<16xi32>
      %add3A_276 = arith.addi %mul3A_274, %add3A_275 : vector<16xi32>
      %swap3A_277 = arith.constant 0 : index
      %swap3A_278 = tpu.vector_load %arg14[%swap3A_277] {strides = array<i32>} : memref<80xi32, #tpu.memory_space<vmem>>, vector<16xi32>,
      %swap3A_279 = vector.shape_cast %swap3A_278 : vector<16xi32> to vector<16xi32>
      %swap3A_280 = vector.shape_cast %add3A_276 : vector<16xi32> to vector<16xi32>
      tpu.vector_store %arg14[%swap3A_277], %swap3A_280 {strides = array<i32>} : memref<80xi32, #tpu.memory_space<vmem>>, vector<16xi32>,
      %add3A_281 = arith.constant 16 : i32
      %add3A_282 = arith.addi %multiple_of3A_261, %add3A_281 : i32
      %add3A_283 = vector.broadcast %add3A_282 : i32 to vector<16xi32>
      %add3A_284 = arith.addi %iota3A, %add3A_283 : vector<16xi32>
      %mul3A_285 = arith.constant 2 : i32
      %mul3A_286 = vector.broadcast %mul3A_285 : i32 to vector<16xi32>
      %mul3A_287 = arith.muli %add3A_284, %mul3A_286 : vector<16xi32>
      %add3A_288 = vector.broadcast %arg0 : i32 to vector<16xi32>
      %add3A_289 = arith.addi %mul3A_287, %add3A_288 : vector<16xi32>
      %swap3A_290 = arith.constant 16 : index
      %swap3A_291 = tpu.vector_load %arg14[%swap3A_290] {strides = array<i32>} : memref<80xi32, #tpu.memory_space<vmem>>, vector<16xi32>,
      %swap3A_292 = vector.shape_cast %swap3A_291 : vector<16xi32> to vector<16xi32>
      %swap3A_293 = vector.shape_cast %add3A_289 : vector<16xi32> to vector<16xi32>
      tpu.vector_store %arg14[%swap3A_290], %swap3A_293 {strides = array<i32>} : memref<80xi32, #tpu.memory_space<vmem>>, vector<16xi32>,
      %add3A_294 = arith.constant 32 : i32
      %add3A_295 = arith.addi %multiple_of3A_261, %add3A_294 : i32
      %add3A_296 = vector.broadcast %add3A_295 : i32 to vector<16xi32>
      %add3A_297 = arith.addi %iota3A, %add3A_296 : vector<16xi32>
      %mul3A_298 = arith.constant 2 : i32
      %mul3A_299 = vector.broadcast %mul3A_298 : i32 to vector<16xi32>
      %mul3A_300 = arith.muli %add3A_297, %mul3A_299 : vector<16xi32>
      %add3A_301 = vector.broadcast %arg0 : i32 to vector<16xi32>
      %add3A_302 = arith.addi %mul3A_300, %add3A_301 : vector<16xi32>
      %swap3A_303 = arith.constant 32 : index
      %swap3A_304 = tpu.vector_load %arg14[%swap3A_303] {strides = array<i32>} : memref<80xi32, #tpu.memory_space<vmem>>, vector<16xi32>,
      %swap3A_305 = vector.shape_cast %swap3A_304 : vector<16xi32> to vector<16xi32>
      %swap3A_306 = vector.shape_cast %add3A_302 : vector<16xi32> to vector<16xi32>
      tpu.vector_store %arg14[%swap3A_303], %swap3A_306 {strides = array<i32>} : memref<80xi32, #tpu.memory_space<vmem>>, vector<16xi32>,
      %add3A_307 = arith.constant 48 : i32
      %add3A_308 = arith.addi %multiple_of3A_261, %add3A_307 : i32
      %add3A_309 = vector.broadcast %add3A_308 : i32 to vector<16xi32>
      %add3A_310 = arith.addi %iota3A, %add3A_309 : vector<16xi32>
      %mul3A_311 = arith.constant 2 : i32
      %mul3A_312 = vector.broadcast %mul3A_311 : i32 to vector<16xi32>
      %mul3A_313 = arith.muli %add3A_310, %mul3A_312 : vector<16xi32>
      %add3A_314 = vector.broadcast %arg0 : i32 to vector<16xi32>
      %add3A_315 = arith.addi %mul3A_313, %add3A_314 : vector<16xi32>
      %swap3A_316 = arith.constant 48 : index
      %swap3A_317 = tpu.vector_load %arg14[%swap3A_316] {strides = array<i32>} : memref<80xi32, #tpu.memory_space<vmem>>, vector<16xi32>,
      %swap3A_318 = vector.shape_cast %swap3A_317 : vector<16xi32> to vector<16xi32>
      %swap3A_319 = vector.shape_cast %add3A_315 : vector<16xi32> to vector<16xi32>
      tpu.vector_store %arg14[%swap3A_316], %swap3A_319 {strides = array<i32>} : memref<80xi32, #tpu.memory_space<vmem>>, vector<16xi32>,
      %add3A_320 = arith.constant 64 : i32
      %add3A_321 = arith.addi %multiple_of3A_261, %add3A_320 : i32
      %add3A_322 = vector.broadcast %add3A_321 : i32 to vector<16xi32>
      %add3A_323 = arith.addi %iota3A, %add3A_322 : vector<16xi32>
      %mul3A_324 = arith.constant 2 : i32
      %mul3A_325 = vector.broadcast %mul3A_324 : i32 to vector<16xi32>
      %mul3A_326 = arith.muli %add3A_323, %mul3A_325 : vector<16xi32>
      %add3A_327 = vector.broadcast %arg0 : i32 to vector<16xi32>
      %add3A_328 = arith.addi %mul3A_326, %add3A_327 : vector<16xi32>
      %swap3A_329 = arith.constant 64 : index
      %swap3A_330 = tpu.vector_load %arg14[%swap3A_329] {strides = array<i32>} : memref<80xi32, #tpu.memory_space<vmem>>, vector<16xi32>,
      %swap3A_331 = vector.shape_cast %swap3A_330 : vector<16xi32> to vector<16xi32>
      %swap3A_332 = vector.shape_cast %add3A_328 : vector<16xi32> to vector<16xi32>
      tpu.vector_store %arg14[%swap3A_329], %swap3A_332 {strides = array<i32>} : memref<80xi32, #tpu.memory_space<vmem>>, vector<16xi32>,
      "tpu.region"() ({
        %run_scoped3A = tpu.sem_alloc : memref<!tpu.dma_semaphore, #tpu.memory_space<semaphore_mem>>
        %dma_start3A_333 = arith.constant 0 : i32
        %dma_start3A_334 = arith.constant 0 : i32
        %dma_start3A_335 = tpu.memref_slice %arg6[%dma_start3A_333, %dma_start3A_334] : memref<20000x64xf32, #tpu.memory_space<hbm>> -> memref<20000x64xf32, #tpu.memory_space<hbm>>
        tpu.enqueue_indirect_dma source(%arg13 : memref<80x64xf32, #tpu.memory_space<vmem>>) target(%dma_start3A_335 : memref<20000x64xf32, #tpu.memory_space<hbm>>) offsets(%arg14 : memref<80xi32, #tpu.memory_space<vmem>>) semaphore(%run_scoped3A : memref<!tpu.dma_semaphore, #tpu.memory_space<semaphore_mem>>)
        %dma_wait3A_336 = arith.constant 0 : i32
        %dma_wait3A_337 = arith.constant 0 : i32
        %dma_wait3A_338 = tpu.memref_slice %arg6[%dma_wait3A_336, %dma_wait3A_337] : memref<20000x64xf32, #tpu.memory_space<hbm>> -> memref<20000x64xf32, #tpu.memory_space<hbm>>
        tpu.wait_indirect_dma semaphore(%run_scoped3A : memref<!tpu.dma_semaphore, #tpu.memory_space<semaphore_mem>>) src(%arg13 : memref<80x64xf32, #tpu.memory_space<vmem>>) dst(%dma_wait3A_338 : memref<20000x64xf32, #tpu.memory_space<hbm>>)
        tpu.yield
      }) : () -> ()
    } else {
    }
    %add3A_224 = arith.constant 48 : i32
    %add3A_225 = arith.addi %arg1, %add3A_224 : i32
    %lt3A_226 = arith.constant 125 : i32
    %lt3A_227 = arith.cmpi slt, %add3A_225, %lt3A_226 : i32
    %convert_element_type3A_228 = arith.extui %lt3A_227 : i1 to i32
    %cond3A_229 = arith.constant 0 : i32
    %cond3A_230 = arith.cmpi ne, %convert_element_type3A_228, %cond3A_229 : i32
    scf.if %cond3A_230 {
      %mul3A_259 = arith.constant 80 : i32
      %mul3A_260 = arith.muli %add3A_225, %mul3A_259 : i32
      %multiple_of3A_261 = tpu.assume_multiple %mul3A_260, 8 : i32
      "tpu.region"() ({
        %run_scoped3A = tpu.sem_alloc : memref<!tpu.dma_semaphore, #tpu.memory_space<semaphore_mem>>
        %dma_start3A_333 = arith.constant 0 : i32
        %dma_start3A_334 = tpu.memref_slice %arg16[%multiple_of3A_261, %dma_start3A_333] : memref<10000x64xf32, #tpu.memory_space<vmem_shared>> -> memref<80x64xf32, #tpu.memory_space<vmem_shared>>
        %dma_start3A_335 = arith.constant 0 : i32
        %dma_start3A_336 = tpu.memref_slice %arg16[%multiple_of3A_261, %dma_start3A_335] : memref<10000x64xf32, #tpu.memory_space<vmem_shared>> -> memref<80x64xf32, #tpu.memory_space<vmem_shared>>
        tpu.enqueue_dma source(%dma_start3A_336 : memref<80x64xf32, #tpu.memory_space<vmem_shared>>) target(%arg13 : memref<80x64xf32, #tpu.memory_space<vmem>>) target_semaphore(%run_scoped3A : memref<!tpu.dma_semaphore, #tpu.memory_space<semaphore_mem>>)
        %dma_wait3A_337 = arith.constant 0 : i32
        %dma_wait3A_338 = tpu.memref_slice %arg16[%multiple_of3A_261, %dma_wait3A_337] : memref<10000x64xf32, #tpu.memory_space<vmem_shared>> -> memref<80x64xf32, #tpu.memory_space<vmem_shared>>
        %dma_wait3A_339 = arith.constant 0 : i32
        %dma_wait3A_340 = tpu.memref_slice %arg16[%multiple_of3A_261, %dma_wait3A_339] : memref<10000x64xf32, #tpu.memory_space<vmem_shared>> -> memref<80x64xf32, #tpu.memory_space<vmem_shared>>
        tpu.wait_dma2 semaphore(%run_scoped3A : memref<!tpu.dma_semaphore, #tpu.memory_space<semaphore_mem>>) src(%dma_wait3A_340 : memref<80x64xf32, #tpu.memory_space<vmem_shared>>) dst(%arg13 : memref<80x64xf32, #tpu.memory_space<vmem>>)
        tpu.yield
      }) : () -> ()
      %scan3A_262 = arith.constant 0 : i32
      %scan3A_263 = arith.constant 0 : i32
      %scan3A_264 = arith.constant 80 : i32
      %scan3A_265 = arith.addi %scan3A_263, %scan3A_264 : i32
      %scan3A_266 = arith.constant 1 : i32
      scf.for %scan3A_333 = %scan3A_263 to %scan3A_265 step %scan3A_266  : i32 {
        %get3A_334 = arith.index_cast %scan3A_333 : i32 to index
        %get3A_335 = arith.constant 0 : index
        %get3A_336 = tpu.vector_load %arg13[%get3A_334, %get3A_335] {strides = array<i32>} : memref<80x64xf32, #tpu.memory_space<vmem>>, vector<1x16xf32>,
        %get3A_337 = vector.shape_cast %get3A_336 : vector<1x16xf32> to vector<16xf32>
        %add3A_338 = arith.addf %get3A_337, %get3A_193 : vector<16xf32>
        %max3A = arith.constant 0.000000e+00 : f32
        %max3A_339 = vector.broadcast %max3A : f32 to vector<16xf32>
        %max3A_340 = arith.maximumf %add3A_338, %max3A_339 : vector<16xf32>
        %swap3A_341 = arith.index_cast %scan3A_333 : i32 to index
        %swap3A_342 = arith.constant 0 : index
        %swap3A_343 = tpu.vector_load %arg13[%swap3A_341, %swap3A_342] {strides = array<i32>} : memref<80x64xf32, #tpu.memory_space<vmem>>, vector<1x16xf32>,
        %swap3A_344 = vector.shape_cast %swap3A_343 : vector<1x16xf32> to vector<16xf32>
        %swap3A_345 = vector.shape_cast %max3A_340 : vector<16xf32> to vector<1x16xf32>
        tpu.vector_store %arg13[%swap3A_341, %swap3A_342], %swap3A_345 {strides = array<i32>} : memref<80x64xf32, #tpu.memory_space<vmem>>, vector<1x16xf32>,
        %get3A_346 = arith.index_cast %scan3A_333 : i32 to index
        %get3A_347 = arith.constant 16 : index
        %get3A_348 = tpu.vector_load %arg13[%get3A_346, %get3A_347] {strides = array<i32>} : memref<80x64xf32, #tpu.memory_space<vmem>>, vector<1x16xf32>,
        %get3A_349 = vector.shape_cast %get3A_348 : vector<1x16xf32> to vector<16xf32>
        %add3A_350 = arith.addf %get3A_349, %get3A_196 : vector<16xf32>
        %max3A_351 = arith.constant 0.000000e+00 : f32
        %max3A_352 = vector.broadcast %max3A_351 : f32 to vector<16xf32>
        %max3A_353 = arith.maximumf %add3A_350, %max3A_352 : vector<16xf32>
        %swap3A_354 = arith.index_cast %scan3A_333 : i32 to index
        %swap3A_355 = arith.constant 16 : index
        %swap3A_356 = tpu.vector_load %arg13[%swap3A_354, %swap3A_355] {strides = array<i32>} : memref<80x64xf32, #tpu.memory_space<vmem>>, vector<1x16xf32>,
        %swap3A_357 = vector.shape_cast %swap3A_356 : vector<1x16xf32> to vector<16xf32>
        %swap3A_358 = vector.shape_cast %max3A_353 : vector<16xf32> to vector<1x16xf32>
        tpu.vector_store %arg13[%swap3A_354, %swap3A_355], %swap3A_358 {strides = array<i32>} : memref<80x64xf32, #tpu.memory_space<vmem>>, vector<1x16xf32>,
        %get3A_359 = arith.index_cast %scan3A_333 : i32 to index
        %get3A_360 = arith.constant 32 : index
        %get3A_361 = tpu.vector_load %arg13[%get3A_359, %get3A_360] {strides = array<i32>} : memref<80x64xf32, #tpu.memory_space<vmem>>, vector<1x16xf32>,
        %get3A_362 = vector.shape_cast %get3A_361 : vector<1x16xf32> to vector<16xf32>
        %add3A_363 = arith.addf %get3A_362, %get3A_199 : vector<16xf32>
        %max3A_364 = arith.constant 0.000000e+00 : f32
        %max3A_365 = vector.broadcast %max3A_364 : f32 to vector<16xf32>
        %max3A_366 = arith.maximumf %add3A_363, %max3A_365 : vector<16xf32>
        %swap3A_367 = arith.index_cast %scan3A_333 : i32 to index
        %swap3A_368 = arith.constant 32 : index
        %swap3A_369 = tpu.vector_load %arg13[%swap3A_367, %swap3A_368] {strides = array<i32>} : memref<80x64xf32, #tpu.memory_space<vmem>>, vector<1x16xf32>,
        %swap3A_370 = vector.shape_cast %swap3A_369 : vector<1x16xf32> to vector<16xf32>
        %swap3A_371 = vector.shape_cast %max3A_366 : vector<16xf32> to vector<1x16xf32>
        tpu.vector_store %arg13[%swap3A_367, %swap3A_368], %swap3A_371 {strides = array<i32>} : memref<80x64xf32, #tpu.memory_space<vmem>>, vector<1x16xf32>,
        %get3A_372 = arith.index_cast %scan3A_333 : i32 to index
        %get3A_373 = arith.constant 48 : index
        %get3A_374 = tpu.vector_load %arg13[%get3A_372, %get3A_373] {strides = array<i32>} : memref<80x64xf32, #tpu.memory_space<vmem>>, vector<1x16xf32>,
        %get3A_375 = vector.shape_cast %get3A_374 : vector<1x16xf32> to vector<16xf32>
        %add3A_376 = arith.addf %get3A_375, %get3A_202 : vector<16xf32>
        %max3A_377 = arith.constant 0.000000e+00 : f32
        %max3A_378 = vector.broadcast %max3A_377 : f32 to vector<16xf32>
        %max3A_379 = arith.maximumf %add3A_376, %max3A_378 : vector<16xf32>
        %swap3A_380 = arith.index_cast %scan3A_333 : i32 to index
        %swap3A_381 = arith.constant 48 : index
        %swap3A_382 = tpu.vector_load %arg13[%swap3A_380, %swap3A_381] {strides = array<i32>} : memref<80x64xf32, #tpu.memory_space<vmem>>, vector<1x16xf32>,
        %swap3A_383 = vector.shape_cast %swap3A_382 : vector<1x16xf32> to vector<16xf32>
        %swap3A_384 = vector.shape_cast %max3A_379 : vector<16xf32> to vector<1x16xf32>
        tpu.vector_store %arg13[%swap3A_380, %swap3A_381], %swap3A_384 {strides = array<i32>} : memref<80x64xf32, #tpu.memory_space<vmem>>, vector<1x16xf32>,
      }
      %scan3A_267 = arith.constant 80 : i32
      %add3A_268 = arith.constant 0 : i32
      %add3A_269 = arith.addi %multiple_of3A_261, %add3A_268 : i32
      %add3A_270 = vector.broadcast %add3A_269 : i32 to vector<16xi32>
      %add3A_271 = arith.addi %iota3A, %add3A_270 : vector<16xi32>
      %mul3A_272 = arith.constant 2 : i32
      %mul3A_273 = vector.broadcast %mul3A_272 : i32 to vector<16xi32>
      %mul3A_274 = arith.muli %add3A_271, %mul3A_273 : vector<16xi32>
      %add3A_275 = vector.broadcast %arg0 : i32 to vector<16xi32>
      %add3A_276 = arith.addi %mul3A_274, %add3A_275 : vector<16xi32>
      %swap3A_277 = arith.constant 0 : index
      %swap3A_278 = tpu.vector_load %arg14[%swap3A_277] {strides = array<i32>} : memref<80xi32, #tpu.memory_space<vmem>>, vector<16xi32>,
      %swap3A_279 = vector.shape_cast %swap3A_278 : vector<16xi32> to vector<16xi32>
      %swap3A_280 = vector.shape_cast %add3A_276 : vector<16xi32> to vector<16xi32>
      tpu.vector_store %arg14[%swap3A_277], %swap3A_280 {strides = array<i32>} : memref<80xi32, #tpu.memory_space<vmem>>, vector<16xi32>,
      %add3A_281 = arith.constant 16 : i32
      %add3A_282 = arith.addi %multiple_of3A_261, %add3A_281 : i32
      %add3A_283 = vector.broadcast %add3A_282 : i32 to vector<16xi32>
      %add3A_284 = arith.addi %iota3A, %add3A_283 : vector<16xi32>
      %mul3A_285 = arith.constant 2 : i32
      %mul3A_286 = vector.broadcast %mul3A_285 : i32 to vector<16xi32>
      %mul3A_287 = arith.muli %add3A_284, %mul3A_286 : vector<16xi32>
      %add3A_288 = vector.broadcast %arg0 : i32 to vector<16xi32>
      %add3A_289 = arith.addi %mul3A_287, %add3A_288 : vector<16xi32>
      %swap3A_290 = arith.constant 16 : index
      %swap3A_291 = tpu.vector_load %arg14[%swap3A_290] {strides = array<i32>} : memref<80xi32, #tpu.memory_space<vmem>>, vector<16xi32>,
      %swap3A_292 = vector.shape_cast %swap3A_291 : vector<16xi32> to vector<16xi32>
      %swap3A_293 = vector.shape_cast %add3A_289 : vector<16xi32> to vector<16xi32>
      tpu.vector_store %arg14[%swap3A_290], %swap3A_293 {strides = array<i32>} : memref<80xi32, #tpu.memory_space<vmem>>, vector<16xi32>,
      %add3A_294 = arith.constant 32 : i32
      %add3A_295 = arith.addi %multiple_of3A_261, %add3A_294 : i32
      %add3A_296 = vector.broadcast %add3A_295 : i32 to vector<16xi32>
      %add3A_297 = arith.addi %iota3A, %add3A_296 : vector<16xi32>
      %mul3A_298 = arith.constant 2 : i32
      %mul3A_299 = vector.broadcast %mul3A_298 : i32 to vector<16xi32>
      %mul3A_300 = arith.muli %add3A_297, %mul3A_299 : vector<16xi32>
      %add3A_301 = vector.broadcast %arg0 : i32 to vector<16xi32>
      %add3A_302 = arith.addi %mul3A_300, %add3A_301 : vector<16xi32>
      %swap3A_303 = arith.constant 32 : index
      %swap3A_304 = tpu.vector_load %arg14[%swap3A_303] {strides = array<i32>} : memref<80xi32, #tpu.memory_space<vmem>>, vector<16xi32>,
      %swap3A_305 = vector.shape_cast %swap3A_304 : vector<16xi32> to vector<16xi32>
      %swap3A_306 = vector.shape_cast %add3A_302 : vector<16xi32> to vector<16xi32>
      tpu.vector_store %arg14[%swap3A_303], %swap3A_306 {strides = array<i32>} : memref<80xi32, #tpu.memory_space<vmem>>, vector<16xi32>,
      %add3A_307 = arith.constant 48 : i32
      %add3A_308 = arith.addi %multiple_of3A_261, %add3A_307 : i32
      %add3A_309 = vector.broadcast %add3A_308 : i32 to vector<16xi32>
      %add3A_310 = arith.addi %iota3A, %add3A_309 : vector<16xi32>
      %mul3A_311 = arith.constant 2 : i32
      %mul3A_312 = vector.broadcast %mul3A_311 : i32 to vector<16xi32>
      %mul3A_313 = arith.muli %add3A_310, %mul3A_312 : vector<16xi32>
      %add3A_314 = vector.broadcast %arg0 : i32 to vector<16xi32>
      %add3A_315 = arith.addi %mul3A_313, %add3A_314 : vector<16xi32>
      %swap3A_316 = arith.constant 48 : index
      %swap3A_317 = tpu.vector_load %arg14[%swap3A_316] {strides = array<i32>} : memref<80xi32, #tpu.memory_space<vmem>>, vector<16xi32>,
      %swap3A_318 = vector.shape_cast %swap3A_317 : vector<16xi32> to vector<16xi32>
      %swap3A_319 = vector.shape_cast %add3A_315 : vector<16xi32> to vector<16xi32>
      tpu.vector_store %arg14[%swap3A_316], %swap3A_319 {strides = array<i32>} : memref<80xi32, #tpu.memory_space<vmem>>, vector<16xi32>,
      %add3A_320 = arith.constant 64 : i32
      %add3A_321 = arith.addi %multiple_of3A_261, %add3A_320 : i32
      %add3A_322 = vector.broadcast %add3A_321 : i32 to vector<16xi32>
      %add3A_323 = arith.addi %iota3A, %add3A_322 : vector<16xi32>
      %mul3A_324 = arith.constant 2 : i32
      %mul3A_325 = vector.broadcast %mul3A_324 : i32 to vector<16xi32>
      %mul3A_326 = arith.muli %add3A_323, %mul3A_325 : vector<16xi32>
      %add3A_327 = vector.broadcast %arg0 : i32 to vector<16xi32>
      %add3A_328 = arith.addi %mul3A_326, %add3A_327 : vector<16xi32>
      %swap3A_329 = arith.constant 64 : index
      %swap3A_330 = tpu.vector_load %arg14[%swap3A_329] {strides = array<i32>} : memref<80xi32, #tpu.memory_space<vmem>>, vector<16xi32>,
      %swap3A_331 = vector.shape_cast %swap3A_330 : vector<16xi32> to vector<16xi32>
      %swap3A_332 = vector.shape_cast %add3A_328 : vector<16xi32> to vector<16xi32>
      tpu.vector_store %arg14[%swap3A_329], %swap3A_332 {strides = array<i32>} : memref<80xi32, #tpu.memory_space<vmem>>, vector<16xi32>,
      "tpu.region"() ({
        %run_scoped3A = tpu.sem_alloc : memref<!tpu.dma_semaphore, #tpu.memory_space<semaphore_mem>>
        %dma_start3A_333 = arith.constant 0 : i32
        %dma_start3A_334 = arith.constant 0 : i32
        %dma_start3A_335 = tpu.memref_slice %arg6[%dma_start3A_333, %dma_start3A_334] : memref<20000x64xf32, #tpu.memory_space<hbm>> -> memref<20000x64xf32, #tpu.memory_space<hbm>>
        tpu.enqueue_indirect_dma source(%arg13 : memref<80x64xf32, #tpu.memory_space<vmem>>) target(%dma_start3A_335 : memref<20000x64xf32, #tpu.memory_space<hbm>>) offsets(%arg14 : memref<80xi32, #tpu.memory_space<vmem>>) semaphore(%run_scoped3A : memref<!tpu.dma_semaphore, #tpu.memory_space<semaphore_mem>>)
        %dma_wait3A_336 = arith.constant 0 : i32
        %dma_wait3A_337 = arith.constant 0 : i32
        %dma_wait3A_338 = tpu.memref_slice %arg6[%dma_wait3A_336, %dma_wait3A_337] : memref<20000x64xf32, #tpu.memory_space<hbm>> -> memref<20000x64xf32, #tpu.memory_space<hbm>>
        tpu.wait_indirect_dma semaphore(%run_scoped3A : memref<!tpu.dma_semaphore, #tpu.memory_space<semaphore_mem>>) src(%arg13 : memref<80x64xf32, #tpu.memory_space<vmem>>) dst(%dma_wait3A_338 : memref<20000x64xf32, #tpu.memory_space<hbm>>)
        tpu.yield
      }) : () -> ()
    } else {
    }
    %add3A_231 = arith.constant 64 : i32
    %add3A_232 = arith.addi %arg1, %add3A_231 : i32
    %lt3A_233 = arith.constant 125 : i32
    %lt3A_234 = arith.cmpi slt, %add3A_232, %lt3A_233 : i32
    %convert_element_type3A_235 = arith.extui %lt3A_234 : i1 to i32
    %cond3A_236 = arith.constant 0 : i32
    %cond3A_237 = arith.cmpi ne, %convert_element_type3A_235, %cond3A_236 : i32
    scf.if %cond3A_237 {
      %mul3A_259 = arith.constant 80 : i32
      %mul3A_260 = arith.muli %add3A_232, %mul3A_259 : i32
      %multiple_of3A_261 = tpu.assume_multiple %mul3A_260, 8 : i32
      "tpu.region"() ({
        %run_scoped3A = tpu.sem_alloc : memref<!tpu.dma_semaphore, #tpu.memory_space<semaphore_mem>>
        %dma_start3A_333 = arith.constant 0 : i32
        %dma_start3A_334 = tpu.memref_slice %arg16[%multiple_of3A_261, %dma_start3A_333] : memref<10000x64xf32, #tpu.memory_space<vmem_shared>> -> memref<80x64xf32, #tpu.memory_space<vmem_shared>>
        %dma_start3A_335 = arith.constant 0 : i32
        %dma_start3A_336 = tpu.memref_slice %arg16[%multiple_of3A_261, %dma_start3A_335] : memref<10000x64xf32, #tpu.memory_space<vmem_shared>> -> memref<80x64xf32, #tpu.memory_space<vmem_shared>>
        tpu.enqueue_dma source(%dma_start3A_336 : memref<80x64xf32, #tpu.memory_space<vmem_shared>>) target(%arg13 : memref<80x64xf32, #tpu.memory_space<vmem>>) target_semaphore(%run_scoped3A : memref<!tpu.dma_semaphore, #tpu.memory_space<semaphore_mem>>)
        %dma_wait3A_337 = arith.constant 0 : i32
        %dma_wait3A_338 = tpu.memref_slice %arg16[%multiple_of3A_261, %dma_wait3A_337] : memref<10000x64xf32, #tpu.memory_space<vmem_shared>> -> memref<80x64xf32, #tpu.memory_space<vmem_shared>>
        %dma_wait3A_339 = arith.constant 0 : i32
        %dma_wait3A_340 = tpu.memref_slice %arg16[%multiple_of3A_261, %dma_wait3A_339] : memref<10000x64xf32, #tpu.memory_space<vmem_shared>> -> memref<80x64xf32, #tpu.memory_space<vmem_shared>>
        tpu.wait_dma2 semaphore(%run_scoped3A : memref<!tpu.dma_semaphore, #tpu.memory_space<semaphore_mem>>) src(%dma_wait3A_340 : memref<80x64xf32, #tpu.memory_space<vmem_shared>>) dst(%arg13 : memref<80x64xf32, #tpu.memory_space<vmem>>)
        tpu.yield
      }) : () -> ()
      %scan3A_262 = arith.constant 0 : i32
      %scan3A_263 = arith.constant 0 : i32
      %scan3A_264 = arith.constant 80 : i32
      %scan3A_265 = arith.addi %scan3A_263, %scan3A_264 : i32
      %scan3A_266 = arith.constant 1 : i32
      scf.for %scan3A_333 = %scan3A_263 to %scan3A_265 step %scan3A_266  : i32 {
        %get3A_334 = arith.index_cast %scan3A_333 : i32 to index
        %get3A_335 = arith.constant 0 : index
        %get3A_336 = tpu.vector_load %arg13[%get3A_334, %get3A_335] {strides = array<i32>} : memref<80x64xf32, #tpu.memory_space<vmem>>, vector<1x16xf32>,
        %get3A_337 = vector.shape_cast %get3A_336 : vector<1x16xf32> to vector<16xf32>
        %add3A_338 = arith.addf %get3A_337, %get3A_193 : vector<16xf32>
        %max3A = arith.constant 0.000000e+00 : f32
        %max3A_339 = vector.broadcast %max3A : f32 to vector<16xf32>
        %max3A_340 = arith.maximumf %add3A_338, %max3A_339 : vector<16xf32>
        %swap3A_341 = arith.index_cast %scan3A_333 : i32 to index
        %swap3A_342 = arith.constant 0 : index
        %swap3A_343 = tpu.vector_load %arg13[%swap3A_341, %swap3A_342] {strides = array<i32>} : memref<80x64xf32, #tpu.memory_space<vmem>>, vector<1x16xf32>,
        %swap3A_344 = vector.shape_cast %swap3A_343 : vector<1x16xf32> to vector<16xf32>
        %swap3A_345 = vector.shape_cast %max3A_340 : vector<16xf32> to vector<1x16xf32>
        tpu.vector_store %arg13[%swap3A_341, %swap3A_342], %swap3A_345 {strides = array<i32>} : memref<80x64xf32, #tpu.memory_space<vmem>>, vector<1x16xf32>,
        %get3A_346 = arith.index_cast %scan3A_333 : i32 to index
        %get3A_347 = arith.constant 16 : index
        %get3A_348 = tpu.vector_load %arg13[%get3A_346, %get3A_347] {strides = array<i32>} : memref<80x64xf32, #tpu.memory_space<vmem>>, vector<1x16xf32>,
        %get3A_349 = vector.shape_cast %get3A_348 : vector<1x16xf32> to vector<16xf32>
        %add3A_350 = arith.addf %get3A_349, %get3A_196 : vector<16xf32>
        %max3A_351 = arith.constant 0.000000e+00 : f32
        %max3A_352 = vector.broadcast %max3A_351 : f32 to vector<16xf32>
        %max3A_353 = arith.maximumf %add3A_350, %max3A_352 : vector<16xf32>
        %swap3A_354 = arith.index_cast %scan3A_333 : i32 to index
        %swap3A_355 = arith.constant 16 : index
        %swap3A_356 = tpu.vector_load %arg13[%swap3A_354, %swap3A_355] {strides = array<i32>} : memref<80x64xf32, #tpu.memory_space<vmem>>, vector<1x16xf32>,
        %swap3A_357 = vector.shape_cast %swap3A_356 : vector<1x16xf32> to vector<16xf32>
        %swap3A_358 = vector.shape_cast %max3A_353 : vector<16xf32> to vector<1x16xf32>
        tpu.vector_store %arg13[%swap3A_354, %swap3A_355], %swap3A_358 {strides = array<i32>} : memref<80x64xf32, #tpu.memory_space<vmem>>, vector<1x16xf32>,
        %get3A_359 = arith.index_cast %scan3A_333 : i32 to index
        %get3A_360 = arith.constant 32 : index
        %get3A_361 = tpu.vector_load %arg13[%get3A_359, %get3A_360] {strides = array<i32>} : memref<80x64xf32, #tpu.memory_space<vmem>>, vector<1x16xf32>,
        %get3A_362 = vector.shape_cast %get3A_361 : vector<1x16xf32> to vector<16xf32>
        %add3A_363 = arith.addf %get3A_362, %get3A_199 : vector<16xf32>
        %max3A_364 = arith.constant 0.000000e+00 : f32
        %max3A_365 = vector.broadcast %max3A_364 : f32 to vector<16xf32>
        %max3A_366 = arith.maximumf %add3A_363, %max3A_365 : vector<16xf32>
        %swap3A_367 = arith.index_cast %scan3A_333 : i32 to index
        %swap3A_368 = arith.constant 32 : index
        %swap3A_369 = tpu.vector_load %arg13[%swap3A_367, %swap3A_368] {strides = array<i32>} : memref<80x64xf32, #tpu.memory_space<vmem>>, vector<1x16xf32>,
        %swap3A_370 = vector.shape_cast %swap3A_369 : vector<1x16xf32> to vector<16xf32>
        %swap3A_371 = vector.shape_cast %max3A_366 : vector<16xf32> to vector<1x16xf32>
        tpu.vector_store %arg13[%swap3A_367, %swap3A_368], %swap3A_371 {strides = array<i32>} : memref<80x64xf32, #tpu.memory_space<vmem>>, vector<1x16xf32>,
        %get3A_372 = arith.index_cast %scan3A_333 : i32 to index
        %get3A_373 = arith.constant 48 : index
        %get3A_374 = tpu.vector_load %arg13[%get3A_372, %get3A_373] {strides = array<i32>} : memref<80x64xf32, #tpu.memory_space<vmem>>, vector<1x16xf32>,
        %get3A_375 = vector.shape_cast %get3A_374 : vector<1x16xf32> to vector<16xf32>
        %add3A_376 = arith.addf %get3A_375, %get3A_202 : vector<16xf32>
        %max3A_377 = arith.constant 0.000000e+00 : f32
        %max3A_378 = vector.broadcast %max3A_377 : f32 to vector<16xf32>
        %max3A_379 = arith.maximumf %add3A_376, %max3A_378 : vector<16xf32>
        %swap3A_380 = arith.index_cast %scan3A_333 : i32 to index
        %swap3A_381 = arith.constant 48 : index
        %swap3A_382 = tpu.vector_load %arg13[%swap3A_380, %swap3A_381] {strides = array<i32>} : memref<80x64xf32, #tpu.memory_space<vmem>>, vector<1x16xf32>,
        %swap3A_383 = vector.shape_cast %swap3A_382 : vector<1x16xf32> to vector<16xf32>
        %swap3A_384 = vector.shape_cast %max3A_379 : vector<16xf32> to vector<1x16xf32>
        tpu.vector_store %arg13[%swap3A_380, %swap3A_381], %swap3A_384 {strides = array<i32>} : memref<80x64xf32, #tpu.memory_space<vmem>>, vector<1x16xf32>,
      }
      %scan3A_267 = arith.constant 80 : i32
      %add3A_268 = arith.constant 0 : i32
      %add3A_269 = arith.addi %multiple_of3A_261, %add3A_268 : i32
      %add3A_270 = vector.broadcast %add3A_269 : i32 to vector<16xi32>
      %add3A_271 = arith.addi %iota3A, %add3A_270 : vector<16xi32>
      %mul3A_272 = arith.constant 2 : i32
      %mul3A_273 = vector.broadcast %mul3A_272 : i32 to vector<16xi32>
      %mul3A_274 = arith.muli %add3A_271, %mul3A_273 : vector<16xi32>
      %add3A_275 = vector.broadcast %arg0 : i32 to vector<16xi32>
      %add3A_276 = arith.addi %mul3A_274, %add3A_275 : vector<16xi32>
      %swap3A_277 = arith.constant 0 : index
      %swap3A_278 = tpu.vector_load %arg14[%swap3A_277] {strides = array<i32>} : memref<80xi32, #tpu.memory_space<vmem>>, vector<16xi32>,
      %swap3A_279 = vector.shape_cast %swap3A_278 : vector<16xi32> to vector<16xi32>
      %swap3A_280 = vector.shape_cast %add3A_276 : vector<16xi32> to vector<16xi32>
      tpu.vector_store %arg14[%swap3A_277], %swap3A_280 {strides = array<i32>} : memref<80xi32, #tpu.memory_space<vmem>>, vector<16xi32>,
      %add3A_281 = arith.constant 16 : i32
      %add3A_282 = arith.addi %multiple_of3A_261, %add3A_281 : i32
      %add3A_283 = vector.broadcast %add3A_282 : i32 to vector<16xi32>
      %add3A_284 = arith.addi %iota3A, %add3A_283 : vector<16xi32>
      %mul3A_285 = arith.constant 2 : i32
      %mul3A_286 = vector.broadcast %mul3A_285 : i32 to vector<16xi32>
      %mul3A_287 = arith.muli %add3A_284, %mul3A_286 : vector<16xi32>
      %add3A_288 = vector.broadcast %arg0 : i32 to vector<16xi32>
      %add3A_289 = arith.addi %mul3A_287, %add3A_288 : vector<16xi32>
      %swap3A_290 = arith.constant 16 : index
      %swap3A_291 = tpu.vector_load %arg14[%swap3A_290] {strides = array<i32>} : memref<80xi32, #tpu.memory_space<vmem>>, vector<16xi32>,
      %swap3A_292 = vector.shape_cast %swap3A_291 : vector<16xi32> to vector<16xi32>
      %swap3A_293 = vector.shape_cast %add3A_289 : vector<16xi32> to vector<16xi32>
      tpu.vector_store %arg14[%swap3A_290], %swap3A_293 {strides = array<i32>} : memref<80xi32, #tpu.memory_space<vmem>>, vector<16xi32>,
      %add3A_294 = arith.constant 32 : i32
      %add3A_295 = arith.addi %multiple_of3A_261, %add3A_294 : i32
      %add3A_296 = vector.broadcast %add3A_295 : i32 to vector<16xi32>
      %add3A_297 = arith.addi %iota3A, %add3A_296 : vector<16xi32>
      %mul3A_298 = arith.constant 2 : i32
      %mul3A_299 = vector.broadcast %mul3A_298 : i32 to vector<16xi32>
      %mul3A_300 = arith.muli %add3A_297, %mul3A_299 : vector<16xi32>
      %add3A_301 = vector.broadcast %arg0 : i32 to vector<16xi32>
      %add3A_302 = arith.addi %mul3A_300, %add3A_301 : vector<16xi32>
      %swap3A_303 = arith.constant 32 : index
      %swap3A_304 = tpu.vector_load %arg14[%swap3A_303] {strides = array<i32>} : memref<80xi32, #tpu.memory_space<vmem>>, vector<16xi32>,
      %swap3A_305 = vector.shape_cast %swap3A_304 : vector<16xi32> to vector<16xi32>
      %swap3A_306 = vector.shape_cast %add3A_302 : vector<16xi32> to vector<16xi32>
      tpu.vector_store %arg14[%swap3A_303], %swap3A_306 {strides = array<i32>} : memref<80xi32, #tpu.memory_space<vmem>>, vector<16xi32>,
      %add3A_307 = arith.constant 48 : i32
      %add3A_308 = arith.addi %multiple_of3A_261, %add3A_307 : i32
      %add3A_309 = vector.broadcast %add3A_308 : i32 to vector<16xi32>
      %add3A_310 = arith.addi %iota3A, %add3A_309 : vector<16xi32>
      %mul3A_311 = arith.constant 2 : i32
      %mul3A_312 = vector.broadcast %mul3A_311 : i32 to vector<16xi32>
      %mul3A_313 = arith.muli %add3A_310, %mul3A_312 : vector<16xi32>
      %add3A_314 = vector.broadcast %arg0 : i32 to vector<16xi32>
      %add3A_315 = arith.addi %mul3A_313, %add3A_314 : vector<16xi32>
      %swap3A_316 = arith.constant 48 : index
      %swap3A_317 = tpu.vector_load %arg14[%swap3A_316] {strides = array<i32>} : memref<80xi32, #tpu.memory_space<vmem>>, vector<16xi32>,
      %swap3A_318 = vector.shape_cast %swap3A_317 : vector<16xi32> to vector<16xi32>
      %swap3A_319 = vector.shape_cast %add3A_315 : vector<16xi32> to vector<16xi32>
      tpu.vector_store %arg14[%swap3A_316], %swap3A_319 {strides = array<i32>} : memref<80xi32, #tpu.memory_space<vmem>>, vector<16xi32>,
      %add3A_320 = arith.constant 64 : i32
      %add3A_321 = arith.addi %multiple_of3A_261, %add3A_320 : i32
      %add3A_322 = vector.broadcast %add3A_321 : i32 to vector<16xi32>
      %add3A_323 = arith.addi %iota3A, %add3A_322 : vector<16xi32>
      %mul3A_324 = arith.constant 2 : i32
      %mul3A_325 = vector.broadcast %mul3A_324 : i32 to vector<16xi32>
      %mul3A_326 = arith.muli %add3A_323, %mul3A_325 : vector<16xi32>
      %add3A_327 = vector.broadcast %arg0 : i32 to vector<16xi32>
      %add3A_328 = arith.addi %mul3A_326, %add3A_327 : vector<16xi32>
      %swap3A_329 = arith.constant 64 : index
      %swap3A_330 = tpu.vector_load %arg14[%swap3A_329] {strides = array<i32>} : memref<80xi32, #tpu.memory_space<vmem>>, vector<16xi32>,
      %swap3A_331 = vector.shape_cast %swap3A_330 : vector<16xi32> to vector<16xi32>
      %swap3A_332 = vector.shape_cast %add3A_328 : vector<16xi32> to vector<16xi32>
      tpu.vector_store %arg14[%swap3A_329], %swap3A_332 {strides = array<i32>} : memref<80xi32, #tpu.memory_space<vmem>>, vector<16xi32>,
      "tpu.region"() ({
        %run_scoped3A = tpu.sem_alloc : memref<!tpu.dma_semaphore, #tpu.memory_space<semaphore_mem>>
        %dma_start3A_333 = arith.constant 0 : i32
        %dma_start3A_334 = arith.constant 0 : i32
        %dma_start3A_335 = tpu.memref_slice %arg6[%dma_start3A_333, %dma_start3A_334] : memref<20000x64xf32, #tpu.memory_space<hbm>> -> memref<20000x64xf32, #tpu.memory_space<hbm>>
        tpu.enqueue_indirect_dma source(%arg13 : memref<80x64xf32, #tpu.memory_space<vmem>>) target(%dma_start3A_335 : memref<20000x64xf32, #tpu.memory_space<hbm>>) offsets(%arg14 : memref<80xi32, #tpu.memory_space<vmem>>) semaphore(%run_scoped3A : memref<!tpu.dma_semaphore, #tpu.memory_space<semaphore_mem>>)
        %dma_wait3A_336 = arith.constant 0 : i32
        %dma_wait3A_337 = arith.constant 0 : i32
        %dma_wait3A_338 = tpu.memref_slice %arg6[%dma_wait3A_336, %dma_wait3A_337] : memref<20000x64xf32, #tpu.memory_space<hbm>> -> memref<20000x64xf32, #tpu.memory_space<hbm>>
        tpu.wait_indirect_dma semaphore(%run_scoped3A : memref<!tpu.dma_semaphore, #tpu.memory_space<semaphore_mem>>) src(%arg13 : memref<80x64xf32, #tpu.memory_space<vmem>>) dst(%dma_wait3A_338 : memref<20000x64xf32, #tpu.memory_space<hbm>>)
        tpu.yield
      }) : () -> ()
    } else {
    }
    %add3A_238 = arith.constant 80 : i32
    %add3A_239 = arith.addi %arg1, %add3A_238 : i32
    %lt3A_240 = arith.constant 125 : i32
    %lt3A_241 = arith.cmpi slt, %add3A_239, %lt3A_240 : i32
    %convert_element_type3A_242 = arith.extui %lt3A_241 : i1 to i32
    %cond3A_243 = arith.constant 0 : i32
    %cond3A_244 = arith.cmpi ne, %convert_element_type3A_242, %cond3A_243 : i32
    scf.if %cond3A_244 {
      %mul3A_259 = arith.constant 80 : i32
      %mul3A_260 = arith.muli %add3A_239, %mul3A_259 : i32
      %multiple_of3A_261 = tpu.assume_multiple %mul3A_260, 8 : i32
      "tpu.region"() ({
        %run_scoped3A = tpu.sem_alloc : memref<!tpu.dma_semaphore, #tpu.memory_space<semaphore_mem>>
        %dma_start3A_333 = arith.constant 0 : i32
        %dma_start3A_334 = tpu.memref_slice %arg16[%multiple_of3A_261, %dma_start3A_333] : memref<10000x64xf32, #tpu.memory_space<vmem_shared>> -> memref<80x64xf32, #tpu.memory_space<vmem_shared>>
        %dma_start3A_335 = arith.constant 0 : i32
        %dma_start3A_336 = tpu.memref_slice %arg16[%multiple_of3A_261, %dma_start3A_335] : memref<10000x64xf32, #tpu.memory_space<vmem_shared>> -> memref<80x64xf32, #tpu.memory_space<vmem_shared>>
        tpu.enqueue_dma source(%dma_start3A_336 : memref<80x64xf32, #tpu.memory_space<vmem_shared>>) target(%arg13 : memref<80x64xf32, #tpu.memory_space<vmem>>) target_semaphore(%run_scoped3A : memref<!tpu.dma_semaphore, #tpu.memory_space<semaphore_mem>>)
        %dma_wait3A_337 = arith.constant 0 : i32
        %dma_wait3A_338 = tpu.memref_slice %arg16[%multiple_of3A_261, %dma_wait3A_337] : memref<10000x64xf32, #tpu.memory_space<vmem_shared>> -> memref<80x64xf32, #tpu.memory_space<vmem_shared>>
        %dma_wait3A_339 = arith.constant 0 : i32
        %dma_wait3A_340 = tpu.memref_slice %arg16[%multiple_of3A_261, %dma_wait3A_339] : memref<10000x64xf32, #tpu.memory_space<vmem_shared>> -> memref<80x64xf32, #tpu.memory_space<vmem_shared>>
        tpu.wait_dma2 semaphore(%run_scoped3A : memref<!tpu.dma_semaphore, #tpu.memory_space<semaphore_mem>>) src(%dma_wait3A_340 : memref<80x64xf32, #tpu.memory_space<vmem_shared>>) dst(%arg13 : memref<80x64xf32, #tpu.memory_space<vmem>>)
        tpu.yield
      }) : () -> ()
      %scan3A_262 = arith.constant 0 : i32
      %scan3A_263 = arith.constant 0 : i32
      %scan3A_264 = arith.constant 80 : i32
      %scan3A_265 = arith.addi %scan3A_263, %scan3A_264 : i32
      %scan3A_266 = arith.constant 1 : i32
      scf.for %scan3A_333 = %scan3A_263 to %scan3A_265 step %scan3A_266  : i32 {
        %get3A_334 = arith.index_cast %scan3A_333 : i32 to index
        %get3A_335 = arith.constant 0 : index
        %get3A_336 = tpu.vector_load %arg13[%get3A_334, %get3A_335] {strides = array<i32>} : memref<80x64xf32, #tpu.memory_space<vmem>>, vector<1x16xf32>,
        %get3A_337 = vector.shape_cast %get3A_336 : vector<1x16xf32> to vector<16xf32>
        %add3A_338 = arith.addf %get3A_337, %get3A_193 : vector<16xf32>
        %max3A = arith.constant 0.000000e+00 : f32
        %max3A_339 = vector.broadcast %max3A : f32 to vector<16xf32>
        %max3A_340 = arith.maximumf %add3A_338, %max3A_339 : vector<16xf32>
        %swap3A_341 = arith.index_cast %scan3A_333 : i32 to index
        %swap3A_342 = arith.constant 0 : index
        %swap3A_343 = tpu.vector_load %arg13[%swap3A_341, %swap3A_342] {strides = array<i32>} : memref<80x64xf32, #tpu.memory_space<vmem>>, vector<1x16xf32>,
        %swap3A_344 = vector.shape_cast %swap3A_343 : vector<1x16xf32> to vector<16xf32>
        %swap3A_345 = vector.shape_cast %max3A_340 : vector<16xf32> to vector<1x16xf32>
        tpu.vector_store %arg13[%swap3A_341, %swap3A_342], %swap3A_345 {strides = array<i32>} : memref<80x64xf32, #tpu.memory_space<vmem>>, vector<1x16xf32>,
        %get3A_346 = arith.index_cast %scan3A_333 : i32 to index
        %get3A_347 = arith.constant 16 : index
        %get3A_348 = tpu.vector_load %arg13[%get3A_346, %get3A_347] {strides = array<i32>} : memref<80x64xf32, #tpu.memory_space<vmem>>, vector<1x16xf32>,
        %get3A_349 = vector.shape_cast %get3A_348 : vector<1x16xf32> to vector<16xf32>
        %add3A_350 = arith.addf %get3A_349, %get3A_196 : vector<16xf32>
        %max3A_351 = arith.constant 0.000000e+00 : f32
        %max3A_352 = vector.broadcast %max3A_351 : f32 to vector<16xf32>
        %max3A_353 = arith.maximumf %add3A_350, %max3A_352 : vector<16xf32>
        %swap3A_354 = arith.index_cast %scan3A_333 : i32 to index
        %swap3A_355 = arith.constant 16 : index
        %swap3A_356 = tpu.vector_load %arg13[%swap3A_354, %swap3A_355] {strides = array<i32>} : memref<80x64xf32, #tpu.memory_space<vmem>>, vector<1x16xf32>,
        %swap3A_357 = vector.shape_cast %swap3A_356 : vector<1x16xf32> to vector<16xf32>
        %swap3A_358 = vector.shape_cast %max3A_353 : vector<16xf32> to vector<1x16xf32>
        tpu.vector_store %arg13[%swap3A_354, %swap3A_355], %swap3A_358 {strides = array<i32>} : memref<80x64xf32, #tpu.memory_space<vmem>>, vector<1x16xf32>,
        %get3A_359 = arith.index_cast %scan3A_333 : i32 to index
        %get3A_360 = arith.constant 32 : index
        %get3A_361 = tpu.vector_load %arg13[%get3A_359, %get3A_360] {strides = array<i32>} : memref<80x64xf32, #tpu.memory_space<vmem>>, vector<1x16xf32>,
        %get3A_362 = vector.shape_cast %get3A_361 : vector<1x16xf32> to vector<16xf32>
        %add3A_363 = arith.addf %get3A_362, %get3A_199 : vector<16xf32>
        %max3A_364 = arith.constant 0.000000e+00 : f32
        %max3A_365 = vector.broadcast %max3A_364 : f32 to vector<16xf32>
        %max3A_366 = arith.maximumf %add3A_363, %max3A_365 : vector<16xf32>
        %swap3A_367 = arith.index_cast %scan3A_333 : i32 to index
        %swap3A_368 = arith.constant 32 : index
        %swap3A_369 = tpu.vector_load %arg13[%swap3A_367, %swap3A_368] {strides = array<i32>} : memref<80x64xf32, #tpu.memory_space<vmem>>, vector<1x16xf32>,
        %swap3A_370 = vector.shape_cast %swap3A_369 : vector<1x16xf32> to vector<16xf32>
        %swap3A_371 = vector.shape_cast %max3A_366 : vector<16xf32> to vector<1x16xf32>
        tpu.vector_store %arg13[%swap3A_367, %swap3A_368], %swap3A_371 {strides = array<i32>} : memref<80x64xf32, #tpu.memory_space<vmem>>, vector<1x16xf32>,
        %get3A_372 = arith.index_cast %scan3A_333 : i32 to index
        %get3A_373 = arith.constant 48 : index
        %get3A_374 = tpu.vector_load %arg13[%get3A_372, %get3A_373] {strides = array<i32>} : memref<80x64xf32, #tpu.memory_space<vmem>>, vector<1x16xf32>,
        %get3A_375 = vector.shape_cast %get3A_374 : vector<1x16xf32> to vector<16xf32>
        %add3A_376 = arith.addf %get3A_375, %get3A_202 : vector<16xf32>
        %max3A_377 = arith.constant 0.000000e+00 : f32
        %max3A_378 = vector.broadcast %max3A_377 : f32 to vector<16xf32>
        %max3A_379 = arith.maximumf %add3A_376, %max3A_378 : vector<16xf32>
        %swap3A_380 = arith.index_cast %scan3A_333 : i32 to index
        %swap3A_381 = arith.constant 48 : index
        %swap3A_382 = tpu.vector_load %arg13[%swap3A_380, %swap3A_381] {strides = array<i32>} : memref<80x64xf32, #tpu.memory_space<vmem>>, vector<1x16xf32>,
        %swap3A_383 = vector.shape_cast %swap3A_382 : vector<1x16xf32> to vector<16xf32>
        %swap3A_384 = vector.shape_cast %max3A_379 : vector<16xf32> to vector<1x16xf32>
        tpu.vector_store %arg13[%swap3A_380, %swap3A_381], %swap3A_384 {strides = array<i32>} : memref<80x64xf32, #tpu.memory_space<vmem>>, vector<1x16xf32>,
      }
      %scan3A_267 = arith.constant 80 : i32
      %add3A_268 = arith.constant 0 : i32
      %add3A_269 = arith.addi %multiple_of3A_261, %add3A_268 : i32
      %add3A_270 = vector.broadcast %add3A_269 : i32 to vector<16xi32>
      %add3A_271 = arith.addi %iota3A, %add3A_270 : vector<16xi32>
      %mul3A_272 = arith.constant 2 : i32
      %mul3A_273 = vector.broadcast %mul3A_272 : i32 to vector<16xi32>
      %mul3A_274 = arith.muli %add3A_271, %mul3A_273 : vector<16xi32>
      %add3A_275 = vector.broadcast %arg0 : i32 to vector<16xi32>
      %add3A_276 = arith.addi %mul3A_274, %add3A_275 : vector<16xi32>
      %swap3A_277 = arith.constant 0 : index
      %swap3A_278 = tpu.vector_load %arg14[%swap3A_277] {strides = array<i32>} : memref<80xi32, #tpu.memory_space<vmem>>, vector<16xi32>,
      %swap3A_279 = vector.shape_cast %swap3A_278 : vector<16xi32> to vector<16xi32>
      %swap3A_280 = vector.shape_cast %add3A_276 : vector<16xi32> to vector<16xi32>
      tpu.vector_store %arg14[%swap3A_277], %swap3A_280 {strides = array<i32>} : memref<80xi32, #tpu.memory_space<vmem>>, vector<16xi32>,
      %add3A_281 = arith.constant 16 : i32
      %add3A_282 = arith.addi %multiple_of3A_261, %add3A_281 : i32
      %add3A_283 = vector.broadcast %add3A_282 : i32 to vector<16xi32>
      %add3A_284 = arith.addi %iota3A, %add3A_283 : vector<16xi32>
      %mul3A_285 = arith.constant 2 : i32
      %mul3A_286 = vector.broadcast %mul3A_285 : i32 to vector<16xi32>
      %mul3A_287 = arith.muli %add3A_284, %mul3A_286 : vector<16xi32>
      %add3A_288 = vector.broadcast %arg0 : i32 to vector<16xi32>
      %add3A_289 = arith.addi %mul3A_287, %add3A_288 : vector<16xi32>
      %swap3A_290 = arith.constant 16 : index
      %swap3A_291 = tpu.vector_load %arg14[%swap3A_290] {strides = array<i32>} : memref<80xi32, #tpu.memory_space<vmem>>, vector<16xi32>,
      %swap3A_292 = vector.shape_cast %swap3A_291 : vector<16xi32> to vector<16xi32>
      %swap3A_293 = vector.shape_cast %add3A_289 : vector<16xi32> to vector<16xi32>
      tpu.vector_store %arg14[%swap3A_290], %swap3A_293 {strides = array<i32>} : memref<80xi32, #tpu.memory_space<vmem>>, vector<16xi32>,
      %add3A_294 = arith.constant 32 : i32
      %add3A_295 = arith.addi %multiple_of3A_261, %add3A_294 : i32
      %add3A_296 = vector.broadcast %add3A_295 : i32 to vector<16xi32>
      %add3A_297 = arith.addi %iota3A, %add3A_296 : vector<16xi32>
      %mul3A_298 = arith.constant 2 : i32
      %mul3A_299 = vector.broadcast %mul3A_298 : i32 to vector<16xi32>
      %mul3A_300 = arith.muli %add3A_297, %mul3A_299 : vector<16xi32>
      %add3A_301 = vector.broadcast %arg0 : i32 to vector<16xi32>
      %add3A_302 = arith.addi %mul3A_300, %add3A_301 : vector<16xi32>
      %swap3A_303 = arith.constant 32 : index
      %swap3A_304 = tpu.vector_load %arg14[%swap3A_303] {strides = array<i32>} : memref<80xi32, #tpu.memory_space<vmem>>, vector<16xi32>,
      %swap3A_305 = vector.shape_cast %swap3A_304 : vector<16xi32> to vector<16xi32>
      %swap3A_306 = vector.shape_cast %add3A_302 : vector<16xi32> to vector<16xi32>
      tpu.vector_store %arg14[%swap3A_303], %swap3A_306 {strides = array<i32>} : memref<80xi32, #tpu.memory_space<vmem>>, vector<16xi32>,
      %add3A_307 = arith.constant 48 : i32
      %add3A_308 = arith.addi %multiple_of3A_261, %add3A_307 : i32
      %add3A_309 = vector.broadcast %add3A_308 : i32 to vector<16xi32>
      %add3A_310 = arith.addi %iota3A, %add3A_309 : vector<16xi32>
      %mul3A_311 = arith.constant 2 : i32
      %mul3A_312 = vector.broadcast %mul3A_311 : i32 to vector<16xi32>
      %mul3A_313 = arith.muli %add3A_310, %mul3A_312 : vector<16xi32>
      %add3A_314 = vector.broadcast %arg0 : i32 to vector<16xi32>
      %add3A_315 = arith.addi %mul3A_313, %add3A_314 : vector<16xi32>
      %swap3A_316 = arith.constant 48 : index
      %swap3A_317 = tpu.vector_load %arg14[%swap3A_316] {strides = array<i32>} : memref<80xi32, #tpu.memory_space<vmem>>, vector<16xi32>,
      %swap3A_318 = vector.shape_cast %swap3A_317 : vector<16xi32> to vector<16xi32>
      %swap3A_319 = vector.shape_cast %add3A_315 : vector<16xi32> to vector<16xi32>
      tpu.vector_store %arg14[%swap3A_316], %swap3A_319 {strides = array<i32>} : memref<80xi32, #tpu.memory_space<vmem>>, vector<16xi32>,
      %add3A_320 = arith.constant 64 : i32
      %add3A_321 = arith.addi %multiple_of3A_261, %add3A_320 : i32
      %add3A_322 = vector.broadcast %add3A_321 : i32 to vector<16xi32>
      %add3A_323 = arith.addi %iota3A, %add3A_322 : vector<16xi32>
      %mul3A_324 = arith.constant 2 : i32
      %mul3A_325 = vector.broadcast %mul3A_324 : i32 to vector<16xi32>
      %mul3A_326 = arith.muli %add3A_323, %mul3A_325 : vector<16xi32>
      %add3A_327 = vector.broadcast %arg0 : i32 to vector<16xi32>
      %add3A_328 = arith.addi %mul3A_326, %add3A_327 : vector<16xi32>
      %swap3A_329 = arith.constant 64 : index
      %swap3A_330 = tpu.vector_load %arg14[%swap3A_329] {strides = array<i32>} : memref<80xi32, #tpu.memory_space<vmem>>, vector<16xi32>,
      %swap3A_331 = vector.shape_cast %swap3A_330 : vector<16xi32> to vector<16xi32>
      %swap3A_332 = vector.shape_cast %add3A_328 : vector<16xi32> to vector<16xi32>
      tpu.vector_store %arg14[%swap3A_329], %swap3A_332 {strides = array<i32>} : memref<80xi32, #tpu.memory_space<vmem>>, vector<16xi32>,
      "tpu.region"() ({
        %run_scoped3A = tpu.sem_alloc : memref<!tpu.dma_semaphore, #tpu.memory_space<semaphore_mem>>
        %dma_start3A_333 = arith.constant 0 : i32
        %dma_start3A_334 = arith.constant 0 : i32
        %dma_start3A_335 = tpu.memref_slice %arg6[%dma_start3A_333, %dma_start3A_334] : memref<20000x64xf32, #tpu.memory_space<hbm>> -> memref<20000x64xf32, #tpu.memory_space<hbm>>
        tpu.enqueue_indirect_dma source(%arg13 : memref<80x64xf32, #tpu.memory_space<vmem>>) target(%dma_start3A_335 : memref<20000x64xf32, #tpu.memory_space<hbm>>) offsets(%arg14 : memref<80xi32, #tpu.memory_space<vmem>>) semaphore(%run_scoped3A : memref<!tpu.dma_semaphore, #tpu.memory_space<semaphore_mem>>)
        %dma_wait3A_336 = arith.constant 0 : i32
        %dma_wait3A_337 = arith.constant 0 : i32
        %dma_wait3A_338 = tpu.memref_slice %arg6[%dma_wait3A_336, %dma_wait3A_337] : memref<20000x64xf32, #tpu.memory_space<hbm>> -> memref<20000x64xf32, #tpu.memory_space<hbm>>
        tpu.wait_indirect_dma semaphore(%run_scoped3A : memref<!tpu.dma_semaphore, #tpu.memory_space<semaphore_mem>>) src(%arg13 : memref<80x64xf32, #tpu.memory_space<vmem>>) dst(%dma_wait3A_338 : memref<20000x64xf32, #tpu.memory_space<hbm>>)
        tpu.yield
      }) : () -> ()
    } else {
    }
    %add3A_245 = arith.constant 96 : i32
    %add3A_246 = arith.addi %arg1, %add3A_245 : i32
    %lt3A_247 = arith.constant 125 : i32
    %lt3A_248 = arith.cmpi slt, %add3A_246, %lt3A_247 : i32
    %convert_element_type3A_249 = arith.extui %lt3A_248 : i1 to i32
    %cond3A_250 = arith.constant 0 : i32
    %cond3A_251 = arith.cmpi ne, %convert_element_type3A_249, %cond3A_250 : i32
    scf.if %cond3A_251 {
      %mul3A_259 = arith.constant 80 : i32
      %mul3A_260 = arith.muli %add3A_246, %mul3A_259 : i32
      %multiple_of3A_261 = tpu.assume_multiple %mul3A_260, 8 : i32
      "tpu.region"() ({
        %run_scoped3A = tpu.sem_alloc : memref<!tpu.dma_semaphore, #tpu.memory_space<semaphore_mem>>
        %dma_start3A_333 = arith.constant 0 : i32
        %dma_start3A_334 = tpu.memref_slice %arg16[%multiple_of3A_261, %dma_start3A_333] : memref<10000x64xf32, #tpu.memory_space<vmem_shared>> -> memref<80x64xf32, #tpu.memory_space<vmem_shared>>
        %dma_start3A_335 = arith.constant 0 : i32
        %dma_start3A_336 = tpu.memref_slice %arg16[%multiple_of3A_261, %dma_start3A_335] : memref<10000x64xf32, #tpu.memory_space<vmem_shared>> -> memref<80x64xf32, #tpu.memory_space<vmem_shared>>
        tpu.enqueue_dma source(%dma_start3A_336 : memref<80x64xf32, #tpu.memory_space<vmem_shared>>) target(%arg13 : memref<80x64xf32, #tpu.memory_space<vmem>>) target_semaphore(%run_scoped3A : memref<!tpu.dma_semaphore, #tpu.memory_space<semaphore_mem>>)
        %dma_wait3A_337 = arith.constant 0 : i32
        %dma_wait3A_338 = tpu.memref_slice %arg16[%multiple_of3A_261, %dma_wait3A_337] : memref<10000x64xf32, #tpu.memory_space<vmem_shared>> -> memref<80x64xf32, #tpu.memory_space<vmem_shared>>
        %dma_wait3A_339 = arith.constant 0 : i32
        %dma_wait3A_340 = tpu.memref_slice %arg16[%multiple_of3A_261, %dma_wait3A_339] : memref<10000x64xf32, #tpu.memory_space<vmem_shared>> -> memref<80x64xf32, #tpu.memory_space<vmem_shared>>
        tpu.wait_dma2 semaphore(%run_scoped3A : memref<!tpu.dma_semaphore, #tpu.memory_space<semaphore_mem>>) src(%dma_wait3A_340 : memref<80x64xf32, #tpu.memory_space<vmem_shared>>) dst(%arg13 : memref<80x64xf32, #tpu.memory_space<vmem>>)
        tpu.yield
      }) : () -> ()
      %scan3A_262 = arith.constant 0 : i32
      %scan3A_263 = arith.constant 0 : i32
      %scan3A_264 = arith.constant 80 : i32
      %scan3A_265 = arith.addi %scan3A_263, %scan3A_264 : i32
      %scan3A_266 = arith.constant 1 : i32
      scf.for %scan3A_333 = %scan3A_263 to %scan3A_265 step %scan3A_266  : i32 {
        %get3A_334 = arith.index_cast %scan3A_333 : i32 to index
        %get3A_335 = arith.constant 0 : index
        %get3A_336 = tpu.vector_load %arg13[%get3A_334, %get3A_335] {strides = array<i32>} : memref<80x64xf32, #tpu.memory_space<vmem>>, vector<1x16xf32>,
        %get3A_337 = vector.shape_cast %get3A_336 : vector<1x16xf32> to vector<16xf32>
        %add3A_338 = arith.addf %get3A_337, %get3A_193 : vector<16xf32>
        %max3A = arith.constant 0.000000e+00 : f32
        %max3A_339 = vector.broadcast %max3A : f32 to vector<16xf32>
        %max3A_340 = arith.maximumf %add3A_338, %max3A_339 : vector<16xf32>
        %swap3A_341 = arith.index_cast %scan3A_333 : i32 to index
        %swap3A_342 = arith.constant 0 : index
        %swap3A_343 = tpu.vector_load %arg13[%swap3A_341, %swap3A_342] {strides = array<i32>} : memref<80x64xf32, #tpu.memory_space<vmem>>, vector<1x16xf32>,
        %swap3A_344 = vector.shape_cast %swap3A_343 : vector<1x16xf32> to vector<16xf32>
        %swap3A_345 = vector.shape_cast %max3A_340 : vector<16xf32> to vector<1x16xf32>
        tpu.vector_store %arg13[%swap3A_341, %swap3A_342], %swap3A_345 {strides = array<i32>} : memref<80x64xf32, #tpu.memory_space<vmem>>, vector<1x16xf32>,
        %get3A_346 = arith.index_cast %scan3A_333 : i32 to index
        %get3A_347 = arith.constant 16 : index
        %get3A_348 = tpu.vector_load %arg13[%get3A_346, %get3A_347] {strides = array<i32>} : memref<80x64xf32, #tpu.memory_space<vmem>>, vector<1x16xf32>,
        %get3A_349 = vector.shape_cast %get3A_348 : vector<1x16xf32> to vector<16xf32>
        %add3A_350 = arith.addf %get3A_349, %get3A_196 : vector<16xf32>
        %max3A_351 = arith.constant 0.000000e+00 : f32
        %max3A_352 = vector.broadcast %max3A_351 : f32 to vector<16xf32>
        %max3A_353 = arith.maximumf %add3A_350, %max3A_352 : vector<16xf32>
        %swap3A_354 = arith.index_cast %scan3A_333 : i32 to index
        %swap3A_355 = arith.constant 16 : index
        %swap3A_356 = tpu.vector_load %arg13[%swap3A_354, %swap3A_355] {strides = array<i32>} : memref<80x64xf32, #tpu.memory_space<vmem>>, vector<1x16xf32>,
        %swap3A_357 = vector.shape_cast %swap3A_356 : vector<1x16xf32> to vector<16xf32>
        %swap3A_358 = vector.shape_cast %max3A_353 : vector<16xf32> to vector<1x16xf32>
        tpu.vector_store %arg13[%swap3A_354, %swap3A_355], %swap3A_358 {strides = array<i32>} : memref<80x64xf32, #tpu.memory_space<vmem>>, vector<1x16xf32>,
        %get3A_359 = arith.index_cast %scan3A_333 : i32 to index
        %get3A_360 = arith.constant 32 : index
        %get3A_361 = tpu.vector_load %arg13[%get3A_359, %get3A_360] {strides = array<i32>} : memref<80x64xf32, #tpu.memory_space<vmem>>, vector<1x16xf32>,
        %get3A_362 = vector.shape_cast %get3A_361 : vector<1x16xf32> to vector<16xf32>
        %add3A_363 = arith.addf %get3A_362, %get3A_199 : vector<16xf32>
        %max3A_364 = arith.constant 0.000000e+00 : f32
        %max3A_365 = vector.broadcast %max3A_364 : f32 to vector<16xf32>
        %max3A_366 = arith.maximumf %add3A_363, %max3A_365 : vector<16xf32>
        %swap3A_367 = arith.index_cast %scan3A_333 : i32 to index
        %swap3A_368 = arith.constant 32 : index
        %swap3A_369 = tpu.vector_load %arg13[%swap3A_367, %swap3A_368] {strides = array<i32>} : memref<80x64xf32, #tpu.memory_space<vmem>>, vector<1x16xf32>,
        %swap3A_370 = vector.shape_cast %swap3A_369 : vector<1x16xf32> to vector<16xf32>
        %swap3A_371 = vector.shape_cast %max3A_366 : vector<16xf32> to vector<1x16xf32>
        tpu.vector_store %arg13[%swap3A_367, %swap3A_368], %swap3A_371 {strides = array<i32>} : memref<80x64xf32, #tpu.memory_space<vmem>>, vector<1x16xf32>,
        %get3A_372 = arith.index_cast %scan3A_333 : i32 to index
        %get3A_373 = arith.constant 48 : index
        %get3A_374 = tpu.vector_load %arg13[%get3A_372, %get3A_373] {strides = array<i32>} : memref<80x64xf32, #tpu.memory_space<vmem>>, vector<1x16xf32>,
        %get3A_375 = vector.shape_cast %get3A_374 : vector<1x16xf32> to vector<16xf32>
        %add3A_376 = arith.addf %get3A_375, %get3A_202 : vector<16xf32>
        %max3A_377 = arith.constant 0.000000e+00 : f32
        %max3A_378 = vector.broadcast %max3A_377 : f32 to vector<16xf32>
        %max3A_379 = arith.maximumf %add3A_376, %max3A_378 : vector<16xf32>
        %swap3A_380 = arith.index_cast %scan3A_333 : i32 to index
        %swap3A_381 = arith.constant 48 : index
        %swap3A_382 = tpu.vector_load %arg13[%swap3A_380, %swap3A_381] {strides = array<i32>} : memref<80x64xf32, #tpu.memory_space<vmem>>, vector<1x16xf32>,
        %swap3A_383 = vector.shape_cast %swap3A_382 : vector<1x16xf32> to vector<16xf32>
        %swap3A_384 = vector.shape_cast %max3A_379 : vector<16xf32> to vector<1x16xf32>
        tpu.vector_store %arg13[%swap3A_380, %swap3A_381], %swap3A_384 {strides = array<i32>} : memref<80x64xf32, #tpu.memory_space<vmem>>, vector<1x16xf32>,
      }
      %scan3A_267 = arith.constant 80 : i32
      %add3A_268 = arith.constant 0 : i32
      %add3A_269 = arith.addi %multiple_of3A_261, %add3A_268 : i32
      %add3A_270 = vector.broadcast %add3A_269 : i32 to vector<16xi32>
      %add3A_271 = arith.addi %iota3A, %add3A_270 : vector<16xi32>
      %mul3A_272 = arith.constant 2 : i32
      %mul3A_273 = vector.broadcast %mul3A_272 : i32 to vector<16xi32>
      %mul3A_274 = arith.muli %add3A_271, %mul3A_273 : vector<16xi32>
      %add3A_275 = vector.broadcast %arg0 : i32 to vector<16xi32>
      %add3A_276 = arith.addi %mul3A_274, %add3A_275 : vector<16xi32>
      %swap3A_277 = arith.constant 0 : index
      %swap3A_278 = tpu.vector_load %arg14[%swap3A_277] {strides = array<i32>} : memref<80xi32, #tpu.memory_space<vmem>>, vector<16xi32>,
      %swap3A_279 = vector.shape_cast %swap3A_278 : vector<16xi32> to vector<16xi32>
      %swap3A_280 = vector.shape_cast %add3A_276 : vector<16xi32> to vector<16xi32>
      tpu.vector_store %arg14[%swap3A_277], %swap3A_280 {strides = array<i32>} : memref<80xi32, #tpu.memory_space<vmem>>, vector<16xi32>,
      %add3A_281 = arith.constant 16 : i32
      %add3A_282 = arith.addi %multiple_of3A_261, %add3A_281 : i32
      %add3A_283 = vector.broadcast %add3A_282 : i32 to vector<16xi32>
      %add3A_284 = arith.addi %iota3A, %add3A_283 : vector<16xi32>
      %mul3A_285 = arith.constant 2 : i32
      %mul3A_286 = vector.broadcast %mul3A_285 : i32 to vector<16xi32>
      %mul3A_287 = arith.muli %add3A_284, %mul3A_286 : vector<16xi32>
      %add3A_288 = vector.broadcast %arg0 : i32 to vector<16xi32>
      %add3A_289 = arith.addi %mul3A_287, %add3A_288 : vector<16xi32>
      %swap3A_290 = arith.constant 16 : index
      %swap3A_291 = tpu.vector_load %arg14[%swap3A_290] {strides = array<i32>} : memref<80xi32, #tpu.memory_space<vmem>>, vector<16xi32>,
      %swap3A_292 = vector.shape_cast %swap3A_291 : vector<16xi32> to vector<16xi32>
      %swap3A_293 = vector.shape_cast %add3A_289 : vector<16xi32> to vector<16xi32>
      tpu.vector_store %arg14[%swap3A_290], %swap3A_293 {strides = array<i32>} : memref<80xi32, #tpu.memory_space<vmem>>, vector<16xi32>,
      %add3A_294 = arith.constant 32 : i32
      %add3A_295 = arith.addi %multiple_of3A_261, %add3A_294 : i32
      %add3A_296 = vector.broadcast %add3A_295 : i32 to vector<16xi32>
      %add3A_297 = arith.addi %iota3A, %add3A_296 : vector<16xi32>
      %mul3A_298 = arith.constant 2 : i32
      %mul3A_299 = vector.broadcast %mul3A_298 : i32 to vector<16xi32>
      %mul3A_300 = arith.muli %add3A_297, %mul3A_299 : vector<16xi32>
      %add3A_301 = vector.broadcast %arg0 : i32 to vector<16xi32>
      %add3A_302 = arith.addi %mul3A_300, %add3A_301 : vector<16xi32>
      %swap3A_303 = arith.constant 32 : index
      %swap3A_304 = tpu.vector_load %arg14[%swap3A_303] {strides = array<i32>} : memref<80xi32, #tpu.memory_space<vmem>>, vector<16xi32>,
      %swap3A_305 = vector.shape_cast %swap3A_304 : vector<16xi32> to vector<16xi32>
      %swap3A_306 = vector.shape_cast %add3A_302 : vector<16xi32> to vector<16xi32>
      tpu.vector_store %arg14[%swap3A_303], %swap3A_306 {strides = array<i32>} : memref<80xi32, #tpu.memory_space<vmem>>, vector<16xi32>,
      %add3A_307 = arith.constant 48 : i32
      %add3A_308 = arith.addi %multiple_of3A_261, %add3A_307 : i32
      %add3A_309 = vector.broadcast %add3A_308 : i32 to vector<16xi32>
      %add3A_310 = arith.addi %iota3A, %add3A_309 : vector<16xi32>
      %mul3A_311 = arith.constant 2 : i32
      %mul3A_312 = vector.broadcast %mul3A_311 : i32 to vector<16xi32>
      %mul3A_313 = arith.muli %add3A_310, %mul3A_312 : vector<16xi32>
      %add3A_314 = vector.broadcast %arg0 : i32 to vector<16xi32>
      %add3A_315 = arith.addi %mul3A_313, %add3A_314 : vector<16xi32>
      %swap3A_316 = arith.constant 48 : index
      %swap3A_317 = tpu.vector_load %arg14[%swap3A_316] {strides = array<i32>} : memref<80xi32, #tpu.memory_space<vmem>>, vector<16xi32>,
      %swap3A_318 = vector.shape_cast %swap3A_317 : vector<16xi32> to vector<16xi32>
      %swap3A_319 = vector.shape_cast %add3A_315 : vector<16xi32> to vector<16xi32>
      tpu.vector_store %arg14[%swap3A_316], %swap3A_319 {strides = array<i32>} : memref<80xi32, #tpu.memory_space<vmem>>, vector<16xi32>,
      %add3A_320 = arith.constant 64 : i32
      %add3A_321 = arith.addi %multiple_of3A_261, %add3A_320 : i32
      %add3A_322 = vector.broadcast %add3A_321 : i32 to vector<16xi32>
      %add3A_323 = arith.addi %iota3A, %add3A_322 : vector<16xi32>
      %mul3A_324 = arith.constant 2 : i32
      %mul3A_325 = vector.broadcast %mul3A_324 : i32 to vector<16xi32>
      %mul3A_326 = arith.muli %add3A_323, %mul3A_325 : vector<16xi32>
      %add3A_327 = vector.broadcast %arg0 : i32 to vector<16xi32>
      %add3A_328 = arith.addi %mul3A_326, %add3A_327 : vector<16xi32>
      %swap3A_329 = arith.constant 64 : index
      %swap3A_330 = tpu.vector_load %arg14[%swap3A_329] {strides = array<i32>} : memref<80xi32, #tpu.memory_space<vmem>>, vector<16xi32>,
      %swap3A_331 = vector.shape_cast %swap3A_330 : vector<16xi32> to vector<16xi32>
      %swap3A_332 = vector.shape_cast %add3A_328 : vector<16xi32> to vector<16xi32>
      tpu.vector_store %arg14[%swap3A_329], %swap3A_332 {strides = array<i32>} : memref<80xi32, #tpu.memory_space<vmem>>, vector<16xi32>,
      "tpu.region"() ({
        %run_scoped3A = tpu.sem_alloc : memref<!tpu.dma_semaphore, #tpu.memory_space<semaphore_mem>>
        %dma_start3A_333 = arith.constant 0 : i32
        %dma_start3A_334 = arith.constant 0 : i32
        %dma_start3A_335 = tpu.memref_slice %arg6[%dma_start3A_333, %dma_start3A_334] : memref<20000x64xf32, #tpu.memory_space<hbm>> -> memref<20000x64xf32, #tpu.memory_space<hbm>>
        tpu.enqueue_indirect_dma source(%arg13 : memref<80x64xf32, #tpu.memory_space<vmem>>) target(%dma_start3A_335 : memref<20000x64xf32, #tpu.memory_space<hbm>>) offsets(%arg14 : memref<80xi32, #tpu.memory_space<vmem>>) semaphore(%run_scoped3A : memref<!tpu.dma_semaphore, #tpu.memory_space<semaphore_mem>>)
        %dma_wait3A_336 = arith.constant 0 : i32
        %dma_wait3A_337 = arith.constant 0 : i32
        %dma_wait3A_338 = tpu.memref_slice %arg6[%dma_wait3A_336, %dma_wait3A_337] : memref<20000x64xf32, #tpu.memory_space<hbm>> -> memref<20000x64xf32, #tpu.memory_space<hbm>>
        tpu.wait_indirect_dma semaphore(%run_scoped3A : memref<!tpu.dma_semaphore, #tpu.memory_space<semaphore_mem>>) src(%arg13 : memref<80x64xf32, #tpu.memory_space<vmem>>) dst(%dma_wait3A_338 : memref<20000x64xf32, #tpu.memory_space<hbm>>)
        tpu.yield
      }) : () -> ()
    } else {
    }
    %add3A_252 = arith.constant 112 : i32
    %add3A_253 = arith.addi %arg1, %add3A_252 : i32
    %lt3A_254 = arith.constant 125 : i32
    %lt3A_255 = arith.cmpi slt, %add3A_253, %lt3A_254 : i32
    %convert_element_type3A_256 = arith.extui %lt3A_255 : i1 to i32
    %cond3A_257 = arith.constant 0 : i32
    %cond3A_258 = arith.cmpi ne, %convert_element_type3A_256, %cond3A_257 : i32
    scf.if %cond3A_258 {
      %mul3A_259 = arith.constant 80 : i32
      %mul3A_260 = arith.muli %add3A_253, %mul3A_259 : i32
      %multiple_of3A_261 = tpu.assume_multiple %mul3A_260, 8 : i32
      "tpu.region"() ({
        %run_scoped3A = tpu.sem_alloc : memref<!tpu.dma_semaphore, #tpu.memory_space<semaphore_mem>>
        %dma_start3A_333 = arith.constant 0 : i32
        %dma_start3A_334 = tpu.memref_slice %arg16[%multiple_of3A_261, %dma_start3A_333] : memref<10000x64xf32, #tpu.memory_space<vmem_shared>> -> memref<80x64xf32, #tpu.memory_space<vmem_shared>>
        %dma_start3A_335 = arith.constant 0 : i32
        %dma_start3A_336 = tpu.memref_slice %arg16[%multiple_of3A_261, %dma_start3A_335] : memref<10000x64xf32, #tpu.memory_space<vmem_shared>> -> memref<80x64xf32, #tpu.memory_space<vmem_shared>>
        tpu.enqueue_dma source(%dma_start3A_336 : memref<80x64xf32, #tpu.memory_space<vmem_shared>>) target(%arg13 : memref<80x64xf32, #tpu.memory_space<vmem>>) target_semaphore(%run_scoped3A : memref<!tpu.dma_semaphore, #tpu.memory_space<semaphore_mem>>)
        %dma_wait3A_337 = arith.constant 0 : i32
        %dma_wait3A_338 = tpu.memref_slice %arg16[%multiple_of3A_261, %dma_wait3A_337] : memref<10000x64xf32, #tpu.memory_space<vmem_shared>> -> memref<80x64xf32, #tpu.memory_space<vmem_shared>>
        %dma_wait3A_339 = arith.constant 0 : i32
        %dma_wait3A_340 = tpu.memref_slice %arg16[%multiple_of3A_261, %dma_wait3A_339] : memref<10000x64xf32, #tpu.memory_space<vmem_shared>> -> memref<80x64xf32, #tpu.memory_space<vmem_shared>>
        tpu.wait_dma2 semaphore(%run_scoped3A : memref<!tpu.dma_semaphore, #tpu.memory_space<semaphore_mem>>) src(%dma_wait3A_340 : memref<80x64xf32, #tpu.memory_space<vmem_shared>>) dst(%arg13 : memref<80x64xf32, #tpu.memory_space<vmem>>)
        tpu.yield
      }) : () -> ()
      %scan3A_262 = arith.constant 0 : i32
      %scan3A_263 = arith.constant 0 : i32
      %scan3A_264 = arith.constant 80 : i32
      %scan3A_265 = arith.addi %scan3A_263, %scan3A_264 : i32
      %scan3A_266 = arith.constant 1 : i32
      scf.for %scan3A_333 = %scan3A_263 to %scan3A_265 step %scan3A_266  : i32 {
        %get3A_334 = arith.index_cast %scan3A_333 : i32 to index
        %get3A_335 = arith.constant 0 : index
        %get3A_336 = tpu.vector_load %arg13[%get3A_334, %get3A_335] {strides = array<i32>} : memref<80x64xf32, #tpu.memory_space<vmem>>, vector<1x16xf32>,
        %get3A_337 = vector.shape_cast %get3A_336 : vector<1x16xf32> to vector<16xf32>
        %add3A_338 = arith.addf %get3A_337, %get3A_193 : vector<16xf32>
        %max3A = arith.constant 0.000000e+00 : f32
        %max3A_339 = vector.broadcast %max3A : f32 to vector<16xf32>
        %max3A_340 = arith.maximumf %add3A_338, %max3A_339 : vector<16xf32>
        %swap3A_341 = arith.index_cast %scan3A_333 : i32 to index
        %swap3A_342 = arith.constant 0 : index
        %swap3A_343 = tpu.vector_load %arg13[%swap3A_341, %swap3A_342] {strides = array<i32>} : memref<80x64xf32, #tpu.memory_space<vmem>>, vector<1x16xf32>,
        %swap3A_344 = vector.shape_cast %swap3A_343 : vector<1x16xf32> to vector<16xf32>
        %swap3A_345 = vector.shape_cast %max3A_340 : vector<16xf32> to vector<1x16xf32>
        tpu.vector_store %arg13[%swap3A_341, %swap3A_342], %swap3A_345 {strides = array<i32>} : memref<80x64xf32, #tpu.memory_space<vmem>>, vector<1x16xf32>,
        %get3A_346 = arith.index_cast %scan3A_333 : i32 to index
        %get3A_347 = arith.constant 16 : index
        %get3A_348 = tpu.vector_load %arg13[%get3A_346, %get3A_347] {strides = array<i32>} : memref<80x64xf32, #tpu.memory_space<vmem>>, vector<1x16xf32>,
        %get3A_349 = vector.shape_cast %get3A_348 : vector<1x16xf32> to vector<16xf32>
        %add3A_350 = arith.addf %get3A_349, %get3A_196 : vector<16xf32>
        %max3A_351 = arith.constant 0.000000e+00 : f32
        %max3A_352 = vector.broadcast %max3A_351 : f32 to vector<16xf32>
        %max3A_353 = arith.maximumf %add3A_350, %max3A_352 : vector<16xf32>
        %swap3A_354 = arith.index_cast %scan3A_333 : i32 to index
        %swap3A_355 = arith.constant 16 : index
        %swap3A_356 = tpu.vector_load %arg13[%swap3A_354, %swap3A_355] {strides = array<i32>} : memref<80x64xf32, #tpu.memory_space<vmem>>, vector<1x16xf32>,
        %swap3A_357 = vector.shape_cast %swap3A_356 : vector<1x16xf32> to vector<16xf32>
        %swap3A_358 = vector.shape_cast %max3A_353 : vector<16xf32> to vector<1x16xf32>
        tpu.vector_store %arg13[%swap3A_354, %swap3A_355], %swap3A_358 {strides = array<i32>} : memref<80x64xf32, #tpu.memory_space<vmem>>, vector<1x16xf32>,
        %get3A_359 = arith.index_cast %scan3A_333 : i32 to index
        %get3A_360 = arith.constant 32 : index
        %get3A_361 = tpu.vector_load %arg13[%get3A_359, %get3A_360] {strides = array<i32>} : memref<80x64xf32, #tpu.memory_space<vmem>>, vector<1x16xf32>,
        %get3A_362 = vector.shape_cast %get3A_361 : vector<1x16xf32> to vector<16xf32>
        %add3A_363 = arith.addf %get3A_362, %get3A_199 : vector<16xf32>
        %max3A_364 = arith.constant 0.000000e+00 : f32
        %max3A_365 = vector.broadcast %max3A_364 : f32 to vector<16xf32>
        %max3A_366 = arith.maximumf %add3A_363, %max3A_365 : vector<16xf32>
        %swap3A_367 = arith.index_cast %scan3A_333 : i32 to index
        %swap3A_368 = arith.constant 32 : index
        %swap3A_369 = tpu.vector_load %arg13[%swap3A_367, %swap3A_368] {strides = array<i32>} : memref<80x64xf32, #tpu.memory_space<vmem>>, vector<1x16xf32>,
        %swap3A_370 = vector.shape_cast %swap3A_369 : vector<1x16xf32> to vector<16xf32>
        %swap3A_371 = vector.shape_cast %max3A_366 : vector<16xf32> to vector<1x16xf32>
        tpu.vector_store %arg13[%swap3A_367, %swap3A_368], %swap3A_371 {strides = array<i32>} : memref<80x64xf32, #tpu.memory_space<vmem>>, vector<1x16xf32>,
        %get3A_372 = arith.index_cast %scan3A_333 : i32 to index
        %get3A_373 = arith.constant 48 : index
        %get3A_374 = tpu.vector_load %arg13[%get3A_372, %get3A_373] {strides = array<i32>} : memref<80x64xf32, #tpu.memory_space<vmem>>, vector<1x16xf32>,
        %get3A_375 = vector.shape_cast %get3A_374 : vector<1x16xf32> to vector<16xf32>
        %add3A_376 = arith.addf %get3A_375, %get3A_202 : vector<16xf32>
        %max3A_377 = arith.constant 0.000000e+00 : f32
        %max3A_378 = vector.broadcast %max3A_377 : f32 to vector<16xf32>
        %max3A_379 = arith.maximumf %add3A_376, %max3A_378 : vector<16xf32>
        %swap3A_380 = arith.index_cast %scan3A_333 : i32 to index
        %swap3A_381 = arith.constant 48 : index
        %swap3A_382 = tpu.vector_load %arg13[%swap3A_380, %swap3A_381] {strides = array<i32>} : memref<80x64xf32, #tpu.memory_space<vmem>>, vector<1x16xf32>,
        %swap3A_383 = vector.shape_cast %swap3A_382 : vector<1x16xf32> to vector<16xf32>
        %swap3A_384 = vector.shape_cast %max3A_379 : vector<16xf32> to vector<1x16xf32>
        tpu.vector_store %arg13[%swap3A_380, %swap3A_381], %swap3A_384 {strides = array<i32>} : memref<80x64xf32, #tpu.memory_space<vmem>>, vector<1x16xf32>,
      }
      %scan3A_267 = arith.constant 80 : i32
      %add3A_268 = arith.constant 0 : i32
      %add3A_269 = arith.addi %multiple_of3A_261, %add3A_268 : i32
      %add3A_270 = vector.broadcast %add3A_269 : i32 to vector<16xi32>
      %add3A_271 = arith.addi %iota3A, %add3A_270 : vector<16xi32>
      %mul3A_272 = arith.constant 2 : i32
      %mul3A_273 = vector.broadcast %mul3A_272 : i32 to vector<16xi32>
      %mul3A_274 = arith.muli %add3A_271, %mul3A_273 : vector<16xi32>
      %add3A_275 = vector.broadcast %arg0 : i32 to vector<16xi32>
      %add3A_276 = arith.addi %mul3A_274, %add3A_275 : vector<16xi32>
      %swap3A_277 = arith.constant 0 : index
      %swap3A_278 = tpu.vector_load %arg14[%swap3A_277] {strides = array<i32>} : memref<80xi32, #tpu.memory_space<vmem>>, vector<16xi32>,
      %swap3A_279 = vector.shape_cast %swap3A_278 : vector<16xi32> to vector<16xi32>
      %swap3A_280 = vector.shape_cast %add3A_276 : vector<16xi32> to vector<16xi32>
      tpu.vector_store %arg14[%swap3A_277], %swap3A_280 {strides = array<i32>} : memref<80xi32, #tpu.memory_space<vmem>>, vector<16xi32>,
      %add3A_281 = arith.constant 16 : i32
      %add3A_282 = arith.addi %multiple_of3A_261, %add3A_281 : i32
      %add3A_283 = vector.broadcast %add3A_282 : i32 to vector<16xi32>
      %add3A_284 = arith.addi %iota3A, %add3A_283 : vector<16xi32>
      %mul3A_285 = arith.constant 2 : i32
      %mul3A_286 = vector.broadcast %mul3A_285 : i32 to vector<16xi32>
      %mul3A_287 = arith.muli %add3A_284, %mul3A_286 : vector<16xi32>
      %add3A_288 = vector.broadcast %arg0 : i32 to vector<16xi32>
      %add3A_289 = arith.addi %mul3A_287, %add3A_288 : vector<16xi32>
      %swap3A_290 = arith.constant 16 : index
      %swap3A_291 = tpu.vector_load %arg14[%swap3A_290] {strides = array<i32>} : memref<80xi32, #tpu.memory_space<vmem>>, vector<16xi32>,
      %swap3A_292 = vector.shape_cast %swap3A_291 : vector<16xi32> to vector<16xi32>
      %swap3A_293 = vector.shape_cast %add3A_289 : vector<16xi32> to vector<16xi32>
      tpu.vector_store %arg14[%swap3A_290], %swap3A_293 {strides = array<i32>} : memref<80xi32, #tpu.memory_space<vmem>>, vector<16xi32>,
      %add3A_294 = arith.constant 32 : i32
      %add3A_295 = arith.addi %multiple_of3A_261, %add3A_294 : i32
      %add3A_296 = vector.broadcast %add3A_295 : i32 to vector<16xi32>
      %add3A_297 = arith.addi %iota3A, %add3A_296 : vector<16xi32>
      %mul3A_298 = arith.constant 2 : i32
      %mul3A_299 = vector.broadcast %mul3A_298 : i32 to vector<16xi32>
      %mul3A_300 = arith.muli %add3A_297, %mul3A_299 : vector<16xi32>
      %add3A_301 = vector.broadcast %arg0 : i32 to vector<16xi32>
      %add3A_302 = arith.addi %mul3A_300, %add3A_301 : vector<16xi32>
      %swap3A_303 = arith.constant 32 : index
      %swap3A_304 = tpu.vector_load %arg14[%swap3A_303] {strides = array<i32>} : memref<80xi32, #tpu.memory_space<vmem>>, vector<16xi32>,
      %swap3A_305 = vector.shape_cast %swap3A_304 : vector<16xi32> to vector<16xi32>
      %swap3A_306 = vector.shape_cast %add3A_302 : vector<16xi32> to vector<16xi32>
      tpu.vector_store %arg14[%swap3A_303], %swap3A_306 {strides = array<i32>} : memref<80xi32, #tpu.memory_space<vmem>>, vector<16xi32>,
      %add3A_307 = arith.constant 48 : i32
      %add3A_308 = arith.addi %multiple_of3A_261, %add3A_307 : i32
      %add3A_309 = vector.broadcast %add3A_308 : i32 to vector<16xi32>
      %add3A_310 = arith.addi %iota3A, %add3A_309 : vector<16xi32>
      %mul3A_311 = arith.constant 2 : i32
      %mul3A_312 = vector.broadcast %mul3A_311 : i32 to vector<16xi32>
      %mul3A_313 = arith.muli %add3A_310, %mul3A_312 : vector<16xi32>
      %add3A_314 = vector.broadcast %arg0 : i32 to vector<16xi32>
      %add3A_315 = arith.addi %mul3A_313, %add3A_314 : vector<16xi32>
      %swap3A_316 = arith.constant 48 : index
      %swap3A_317 = tpu.vector_load %arg14[%swap3A_316] {strides = array<i32>} : memref<80xi32, #tpu.memory_space<vmem>>, vector<16xi32>,
      %swap3A_318 = vector.shape_cast %swap3A_317 : vector<16xi32> to vector<16xi32>
      %swap3A_319 = vector.shape_cast %add3A_315 : vector<16xi32> to vector<16xi32>
      tpu.vector_store %arg14[%swap3A_316], %swap3A_319 {strides = array<i32>} : memref<80xi32, #tpu.memory_space<vmem>>, vector<16xi32>,
      %add3A_320 = arith.constant 64 : i32
      %add3A_321 = arith.addi %multiple_of3A_261, %add3A_320 : i32
      %add3A_322 = vector.broadcast %add3A_321 : i32 to vector<16xi32>
      %add3A_323 = arith.addi %iota3A, %add3A_322 : vector<16xi32>
      %mul3A_324 = arith.constant 2 : i32
      %mul3A_325 = vector.broadcast %mul3A_324 : i32 to vector<16xi32>
      %mul3A_326 = arith.muli %add3A_323, %mul3A_325 : vector<16xi32>
      %add3A_327 = vector.broadcast %arg0 : i32 to vector<16xi32>
      %add3A_328 = arith.addi %mul3A_326, %add3A_327 : vector<16xi32>
      %swap3A_329 = arith.constant 64 : index
      %swap3A_330 = tpu.vector_load %arg14[%swap3A_329] {strides = array<i32>} : memref<80xi32, #tpu.memory_space<vmem>>, vector<16xi32>,
      %swap3A_331 = vector.shape_cast %swap3A_330 : vector<16xi32> to vector<16xi32>
      %swap3A_332 = vector.shape_cast %add3A_328 : vector<16xi32> to vector<16xi32>
      tpu.vector_store %arg14[%swap3A_329], %swap3A_332 {strides = array<i32>} : memref<80xi32, #tpu.memory_space<vmem>>, vector<16xi32>,
      "tpu.region"() ({
        %run_scoped3A = tpu.sem_alloc : memref<!tpu.dma_semaphore, #tpu.memory_space<semaphore_mem>>
        %dma_start3A_333 = arith.constant 0 : i32
        %dma_start3A_334 = arith.constant 0 : i32
        %dma_start3A_335 = tpu.memref_slice %arg6[%dma_start3A_333, %dma_start3A_334] : memref<20000x64xf32, #tpu.memory_space<hbm>> -> memref<20000x64xf32, #tpu.memory_space<hbm>>
        tpu.enqueue_indirect_dma source(%arg13 : memref<80x64xf32, #tpu.memory_space<vmem>>) target(%dma_start3A_335 : memref<20000x64xf32, #tpu.memory_space<hbm>>) offsets(%arg14 : memref<80xi32, #tpu.memory_space<vmem>>) semaphore(%run_scoped3A : memref<!tpu.dma_semaphore, #tpu.memory_space<semaphore_mem>>)
        %dma_wait3A_336 = arith.constant 0 : i32
        %dma_wait3A_337 = arith.constant 0 : i32
        %dma_wait3A_338 = tpu.memref_slice %arg6[%dma_wait3A_336, %dma_wait3A_337] : memref<20000x64xf32, #tpu.memory_space<hbm>> -> memref<20000x64xf32, #tpu.memory_space<hbm>>
        tpu.wait_indirect_dma semaphore(%run_scoped3A : memref<!tpu.dma_semaphore, #tpu.memory_space<semaphore_mem>>) src(%arg13 : memref<80x64xf32, #tpu.memory_space<vmem>>) dst(%dma_wait3A_338 : memref<20000x64xf32, #tpu.memory_space<hbm>>)
        tpu.yield
      }) : () -> ()
    } else {
    }
    return
  }
}

module attributes {stable_mosaic.version = 14 : i64} {
  func.func @_mm_body(%arg0: i32, %arg1: memref<2000x128xf32, #tpu.memory_space<vmem>>, %arg2: memref<128x128xf32, #tpu.memory_space<vmem>>, %arg3: memref<2000x64xf32, #tpu.memory_space<vmem>>, %arg4: memref<2000x64xf32, #tpu.memory_space<vmem>>) attributes {dimension_semantics = [#tpu.dimension_semantics<arbitrary>], iteration_bounds = array<i64: 5>, scalar_prefetch = 0 : i64, scratch_operands = 0 : i64, tpu.core_type = #tpu.core_type<tc>, window_params = [{transform_indices = @transform_0, window_bounds = array<i64: 2000, 128>}, {pipeline_mode = #tpu.pipeline_mode<synchronous>, transform_indices = @transform_1, window_bounds = array<i64: 128, 128>}, {transform_indices = @transform_2, window_bounds = array<i64: 2000, 64>}, {transform_indices = @transform_3, window_bounds = array<i64: 2000, 64>}]} {
    %get3A = arith.constant 0 : index
    %get3A_0 = arith.constant 0 : index
    %get3A_1 = vector.load %arg1[%get3A, %get3A_0] : memref<2000x128xf32, #tpu.memory_space<vmem>>, vector<2000x128xf32>
    %get3A_2 = arith.constant 0 : index
    %get3A_3 = arith.constant 0 : index
    %get3A_4 = vector.load %arg2[%get3A_2, %get3A_3] : memref<128x128xf32, #tpu.memory_space<vmem>>, vector<128x128xf32>
    %dot_general3A = arith.constant dense<0.000000e+00> : vector<2000x128xf32>
    %dot_general3A_5 = tpu.matmul %get3A_1, %get3A_4, %dot_general3A {dimension_numbers = #tpu.dot_dimension_numbers<[1], [0], [0], [1], [0, 0, 1, 1], [], []>, transpose_lhs_hint = false} : vector<2000x128xf32>, vector<128x128xf32>, vector<2000x128xf32> -> vector<2000x128xf32>
    %slice3A = vector.extract_strided_slice %dot_general3A_5 {offsets = [0, 0], sizes = [2000, 64], strides = [1, 1]} : vector<2000x128xf32> to vector<2000x64xf32>
    %swap3A = arith.constant 0 : index
    %swap3A_6 = arith.constant 0 : index
    %swap3A_7 = vector.load %arg3[%swap3A, %swap3A_6] : memref<2000x64xf32, #tpu.memory_space<vmem>>, vector<2000x64xf32>
    tpu.vector_store %arg3[%swap3A, %swap3A_6], %slice3A {strides = array<i32>} : memref<2000x64xf32, #tpu.memory_space<vmem>>, vector<2000x64xf32>,
    %slice3A_8 = vector.extract_strided_slice %dot_general3A_5 {offsets = [0, 64], sizes = [2000, 64], strides = [1, 1]} : vector<2000x128xf32> to vector<2000x64xf32>
    %swap3A_9 = arith.constant 0 : index
    %swap3A_10 = arith.constant 0 : index
    %swap3A_11 = vector.load %arg4[%swap3A_9, %swap3A_10] : memref<2000x64xf32, #tpu.memory_space<vmem>>, vector<2000x64xf32>
    tpu.vector_store %arg4[%swap3A_9, %swap3A_10], %slice3A_8 {strides = array<i32>} : memref<2000x64xf32, #tpu.memory_space<vmem>>, vector<2000x64xf32>,
    return
  }
  func.func @transform_0(%arg0: i32) -> (i32, i32) {
    %c0_i32 = arith.constant 0 : i32
    %c0_i32_0 = arith.constant 0 : i32
    return %arg0, %c0_i32 : i32, i32
  }
  func.func @transform_1(%arg0: i32) -> (i32, i32) {
    %c0_i32 = arith.constant 0 : i32
    %c0_i32_0 = arith.constant 0 : i32
    %c0_i32_1 = arith.constant 0 : i32
    return %c0_i32, %c0_i32_0 : i32, i32
  }
  func.func @transform_2(%arg0: i32) -> (i32, i32) {
    %c0_i32 = arith.constant 0 : i32
    %c0_i32_0 = arith.constant 0 : i32
    return %arg0, %c0_i32 : i32, i32
  }
  func.func @transform_3(%arg0: i32) -> (i32, i32) {
    %c0_i32 = arith.constant 0 : i32
    %c0_i32_0 = arith.constant 0 : i32
    return %arg0, %c0_i32 : i32, i32
  }
}

</mosaic_0001>

<sc_bundles>
// kernel: kernel.4.cloned.1.call-start
scs
__scs_entry_jumppad:
0x0: {  	(pc) =	sbr.rel $0x88, $3  }
0x1: {  	(tag) =	ssettag $0x0;
	lr =	simm.s32 $0x1  }
0x2: {  	[smem:$0x3F9D] =	sst lr;
	_ =	strace $0xD0000000  }
0x3: {  	_ = 	snop  }
0x4: {  	_ = 	snop  }
0x5: {  	_ = 	snop  }
0x6: {  	_ = 	snop  }
0x7: {  	_ = 	snop  }
__scs_overlays_trampoline_lowered:
0x8: {  	[smem:$0x3FAC] =	sst s0  }
0x9: {  	[smem:$0x3FAD] =	sst s1  }
0xa: {  	[smem:$0x3FAE] =	sst s2  }
0xb: {  	[smem:$0x3FAF] =	sst s3  }
0xc: {  	[smem:$0x3FB0] =	sst s4  }
0xd: {  	[smem:$0x3FB1] =	sst s5  }
0xe: {  	[smem:$0x3FB2] =	sst s6  }
0xf: {  	[smem:$0x3FB3] =	sst s7  }
0x10: {  	[smem:$0x3FB4] =	sst s8  }
0x11: {  	[smem:$0x3FB5] =	sst s9;
	s0 =	simm.s32 @!p0 $0x0  }
0x12: {  	s1 =	sld [smem:$0x3F9B];
	s0 =	simm.s32 @p0 $0x1  }
0x13: {  	[smem:$0x3FB6] =	sst s0;
	s0 =	simm.s32 @!p1 $0x0  }
0x14: {  	s2 =	sld [smem:$0x3F9A];
	s0 =	simm.s32 @p1 $0x1  }
0x15: {  	[smem:$0x3FB7] =	sst s0;
	s0 =	simm.s32 @!p2 $0x0  }
0x16: {  	s3 =	sld [smem:$0x3FDB];
	s0 =	simm.s32 @p2 $0x1  }
0x17: {  	s4 =	simm.s32 $0x1BF5;
	[smem:$0x3FB9] =	sst s0  }
0x18: {  	s0 =	sld [smem:$0x3F9C];
	_ =	swait.ge [sflag:s4], $0x0  }
0x19: {  	s7 =	sld [smem:$0x3F9D]  }
0x1a: {  	s8 =	sadd.s32 $0xFFFFE003, lr  }
0x1b: {  	s9 =	sadd.s32 $0xFFFFFEF7, lr;
	s5 =	simm.s32 $0xFFFFFFFF;
	p2 =	slt.u32 s8, $0xFFFFF086  }
0x1c: {  	p1 =	slt.u32 s9, $0xF7A;
	s5 =	simm.s32 @!p2 $0x0  }
0x1d: {  	s5 =	simm.s32 @p1 $0x1;
	p0 =	seq.s32 s7, s2  }
0x1e: {  	s7 =	smul.u32 @!p0 $0xF7A, s2;
	p2 =	seq.s32 @!p0 s5, $0x0  }
0x1f: {  	s9 =	smul.u32 $0xF7A, s1;
	s8 =	simm.s32 @!p0 $0x1BF5;
	p2 =	por !p2, p0  }
0x20: {  	[sflag:s8] =	ssyncset.s32 @!p0 $0xFFFFF086;
	s6 =	sadd.s32 @!p0 s3, s7;
	s7 =	simm.s32 @!p0 $0x108  }
0x21: {  	s3 =	sadd.s32 s3, s9;
	s6 =	sadd.s32 @!p0 $0x88, s6;
	s7 =	simm.s32 @p2 $0x1082  }
0x22: {  	[simem:s7], [sflag:s8] =	dma.local @!p0 [hbm:s6], $0xF7A  }
0x23: {  	s9 =	sor.u32 $0xD0000000, s2;
	s6 =	simm.s32 $0x108;
	_ =	swait.ge @!p0 [sflag:s8], $0x0  }
0x24: {  	s3 =	sadd.s32 $0x88, s3;
	s6 =	simm.s32 @!p1 $0x1082;
	[sflag:s4] =	ssyncset.s32 $0xFFFFF086  }
0x25: {  	[simem:s6], [sflag:s4] =	dma.local [hbm:s3], $0xF7A  }
0x26: {  	[smem:$0x3F9D] =	sst s1;
	(tag) =	ssettag s2;
	_ =	strace s9  }
0x27: {  	s1 =	sld [smem:$0x3FAD]  }
0x28: {  	s2 =	sld [smem:$0x3FAE]  }
0x29: {  	s4 =	sld [smem:$0x3FB0]  }
0x2a: {  	p0 =	seq.s32 s5, $0x0;
	s5 =	sld [smem:$0x3FB1]  }
0x2b: {  	s6 =	sld [smem:$0x3FB2]  }
0x2c: {  	s7 =	sld [smem:$0x3FB3]  }
0x2d: {  	s3 =	simm.s32 $0x108;
	s8 =	sld [smem:$0x3FB4]  }
0x2e: {  	s3 =	simm.s32 @!p0 $0x1082;
	s9 =	sld [smem:$0x3FB5]  }
0x2f: {  	lr =	sadd.s32 s0, s3;
	s0 =	sld [smem:$0x3FAC]  }
0x30: {  	s3 =	sld [smem:$0x3FAF]  }
0x31: {  	[smem:$0x3FB8] =	sst s10  }
0x32: {  	s10 =	sld [smem:$0x3FB6];
	_ =	sdelay $0x3  }
0x33: {  	p0 =	seq.s32 s10, $0x1;
	s10 =	sld [smem:$0x3FB8];
	_ =	sdelay $0x3  }
0x34: {  	[smem:$0x3FB8] =	sst s10  }
0x35: {  	s10 =	sld [smem:$0x3FB7];
	_ =	sdelay $0x3  }
0x36: {  	p1 =	seq.s32 s10, $0x1;
	s10 =	sld [smem:$0x3FB8];
	_ =	sdelay $0x3  }
0x37: {  	[smem:$0x3FB8] =	sst s10  }
0x38: {  	s10 =	sld [smem:$0x3FB9]  }
0x39: {  	_ = 	snop;
	(pc) =	sbr.ind lr, $3  }
0x3a: {  	_ = 	snop  }
0x3b: {  	_ = 	snop  }
0x3c: {  	p2 =	seq.s32 s10, $0x1;
	s10 =	sld [smem:$0x3FB8]  }
0x3d: {  	_ =	shalt  }
0x3e: {  	_ =	shalt  }
0x3f: {  	_ =	shalt  }
0x40: {  	_ =	shalt  }
0x41: {  	_ =	shalt  }
0x42: {  	_ =	shalt  }
0x43: {  	_ =	shalt  }
0x44: {  	_ =	shalt  }
0x45: {  	_ =	shalt  }
0x46: {  	_ =	shalt  }
0x47: {  	_ =	shalt  }
0x48: {  	_ =	shalt  }
0x49: {  	_ =	shalt  }
0x4a: {  	_ =	shalt  }
0x4b: {  	_ =	shalt  }
0x4c: {  	_ =	shalt  }
0x4d: {  	_ =	shalt  }
0x4e: {  	_ =	shalt  }
0x4f: {  	_ =	shalt  }
0x50: {  	_ =	shalt  }
0x51: {  	_ =	shalt  }
0x52: {  	_ =	shalt  }
0x53: {  	_ =	shalt  }
0x54: {  	_ =	shalt  }
0x55: {  	_ =	shalt  }
0x56: {  	_ =	shalt  }
0x57: {  	_ =	shalt  }
0x58: {  	_ =	shalt  }
0x59: {  	_ =	shalt  }
0x5a: {  	_ =	shalt  }
0x5b: {  	_ =	shalt  }
0x5c: {  	_ =	shalt  }
0x5d: {  	_ =	shalt  }
0x5e: {  	_ =	shalt  }
0x5f: {  	_ =	shalt  }
0x60: {  	_ =	shalt  }
0x61: {  	_ =	shalt  }
0x62: {  	_ =	shalt  }
0x63: {  	_ =	shalt  }
0x64: {  	_ =	shalt  }
0x65: {  	_ =	shalt  }
0x66: {  	_ =	shalt  }
0x67: {  	_ =	shalt  }
0x68: {  	_ =	shalt  }
0x69: {  	_ =	shalt  }
0x6a: {  	_ =	shalt  }
0x6b: {  	_ =	shalt  }
0x6c: {  	_ =	shalt  }
0x6d: {  	_ =	shalt  }
0x6e: {  	_ =	shalt  }
0x6f: {  	_ =	shalt  }
0x70: {  	_ =	shalt  }
0x71: {  	_ =	shalt  }
0x72: {  	_ =	shalt  }
0x73: {  	_ =	shalt  }
0x74: {  	_ =	shalt  }
0x75: {  	_ =	shalt  }
0x76: {  	_ =	shalt  }
0x77: {  	_ =	shalt  }
0x78: {  	_ =	shalt  }
0x79: {  	_ =	shalt  }
0x7a: {  	_ =	shalt  }
0x7b: {  	_ =	shalt  }
0x7c: {  	_ =	shalt  }
0x7d: {  	_ =	shalt  }
0x7e: {  	_ =	shalt  }
0x7f: {  	_ =	shalt  }
0x80: {  	_ =	shalt  }
0x81: {  	_ =	shalt  }
0x82: {  	_ =	shalt  }
0x83: {  	_ =	shalt  }
0x84: {  	_ =	shalt  }
0x85: {  	_ =	shalt  }
0x86: {  	_ =	shalt  }
0x87: {  	_ =	shalt  }
.Lfunc_end0:
.L_simem_size_0:
called_computation_lowered:
.L_overlay_start_0:
0x88: {  	s2 =	sld [smem:$0x3FD9]  }
0x89: {  	s3 =	sld [smem:$0x3FFE];
	_ =	sdelay $0x1  }
0x8a: {  	s1 =	srdreg.scid  }
0x8b: {  	s0 =	sand.u32 $0x1, s1  }
0x8c: {  	s17 =	sshll.u32 s0, $0xA;
	s2 =	sadd.s32 s3, s2  }
0x8d: {  	s2 =	sadd.s32 s2, s17  }
0x8e: {  	[smem:$0x3FC4] =	sst s2  }
0x8f: {  	_ = 	snop  }
0x90: {  	s2 =	sld [smem:$0x3FC6]  }
0x91: {  	s18 =	sld [smem:$0x3FD0];
	(tm) =	ssettm $0x1  }
0x92: {  	s4 =	sld [smem:$0x3FFB];
	_ =	sdelay $0x3  }
0x93: {  	_ =	strace s4  }
0x94: {  	s4 =	sld [smem:$0x3FFC];
	_ =	sdelay $0x3  }
0x95: {  	_ =	strace s4  }
0x96: {  	s4 =	sld [smem:$0x3FFD];
	_ =	sdelay $0x3  }
0x97: {  	_ =	strace s4  }
0x98: {  	_ =	strace $0x8FFFFFFF  }
0x99: {  	s19 =	sld [smem:$0x3FDB];
	_ =	sdelay $0x1  }
0x9a: {  	s5 =	simm.s32 $_scs_section_size  }
0x9b: {  	s6 =	simm.s32 $_size__tile_overlayer_lowered;
	s7 =	simm.s32 $_tile_overlayer_lowered  }
0x9c: {  	s22 =	simm.s32 $0x1BFF;
	s21 =	sshll.u32 s7, $0x1;
	s4 =	sadd.s32 s5, s19  }
0x9d: {  	s8 =	simm.s32 $0x0;
	s20 =	sshll.u32 s6, $0x1;
	s6 =	sadd.s32 s21, s4  }
0x9e: {  	[timem:s8], [sflag:s22] =	dma.local [hbm:s6], s20  }
0x9f: {  	_ =	swait.ge [sflag:s22], s20  }
0xa0: {  	s5 =	ssub.s32 $0x0, s20;
	[sflag:s22] =	ssyncset.done $0x0  }
0xa1: {  	[sflag:s22] =	ssyncadd.s32 s5;
	_ =	sdelay $0x1  }
0xa2: {  	s23 =	simm.s32 $0x1B8B  }
0xa3: {  	_ =	swait.ge [sflag:s23], $0x1  }
0xa4: {  	[sflag:s23] =	ssyncset.done $0x0  }
0xa5: {  	s25 =	simm.s32 $0x1B8E;
	s24 =	sld [smem:$0x3FFE];
	[sflag:s23] =	ssyncadd.s32 $0xFFFFFFFF  }
0xa6: {  	s26 =	simm.s32 $execute0_lowered;
	[smem:$0x3FD2] =	sst s25  }
0xa7: {  	s6 =	sshll.u32 s26, $0x1;
	_ =	strace $0x80000046;
	[dreg:$0x1] =	wrdreg $0xFFFFFFFF  }
0xa8: {  	s28 =	simm.s32 $_size_execute0_lowered;
	s4 =	sadd.s32 s4, s6;
	[dreg:$0x0] =	wrdreg $0x0  }
0xa9: {  	s6 =	sshll.u32 s28, $0x1;
	[dreg:$0x2] =	wrdreg s4  }
0xaa: {  	[dreg:$0x3] =	wrdreg s6  }
0xab: {  	[dreg:$0x4] =	wrdreg $0xC0  }
0xac: {  	_ =	task [dreg:s8], $0x5FFFF  }
0xad: {  	[dreg:$0x1] =	wrdreg $0xFFFFFFFF  }
0xae: {  	[dreg:$0x0] =	wrdreg $0x60  }
0xaf: {  	[dreg:$0x2] =	wrdreg s24  }
0xb0: {  	[dreg:$0x3] =	wrdreg s2  }
0xb1: {  	[dreg:$0x4] =	wrdreg s18  }
0xb2: {  	[dreg:$0x5] =	wrdreg $0x13AF00  }
0xb3: {  	[dreg:$0x6] =	wrdreg $0x9  }
0xb4: {  	_ =	task.clear_ibuf [dreg:s8], $0x7FFFF;
	_ =	strace $0x90000046  }
0xb5: {  	s29 =	simm.s32 $0x9;
	_ =	strace $0x80000048  }
0xb6: {  	_ =	swait.ge [sflag:s29], $0x1  }
0xb7: {  	[sflag:s29] =	ssyncadd.s32 $0xFFFFFFFF  }
0xb8: {  	_ =	strace $0x90000048  }
0xb9: {  	_ =	sfence  }
0xba: {  	s30 =	sld [smem:$0x0];
	_ =	sdelay $0x2  }
0xbb: {  	s31 =	sshll.u32 s1, $0xD;
	s1 =	sshrl.u32 s1, $0x2  }
0xbc: {  	s3 =	sand.u32 $0x4000, s31;
	s1 =	sadd.s32 s1, s30  }
0xbd: {  	s0 =	sor.u32 s3, s0;
	s1 =	sshll.u32 s1, $0x11  }
0xbe: {  	s0 =	sor.u32 s1, s0  }
0xbf: {  	s0 =	sadd.s32 $0x8F2B, s0  }
0xc0: {  	[sflag:s0] =	ssyncadd.remote.s32 $0x1  }
0xc1: {  	_ =	sfence.sel $0xFFFF  }
0xc2: {  	[dreg:$0x0] =	wrdreg $0xFFFFFFFF;
	(pc) =	sbr.abs _section_cstart, $3  }
0xc3: {  	[dreg:$0x1] =	wrdreg $0xFFFFFFFF  }
0xc4: {  	_ =	task.clear_ibuf [dreg:s8], $0x2FFFF;
	_ =	strace $0x9FFFFFFF  }
0xc5: {  	(tm) =	ssettm $0x7FFFFFFF  }
tec
execute0_lowered:
.L_overlay_start_1:
0x0: {  	(tag) =	ssettag $0x1  }
0x1: {  	s18 =	stileid.u32  }
0x2: {  	s0 =	smul.u32 $0x50, s18;
	s6 =	sor.u32 $0x10, s18  }
0x3: {  	s7 =	sor.u32 $0x20, s18;
	s17 =	smul.u32 $0x50, s6  }
0x4: {  	v0 =	vlaneseq.u32;
	s8 =	sor.u32 $0x30, s18;
	s22 =	smul.u32 $0x50, s7;
	v1 =	vmov s0  }
0x5: {  	v38 =	vmul.u32 $0x2, v0;
	s1 =	sadd.s32 $0x10, s0;
	s15 =	sadd.s32 $0x20, s0;
	s16 =	sadd.s32 $0x30, s0;
	v0 =	vshll.u32 v1, $0x1  }
0x6: {  	s5 =	smul.u32 $0x50, s8;
	s0 =	sadd.s32 $0x40, s0;
	v1 =	vmov s1;
	v2 =	vmov s15;
	v3 =	vmov s16  }
0x7: {  	v4 =	vmov s0;
	v5 =	vmov s17;
	v10 =	vmov s22  }
0x8: {  	v15 =	vmov s5;
	v0 =	vor.u32 v38, v0;
	v1 =	vshll.u32 v1, $0x1  }
0x9: {  	s19 =	sadd.s32 $0x10, s17;
	s20 =	sadd.s32 $0x20, s17;
	v2 =	vshll.u32 v2, $0x1;
	v3 =	vshll.u32 v3, $0x1;
	v4 =	vshll.u32 v4, $0x1  }
0xa: {  	s21 =	sadd.s32 $0x30, s17;
	s0 =	sadd.s32 $0x40, s17;
	v5 =	vshll.u32 v5, $0x1;
	v6 =	vmov s19;
	v7 =	vmov s20  }
0xb: {  	s23 =	sadd.s32 $0x10, s22;
	s24 =	sadd.s32 $0x20, s22;
	s25 =	sadd.s32 $0x30, s22;
	v8 =	vmov s21;
	v9 =	vmov s0;
	v10 =	vshll.u32 v10, $0x1  }
0xc: {  	s2 =	srdreg.scid;
	s3 =	sadd.s32 $0x40, s22;
	s9 =	sadd.s32 $0x10, s5;
	v11 =	vmov s23;
	v12 =	vmov s24;
	v13 =	vmov s25  }
0xd: {  	s26 =	sadd.s32 $0x20, s5;
	s13 =	sadd.s32 $0x30, s5;
	s5 =	sadd.s32 $0x40, s5;
	v14 =	vmov s3;
	v15 =	vshll.u32 v15, $0x1;
	v16 =	vmov s9  }
0xe: {  	s4 =	sand.u32 $0x1, s2;
	v17 =	vmov s26;
	v18 =	vmov s13;
	v19 =	vmov s5  }
0xf: {  	v0 =	vor.u32 s4, v0;
	v1 =	vor.u32 v38, v1;
	v2 =	vor.u32 v38, v2  }
0x10: {  	v3 =	vor.u32 v38, v3;
	v4 =	vor.u32 v38, v4;
	v5 =	vor.u32 v38, v5  }
0x11: {  	v6 =	vshll.u32 v6, $0x1;
	v7 =	vshll.u32 v7, $0x1;
	v8 =	vshll.u32 v8, $0x1  }
0x12: {  	v9 =	vshll.u32 v9, $0x1;
	v10 =	vor.u32 v38, v10;
	v11 =	vshll.u32 v11, $0x1  }
0x13: {  	v12 =	vshll.u32 v12, $0x1;
	v13 =	vshll.u32 v13, $0x1;
	v14 =	vshll.u32 v14, $0x1  }
0x14: {  	v15 =	vor.u32 v38, v15;
	v16 =	vshll.u32 v16, $0x1;
	v17 =	vshll.u32 v17, $0x1  }
0x15: {  	v18 =	vshll.u32 v18, $0x1;
	v19 =	vshll.u32 v19, $0x1;
	v1 =	vor.u32 s4, v1  }
0x16: {  	v2 =	vor.u32 s4, v2;
	v3 =	vor.u32 s4, v3;
	v4 =	vor.u32 s4, v4  }
0x17: {  	v5 =	vor.u32 s4, v5;
	v6 =	vor.u32 v38, v6;
	v7 =	vor.u32 v38, v7  }
0x18: {  	v8 =	vor.u32 v38, v8;
	v9 =	vor.u32 v38, v9;
	v10 =	vor.u32 s4, v10  }
0x19: {  	s12 =	sor.u32 $0x40, s18;
	s7 =	smul.u32 $0x5000, s7;
	v11 =	vor.u32 v38, v11;
	v12 =	vor.u32 v38, v12;
	v13 =	vor.u32 v38, v13  }
0x1a: {  	s13 =	smul.u32 $0x50, s12;
	v14 =	vor.u32 v38, v14;
	v15 =	vor.u32 s4, v15;
	v16 =	vor.u32 v38, v16  }
0x1b: {  	s10 =	simm.s32 $0x0;
	s2 =	rddreg [dreg:$0x1];
	s8 =	smul.u32 $0x5000, s8;
	v17 =	vor.u32 v38, v17;
	v18 =	vor.u32 v38, v18;
	v19 =	vor.u32 v38, v19  }
0x1c: {  	[smem:$0x7FF] =	sst s10;
	s11 =	ssub.s32 $0x2, s4;
	s1 =	smul.u32 $0x4E20, s18;
	v20 =	vmov s13;
	v6 =	vor.u32 s4, v6;
	v7 =	vor.u32 s4, v7  }
0x1d: {  	s15 =	sshrl.u32 s11, $0x1;
	s16 =	smul.u32 $0x5000, s18;
	s0 =	rddreg [dreg:$0x0];
	v8 =	vor.u32 s4, v8;
	v9 =	vor.u32 s4, v9;
	v11 =	vor.u32 s4, v11  }
0x1e: {  	s22 =	smul.u32 $0x5000, s12;
	s3 =	rddreg [dreg:$0x3];
	_ =	strace $0x80000047;
	v12 =	vor.u32 s4, v12;
	v13 =	vor.u32 s4, v13;
	v14 =	vor.u32 s4, v14  }
0x1f: {  	s5 =	ssub.s32 s11, s15;
	s23 =	sor.u32 $0x50, s18;
	s19 =	sadd.s32 $0x10, s13;
	v16 =	vor.u32 s4, v16;
	v17 =	vor.u32 s4, v17;
	v18 =	vor.u32 s4, v18  }
0x20: {  	s20 =	sadd.s32 $0x20, s13;
	s24 =	sadd.s32 $0x30, s13;
	s25 =	sadd.s32 $0x40, s13;
	v19 =	vor.u32 s4, v19;
	v20 =	vshll.u32 v20, $0x1;
	v21 =	vmov s19  }
0x21: {  	s26 =	sshrl.u32 s7, $0x2;
	s15 =	sor.u32 $0x70, s18;
	s13 =	smul.u32 $0x50, s23;
	v22 =	vmov s20;
	v23 =	vmov s24;
	v24 =	vmov s25  }
0x22: {  	s14 =	sshrl.u32 s1, $0x3;
	s10 =	sshrl.u32 s16, $0x2;
	s16 =	smul.u32 $0x5000, s15;
	v20 =	vor.u32 v38, v20;
	v21 =	vshll.u32 v21, $0x1;
	v22 =	vshll.u32 v22, $0x1  }
0x23: {  	s1 =	sshrl.u32 s8, $0x2;
	s8 =	sshrl.u32 s22, $0x2;
	s21 =	sadd.s32 s10, s3;
	v23 =	vshll.u32 v23, $0x1;
	v24 =	vshll.u32 v24, $0x1;
	v25 =	vmov s13  }
0x24: {  	[dreg:$0x7] =	wrdreg s21;
	s25 =	sshrl.u32 s16, $0x2;
	s16 =	smul.u32 $0x50, s15;
	v20 =	vor.u32 s4, v20;
	v21 =	vor.u32 v38, v21;
	v22 =	vor.u32 v38, v22  }
0x25: {  	s20 =	sadd.s32 $0x10, s13;
	s21 =	sadd.s32 $0x20, s13;
	s22 =	sadd.s32 $0x30, s13;
	v23 =	vor.u32 v38, v23;
	v24 =	vor.u32 v38, v24;
	v25 =	vshll.u32 v25, $0x1  }
0x26: {  	s28 =	simm.s32 $0xDE60;
	s10 =	sadd.s32 s26, s3;
	s26 =	sadd.s32 $0x40, s13;
	v26 =	vmov s20;
	v27 =	vmov s21;
	v28 =	vmov s22  }
0x27: {  	s29 =	simm.s32 $0xFE60;
	s30 =	simm.s32 $0x9C40;
	s19 =	sor.u32 $0x60, s18;
	v29 =	vmov s26;
	v35 =	vmov s16;
	v21 =	vor.u32 s4, v21  }
0x28: {  	s9 =	sadd.s32 s14, s0;
	s11 =	sadd.s32 s8, s3;
	s8 =	smul.u32 $0x50, s19;
	v22 =	vor.u32 s4, v22;
	v23 =	vor.u32 s4, v23;
	v24 =	vor.u32 s4, v24  }
0x29: {  	s6 =	smul.u32 $0x5000, s6;
	s7 =	sadd.s32 s1, s3;
	s17 =	sadd.s32 $0x28000, s9;
	v25 =	vor.u32 v38, v25;
	v26 =	vshll.u32 v26, $0x1;
	v27 =	vshll.u32 v27, $0x1  }
0x2a: {  	[dreg:$0x8] =	wrdreg s7;
	s14 =	smul.u32 $0x5000, s19;
	s15 =	sadd.s32 $0x30, s16;
	v28 =	vshll.u32 v28, $0x1;
	v29 =	vshll.u32 v29, $0x1;
	v30 =	vmov s8  }
0x2b: {  	s31 =	simm.s32 $0x9CC0;
	s6 =	sshrl.u32 s6, $0x2;
	[dreg:$0x5] =	wrdreg s17;
	v39 =	vmov s15;
	v35 =	vshll.u32 v35, $0x1;
	v25 =	vor.u32 s4, v25  }
0x2c: {  	s17 =	smul.u32 $0x5000, s23;
	s24 =	sshrl.u32 s14, $0x2;
	s14 =	sadd.s32 $0x10, s8;
	v26 =	vor.u32 v38, v26;
	v27 =	vor.u32 v38, v27;
	v28 =	vor.u32 v38, v28  }
0x2d: {  	s20 =	sadd.s32 $0x20, s8;
	s21 =	sadd.s32 $0x30, s8;
	s22 =	sadd.s32 $0x40, s8;
	v29 =	vor.u32 v38, v29;
	v30 =	vshll.u32 v30, $0x1;
	v31 =	vmov s14  }
0x2e: {  	s12 =	sadd.s32 s6, s3;
	s9 =	sadd.s32 $0x31C40, s9;
	[dreg:$0x9] =	wrdreg s11;
	v32 =	vmov s20;
	v33 =	vmov s21;
	v34 =	vmov s22  }
0x2f: {  	[dreg:$0x6] =	wrdreg s9;
	s13 =	sshll.u32 s4, $0x3;
	s7 =	sshrl.u32 s17, $0x2;
	v35 =	vor.u32 v38, v35;
	v39 =	vshll.u32 v39, $0x1;
	v26 =	vor.u32 s4, v26  }
0x30: {  	s19 =	sadd.s32 s2, s13;
	s23 =	sadd.s32 s7, s3;
	s6 =	sadd.s32 s24, s3;
	v27 =	vor.u32 s4, v27;
	v28 =	vor.u32 s4, v28;
	v29 =	vor.u32 s4, v29  }
0x31: {  	s7 =	sadd.s32 s25, s3;
	s24 =	sadd.s32 $0x20, s16;
	s25 =	sadd.s32 $0x40, s16;
	v30 =	vor.u32 v38, v30;
	v31 =	vshll.u32 v31, $0x1;
	v32 =	vshll.u32 v32, $0x1  }
0x32: {  	p0 =	seq.s32 s4, $0x0;
	s26 =	smax.u32 s5, $0x1;
	[dreg:$0xd] =	wrdreg s19;
	v33 =	vshll.u32 v33, $0x1;
	v37 =	vmov s24;
	v40 =	vmov s25  }
0x33: {  	s2 =	simm.s32 $0x3;
	[dreg:$0xe] =	wrdreg s26;
	s19 =	simm.s32 $0x12660;
	v34 =	vshll.u32 v34, $0x1;
	v35 =	vor.u32 s4, v35;
	v39 =	vor.u32 v38, v39  }
0x34: {  	s26 =	simm.s32 $0x9DC0;
	[dreg:$0xa] =	wrdreg s23;
	s23 =	sadd.s32 $0x10, s16;
	v30 =	vor.u32 s4, v30;
	v31 =	vor.u32 v38, v31;
	v32 =	vor.u32 v38, v32  }
0x35: {  	s14 =	simm.s32 $0x14600;
	s20 =	simm.s32 $0x9;
	s21 =	simm.s32 $0x1;
	v36 =	vmov s23;
	v33 =	vor.u32 v38, v33;
	v34 =	vor.u32 v38, v34  }
.Ltmp0:
0x36: {  	s22 =	simm.s32 $0x2;
	[dreg:$0xb] =	wrdreg s6;
	v37 =	vshll.u32 v37, $0x1;
	v40 =	vshll.u32 v40, $0x1;
	v31 =	vor.u32 s4, v31;
	(pc) =	sbr.rel .LBB2_1-.Ltmp0, $4  }
0x37: {  	[dreg:$0xc] =	wrdreg s7;
	s14 =	simm.s32 @!p0 $0xC00;
	p0 =	sgt.u32 s18, $0xC;
	v32 =	vor.u32 s4, v32;
	v33 =	vor.u32 s4, v33;
	v36 =	vshll.u32 v36, $0x1  }
0x38: {  	s24 =	simm.s32 $0x9E60;
	s25 =	simm.s32 $0xBE60;
	s18 =	simm.s32 $0x4;
	v34 =	vor.u32 s4, v34;
	v37 =	vor.u32 v38, v37;
	v40 =	vor.u32 v38, v40  }
0x39: {  	s16 =	simm.s32 $0x50;
	s17 =	sadd.s32 s14, s0;
	s23 =	simm.s32 $0x80;
	v36 =	vor.u32 v38, v36;
	v37 =	vor.u32 s4, v37;
	v38 =	vor.u32 s4, v39  }
0x3a: {  	s0 =	simm.s32 $0x9D40;
	s14 =	simm.s32 $0x13A60;
	v39 =	vor.u32 s4, v40;
	v40 =	vimm.f32 $0.0e+00;
	v36 =	vor.u32 s4, v36;
	s4 =	simm.s32 $0x0  }
.LBB2_22:
0x3b: {  	v48 =	vld [tilespmem:s5+$0x12690];
	_ =	sdelay $0x1  }
0x3c: {  	v43 =	vadd.f32 v45, v43  }
0x3d: {  	v44 =	vadd.f32 v46, v44  }
0x3e: {  	v42 =	vadd.f32 v47, v42;
	v43 =	vmax.f32 v43, $0.0e+00  }
0x3f: {  	v63 =	vmax.f32 v44, $0.0e+00;
	[tilespmem:s5+$0x12660] =	vst v43;
	v41 =	vadd.f32 v48, v41  }
0x40: {  	v42 =	vmax.f32 v42, $0.0e+00;
	[tilespmem:s5+$0x12670] =	vst v63  }
0x41: {  	[tilespmem:s5+$0x12680] =	vst v42;
	v41 =	vmax.f32 v41, $0.0e+00  }
0x42: {  	[tilespmem:s5+$0x12690] =	vst v41  }
0x43: {  	[tilespmem:$0x13A60] =	vst v35  }
0x44: {  	[tilespmem:$0x13A70] =	vst v36  }
0x45: {  	[tilespmem:$0x13A80] =	vst v37  }
0x46: {  	[tilespmem:$0x13A90] =	vst v38  }
0x47: {  	[tilespmem:$0x13AA0] =	vst v39  }
0x48: {  	[hbm4b:s8+s16] =	stream.indirect.scatter [tilespmem:s19], [sflag:$0x9], $0x40, s14, s16, $0xb8;
	[tilespmem:$0x1D730] =	vst v63  }
0x49: {  	_ =	swait.ge [sflag:s20], $0x1400  }
0x4a: {  	[sflag:s20] =	ssyncset.done $0x0  }
0x4b: {  	[sflag:s20] =	ssyncadd.s32 $0xFFFFEC00  }
.LBB2_23:
0x4c: {  	s4 =	sadd.s32 $0x1, s4;
	s1 =	rddreg [dreg:$0xe]  }
0x4d: {  	p1 =	sne.s32 s4, s1  }
.Ltmp1:
0x4e: {  	_ = 	snop;
	(pc) =	sbr.rel @!p1 .LBB2_24-.Ltmp1, $1  }
0x4f: {  	_ =	sdelay $0x3  }
.LBB2_1:
0x50: {  	s5 =	simm.s32 $0x0;
	s6 =	rddreg [dreg:$0x5]  }
0x51: {  	[tilespmem:s5], [sflag:$0x1] =	stream.linear.gather [hbm4b:s6+s5], $0x4E20, $0x38;
	[tilespmem:$0x1D730] =	vst v63  }
0x52: {  	s15 =	rddreg [dreg:$0x6];
	s1 =	simm.s32 $0x4E20  }
0x53: {  	[tilespmem:s1], [sflag:$0x2] =	stream.linear.gather [hbm4b:s15+s5], $0x4E20, $0x38;
	[tilespmem:$0x1D730] =	vst v63  }
0x54: {  	s6 =	simm.s32 $0x100;
	s5 =	simm.s32 $0x0  }
.LBB2_2:
0x55: {  	p1 =	sne.s32 s6, $0x4F00;
	[tilespmem:s5+$0x12690] =	vst v40;
	s7 =	smov.u32 s6;
	s6 =	sadd.s32 $0x100, s6  }
.Ltmp2:
0x56: {  	[tilespmem:s5+$0x12680] =	vst v40;
	(pc) =	sbr.rel @p1 .LBB2_2-.Ltmp2, $3  }
0x57: {  	[tilespmem:s5+$0x12660] =	vst v40  }
0x58: {  	[tilespmem:s5+$0x12670] =	vst v40;
	_ =	sdelay $0x1  }
0x59: {  	s5 =	sshra.s32 s7, $0x2  }
0x5a: {  	[tilespmem:s5+$0x12690] =	vst v40  }
0x5b: {  	[tilespmem:s5+$0x12680] =	vst v40  }
0x5c: {  	[tilespmem:s5+$0x12660] =	vst v40  }
0x5d: {  	[tilespmem:s5+$0x12670] =	vst v40;
	s6 =	rddreg [dreg:$0x7]  }
0x5e: {  	[spmem:s6] =	stream.linear.scatter [tilespmem:s19], [sflag:$0x9], $0x1400, $0x38;
	[tilespmem:$0x1D730] =	vst v63  }
0x5f: {  	_ =	swait.ge [sflag:s20], $0x1400  }
0x60: {  	[sflag:s20] =	ssyncset.done $0x0  }
0x61: {  	[sflag:s20] =	ssyncadd.s32 $0xFFFFEC00  }
0x62: {  	[spmem:s12] =	stream.linear.scatter [tilespmem:s19], [sflag:$0x9], $0x1400, $0x38;
	[tilespmem:$0x1D730] =	vst v63  }
0x63: {  	_ =	swait.ge [sflag:s20], $0x1400  }
0x64: {  	[sflag:s20] =	ssyncset.done $0x0  }
0x65: {  	[sflag:s20] =	ssyncadd.s32 $0xFFFFEC00  }
0x66: {  	[spmem:s10] =	stream.linear.scatter [tilespmem:s19], [sflag:$0x9], $0x1400, $0x38;
	[tilespmem:$0x1D730] =	vst v63  }
0x67: {  	_ =	swait.ge [sflag:s20], $0x1400  }
0x68: {  	[sflag:s20] =	ssyncset.done $0x0  }
0x69: {  	s7 =	rddreg [dreg:$0x8];
	[sflag:s20] =	ssyncadd.s32 $0xFFFFEC00  }
0x6a: {  	[spmem:s7] =	stream.linear.scatter [tilespmem:s19], [sflag:$0x9], $0x1400, $0x38;
	[tilespmem:$0x1D730] =	vst v63  }
0x6b: {  	_ =	swait.ge [sflag:s20], $0x1400  }
0x6c: {  	[sflag:s20] =	ssyncset.done $0x0  }
0x6d: {  	[sflag:s20] =	ssyncadd.s32 $0xFFFFEC00  }
0x6e: {  	[spmem:s11] =	stream.linear.scatter [tilespmem:s19], [sflag:$0x9], $0x1400, $0x38;
	[tilespmem:$0x1D730] =	vst v63  }
0x6f: {  	_ =	swait.ge [sflag:s20], $0x1400  }
0x70: {  	[sflag:s20] =	ssyncset.done $0x0  }
0x71: {  	s8 =	rddreg [dreg:$0xa];
	[sflag:s20] =	ssyncadd.s32 $0xFFFFEC00  }
0x72: {  	[spmem:s8] =	stream.linear.scatter [tilespmem:s19], [sflag:$0x9], $0x1400, $0x38;
	[tilespmem:$0x1D730] =	vst v63  }
0x73: {  	_ =	swait.ge [sflag:s20], $0x1400  }
0x74: {  	[sflag:s20] =	ssyncset.done $0x0  }
0x75: {  	s9 =	rddreg [dreg:$0xb];
	[sflag:s20] =	ssyncadd.s32 $0xFFFFEC00  }
0x76: {  	[spmem:s9] =	stream.linear.scatter [tilespmem:s19], [sflag:$0x9], $0x1400, $0x38;
	[tilespmem:$0x1D730] =	vst v63  }
0x77: {  	_ =	swait.ge [sflag:s20], $0x1400  }
0x78: {  	[sflag:s20] =	ssyncset.done $0x0  }
0x79: {  	s5 =	simm.s32 @!p0 $0x12660;
	s6 =	rddreg [dreg:$0xc];
	[sflag:s20] =	ssyncadd.s32 $0xFFFFEC00  }
0x7a: {  	[spmem:s6] =	stream.linear.scatter @!p0 [tilespmem:s5], [sflag:$0x9], $0x1400, $0x38;
	[tilespmem:$0x1D730] =	vst v63  }
0x7b: {  	s5 =	simm.s32 @!p0 $0x9  }
0x7c: {  	_ =	swait.ge @!p0 [sflag:s5], $0x1400  }
0x7d: {  	[sflag:s5] =	ssyncset.done @!p0 $0x0  }
0x7e: {  	[sflag:s5] =	ssyncadd.s32 @!p0 $0xFFFFEC00  }
0x7f: {  	_ =	swait.ge [sflag:s21], $0x4E20  }
0x80: {  	[sflag:s21] =	ssyncset.done $0x0  }
0x81: {  	[sflag:s21] =	ssyncadd.s32 $0xFFFFB1E0  }
0x82: {  	_ =	swait.ge [sflag:s22], $0x4E20  }
0x83: {  	[sflag:s22] =	ssyncset.done $0x0  }
0x84: {  	[sflag:s22] =	ssyncadd.s32 $0xFFFFB1E0  }
0x85: {  	s1 =	smov.u32 s10;
	s10 =	simm.s32 $0x0;
	[bflag:$0x0] =	sbarrier.arrive $0xFFFF  }
0x86: {  	[tilespmem:s24], [sflag:$0x1] =	stream.indirect.gather [hbm4b:s17+s23], $0x40, s10, s23, $0xb8;
	[tilespmem:$0x1D730] =	vst v63  }
0x87: {  	p1 =	por $0x1, $0x1  }
0x88: {  	[tilespmem:s25], [sflag:$0x2] =	stream.indirect.gather [hbm4b:s17+s23], $0x40, s23, s23, $0xb8;
	[tilespmem:$0x1D730] =	vst v63  }
0x89: {  	s11 =	simm.s32 $0x100;
	s5 =	simm.s32 @!p1 $0x8  }
0x8a: {  	[tilespmem:s28], [sflag:$0x3] =	stream.indirect.gather [hbm4b:s17+s23], $0x40, s11, s23, $0xb8;
	[tilespmem:$0x1D730] =	vst v63  }
0x8b: {  	_ =	swait.ge @!p1 [sflag:s5], $0x2000  }
0x8c: {  	[sflag:s5] =	ssyncset.done @!p1 $0x0  }
0x8d: {  	s13 =	smov.u32 s12;
	s12 =	simm.s32 $0x180;
	[sflag:s5] =	ssyncadd.s32 @!p1 $0xFFFFE000  }
0x8e: {  	[tilespmem:s29], [sflag:$0x4] =	stream.indirect.gather [hbm4b:s17+s23], $0x40, s12, s23, $0xb8;
	[tilespmem:$0x1D730] =	vst v63  }
0x8f: {  	_ =	swait.ge [sflag:s21], $0x2000  }
0x90: {  	[sflag:s21] =	ssyncset.done $0x0  }
0x91: {  	s15 =	simm.s32 $0x0;
	[sflag:s21] =	ssyncadd.s32 $0xFFFFE000  }
0x92: {  	v41 =	vld [tilespmem:s15+$0x4E20];
	_ =	sdelay $0x4  }
0x93: {  	[tilespmem:$0x9C40] =	vst v41  }
0x94: {  	v41 =	vld [tilespmem:s15+$0x4E30];
	_ =	sdelay $0x4  }
0x95: {  	[tilespmem:$0x9C50] =	vst v41  }
0x96: {  	v41 =	vld [tilespmem:s15+$0x4E40];
	_ =	sdelay $0x4  }
0x97: {  	[tilespmem:$0x9C60] =	vst v41  }
0x98: {  	v41 =	vld [tilespmem:s15+$0x4E50];
	_ =	sdelay $0x4  }
0x99: {  	[tilespmem:$0x9C70] =	vst v41  }
0x9a: {  	v41 =	vld [tilespmem:s15+$0x4E60];
	_ =	sdelay $0x4  }
0x9b: {  	[tilespmem:$0x9C80] =	vst v41  }
0x9c: {  	v41 =	vld [tilespmem:s15+$0x4E70];
	_ =	sdelay $0x4  }
0x9d: {  	[tilespmem:$0x9C90] =	vst v41  }
0x9e: {  	v41 =	vld [tilespmem:s15+$0x4E80];
	_ =	sdelay $0x4  }
0x9f: {  	[tilespmem:$0x9CA0] =	vst v41  }
0xa0: {  	v41 =	vld [tilespmem:s15+$0x4E90];
	_ =	sdelay $0x3  }
0xa1: {  	p1 =	por $0x0, $0x0  }
0xa2: {  	s5 =	simm.s32 @!p1 $0x5;
	[tilespmem:$0x9CB0] =	vst v41  }
0xa3: {  	[spmem:s3] =	stream.indirect.scatter.add.f32 [tilespmem:s24], [sflag:$0x5], $0x40, s30, s23, $0xb8;
	[tilespmem:$0x1D730] =	vst v63  }
0xa4: {  	_ =	swait.ge @!p1 [sflag:s5], $0x2000  }
0xa5: {  	s7 =	simm.s32 @!p1 $0x200;
	[sflag:s5] =	ssyncset.done @!p1 $0x0  }
0xa6: {  	s8 =	simm.s32 @!p1 $0x80;
	[sflag:s5] =	ssyncadd.s32 @!p1 $0xFFFFE000;
	s5 =	simm.s32 @!p1 $0x9E60  }
0xa7: {  	[tilespmem:s5], [sflag:$0x1] =	stream.indirect.gather @!p1 [hbm4b:s17+s8], $0x40, s7, s8, $0xb8;
	[tilespmem:$0x1D730] =	vst v63  }
0xa8: {  	_ =	swait.ge [sflag:s22], $0x2000  }
0xa9: {  	[sflag:s22] =	ssyncset.done $0x0  }
0xaa: {  	[sflag:s22] =	ssyncadd.s32 $0xFFFFE000  }
0xab: {  	v61 =	vld [tilespmem:s15+$0x4EA0];
	_ =	sdelay $0x4  }
0xac: {  	[tilespmem:$0x9CC0] =	vst v61  }
0xad: {  	v41 =	vld [tilespmem:s15+$0x4EB0];
	_ =	sdelay $0x4  }
0xae: {  	[tilespmem:$0x9CD0] =	vst v41  }
0xaf: {  	v41 =	vld [tilespmem:s15+$0x4EC0];
	_ =	sdelay $0x4  }
0xb0: {  	[tilespmem:$0x9CE0] =	vst v41  }
0xb1: {  	v41 =	vld [tilespmem:s15+$0x4ED0];
	_ =	sdelay $0x4  }
0xb2: {  	[tilespmem:$0x9CF0] =	vst v41  }
0xb3: {  	v41 =	vld [tilespmem:s15+$0x4EE0];
	_ =	sdelay $0x4  }
0xb4: {  	[tilespmem:$0x9D00] =	vst v41  }
0xb5: {  	v41 =	vld [tilespmem:s15+$0x4EF0];
	_ =	sdelay $0x4  }
0xb6: {  	[tilespmem:$0x9D10] =	vst v41  }
0xb7: {  	v41 =	vld [tilespmem:s15+$0x4F00];
	_ =	sdelay $0x4  }
0xb8: {  	[tilespmem:$0x9D20] =	vst v41  }
0xb9: {  	v41 =	vld [tilespmem:s15+$0x4F10];
	_ =	sdelay $0x4  }
0xba: {  	s5 =	simm.s32 @!p1 $0x6;
	[tilespmem:$0x9D30] =	vst v41  }
0xbb: {  	[spmem:s3] =	stream.indirect.scatter.add.f32 [tilespmem:s25], [sflag:$0x6], $0x40, s31, s23, $0xb8;
	[tilespmem:$0x1D730] =	vst v63  }
0xbc: {  	_ =	swait.ge @!p1 [sflag:s5], $0x2000  }
0xbd: {  	[sflag:s5] =	ssyncset.done @!p1 $0x0  }
0xbe: {  	s7 =	simm.s32 @!p1 $0x280;
	[sflag:s5] =	ssyncadd.s32 @!p1 $0xFFFFE000;
	s5 =	simm.s32 @!p1 $0xBE60  }
0xbf: {  	[tilespmem:s5], [sflag:$0x2] =	stream.indirect.gather @!p1 [hbm4b:s17+s8], $0x40, s7, s8, $0xb8;
	[tilespmem:$0x1D730] =	vst v63  }
0xc0: {  	_ =	swait.ge [sflag:s2], $0x2000  }
0xc1: {  	[sflag:s2] =	ssyncset.done $0x0  }
0xc2: {  	[sflag:s2] =	ssyncadd.s32 $0xFFFFE000  }
0xc3: {  	v62 =	vld [tilespmem:s15+$0x4F20];
	_ =	sdelay $0x4  }
0xc4: {  	[tilespmem:$0x9D40] =	vst v62  }
0xc5: {  	v41 =	vld [tilespmem:s15+$0x4F30];
	_ =	sdelay $0x4  }
0xc6: {  	[tilespmem:$0x9D50] =	vst v41  }
0xc7: {  	v41 =	vld [tilespmem:s15+$0x4F40];
	_ =	sdelay $0x4  }
0xc8: {  	[tilespmem:$0x9D60] =	vst v41  }
0xc9: {  	v41 =	vld [tilespmem:s15+$0x4F50];
	_ =	sdelay $0x4  }
0xca: {  	[tilespmem:$0x9D70] =	vst v41  }
0xcb: {  	v41 =	vld [tilespmem:s15+$0x4F60];
	_ =	sdelay $0x4  }
0xcc: {  	[tilespmem:$0x9D80] =	vst v41  }
0xcd: {  	v41 =	vld [tilespmem:s15+$0x4F70];
	_ =	sdelay $0x4  }
0xce: {  	[tilespmem:$0x9D90] =	vst v41  }
0xcf: {  	v41 =	vld [tilespmem:s15+$0x4F80];
	_ =	sdelay $0x4  }
0xd0: {  	[tilespmem:$0x9DA0] =	vst v41  }
0xd1: {  	v41 =	vld [tilespmem:s15+$0x4F90];
	_ =	sdelay $0x4  }
0xd2: {  	s5 =	simm.s32 @!p1 $0x7;
	[tilespmem:$0x9DB0] =	vst v41  }
0xd3: {  	[spmem:s3] =	stream.indirect.scatter.add.f32 [tilespmem:s28], [sflag:$0x7], $0x40, s0, s23, $0xb8;
	[tilespmem:$0x1D730] =	vst v63  }
0xd4: {  	_ =	swait.ge @!p1 [sflag:s5], $0x2000  }
0xd5: {  	[sflag:s5] =	ssyncset.done @!p1 $0x0  }
0xd6: {  	s7 =	simm.s32 @!p1 $0x300;
	[sflag:s5] =	ssyncadd.s32 @!p1 $0xFFFFE000;
	s5 =	simm.s32 @!p1 $0xDE60  }
0xd7: {  	[tilespmem:s5], [sflag:$0x3] =	stream.indirect.gather @!p1 [hbm4b:s17+s8], $0x40, s7, s8, $0xb8;
	[tilespmem:$0x1D730] =	vst v63  }
0xd8: {  	_ =	swait.ge [sflag:s18], $0x2000  }
0xd9: {  	[sflag:s18] =	ssyncset.done $0x0  }
0xda: {  	[sflag:s18] =	ssyncadd.s32 $0xFFFFE000  }
0xdb: {  	v63 =	vld [tilespmem:s15+$0x4FA0];
	_ =	sdelay $0x4  }
0xdc: {  	[tilespmem:$0x9DC0] =	vst v63  }
0xdd: {  	v41 =	vld [tilespmem:s15+$0x4FB0];
	_ =	sdelay $0x4  }
0xde: {  	[tilespmem:$0x9DD0] =	vst v41  }
0xdf: {  	v41 =	vld [tilespmem:s15+$0x4FC0];
	_ =	sdelay $0x4  }
0xe0: {  	[tilespmem:$0x9DE0] =	vst v41  }
0xe1: {  	v41 =	vld [tilespmem:s15+$0x4FD0];
	_ =	sdelay $0x4  }
0xe2: {  	[tilespmem:$0x9DF0] =	vst v41  }
0xe3: {  	v41 =	vld [tilespmem:s15+$0x4FE0];
	_ =	sdelay $0x4  }
0xe4: {  	[tilespmem:$0x9E00] =	vst v41  }
0xe5: {  	v41 =	vld [tilespmem:s15+$0x4FF0];
	_ =	sdelay $0x4  }
0xe6: {  	[tilespmem:$0x9E10] =	vst v41  }
0xe7: {  	v41 =	vld [tilespmem:s15+$0x5000];
	_ =	sdelay $0x4  }
0xe8: {  	[tilespmem:$0x9E20] =	vst v41  }
0xe9: {  	v41 =	vld [tilespmem:s15+$0x5010];
	_ =	sdelay $0x2  }
0xea: {  	p2 =	por $0x0, $0x0;
	s6 =	simm.s32 $0x1000;
	s5 =	simm.s32 $0x800  }
.LBB2_4:
0xeb: {  	s8 =	simm.s32 @!p2 $0x8;
	s7 =	smov.u32 s6;
	s6 =	sadd.s32 $0x800, s6  }
0xec: {  	p1 =	sne.s32 s6, $0x13800;
	[tilespmem:$0x9E30] =	vst v41  }
0xed: {  	[spmem:s3] =	stream.indirect.scatter.add.f32 [tilespmem:s29], [sflag:$0x8], $0x40, s26, s23, $0xb8;
	[tilespmem:$0x1D730] =	vst v63  }
0xee: {  	s15 =	sshra.s32 s5, $0x2;
	_ =	swait.ge @!p2 [sflag:s8], $0x2000  }
0xef: {  	s9 =	sadd.s32 $0x180, s15;
	[sflag:s8] =	ssyncset.done @!p2 $0x0  }
0xf0: {  	[sflag:s8] =	ssyncadd.s32 @!p2 $0xFFFFE000  }
0xf1: {  	[tilespmem:s29], [sflag:$0x4] =	stream.indirect.gather [hbm4b:s17+s23], $0x40, s9, s23, $0xb8;
	[tilespmem:$0x1D730] =	vst v63  }
0xf2: {  	_ =	swait.ge [sflag:s21], $0x2000  }
0xf3: {  	[sflag:s21] =	ssyncset.done $0x0  }
0xf4: {  	[sflag:s21] =	ssyncadd.s32 $0xFFFFE000  }
0xf5: {  	v41 =	vld [tilespmem:s15+$0x4E20];
	_ =	sdelay $0x4  }
0xf6: {  	[tilespmem:$0x9C40] =	vst v41  }
0xf7: {  	v41 =	vld [tilespmem:s15+$0x4E30];
	_ =	sdelay $0x4  }
0xf8: {  	[tilespmem:$0x9C50] =	vst v41  }
0xf9: {  	v41 =	vld [tilespmem:s15+$0x4E40];
	_ =	sdelay $0x4  }
0xfa: {  	[tilespmem:$0x9C60] =	vst v41  }
0xfb: {  	v41 =	vld [tilespmem:s15+$0x4E50];
	_ =	sdelay $0x4  }
0xfc: {  	[tilespmem:$0x9C70] =	vst v41  }
0xfd: {  	v41 =	vld [tilespmem:s15+$0x4E60];
	_ =	sdelay $0x4  }
0xfe: {  	[tilespmem:$0x9C80] =	vst v41  }
0xff: {  	v41 =	vld [tilespmem:s15+$0x4E70];
	_ =	sdelay $0x4  }
0x100: {  	[tilespmem:$0x9C90] =	vst v41  }
0x101: {  	v41 =	vld [tilespmem:s15+$0x4E80];
	_ =	sdelay $0x4  }
0x102: {  	[tilespmem:$0x9CA0] =	vst v41  }
0x103: {  	v41 =	vld [tilespmem:s15+$0x4E90];
	_ =	sdelay $0x3  }
0x104: {  	p2 =	seq.s32 s5, $0x13000  }
0x105: {  	s8 =	simm.s32 @!p2 $0x5;
	s10 =	sshra.s32 @!p2 s5, $0x2;
	s5 =	smov.u32 s7;
	[tilespmem:$0x9CB0] =	vst v41  }
0x106: {  	[spmem:s3] =	stream.indirect.scatter.add.f32 [tilespmem:s24], [sflag:$0x5], $0x40, s30, s23, $0xb8;
	[tilespmem:$0x1D730] =	vst v63  }
0x107: {  	s11 =	sadd.s32 @!p2 $0x200, s10;
	s9 =	sadd.s32 @!p2 $0x280, s10;
	_ =	swait.ge @!p2 [sflag:s8], $0x2000  }
0x108: {  	s7 =	simm.s32 @!p2 $0x80;
	s12 =	simm.s32 @!p2 $0x9E60;
	[sflag:s8] =	ssyncset.done @!p2 $0x0  }
0x109: {  	[sflag:s8] =	ssyncadd.s32 @!p2 $0xFFFFE000;
	s8 =	sadd.s32 @!p2 $0x300, s10  }
0x10a: {  	[tilespmem:s12], [sflag:$0x1] =	stream.indirect.gather @!p2 [hbm4b:s17+s7], $0x40, s11, s7, $0xb8;
	[tilespmem:$0x1D730] =	vst v63  }
0x10b: {  	_ =	swait.ge [sflag:s22], $0x2000  }
0x10c: {  	[sflag:s22] =	ssyncset.done $0x0  }
0x10d: {  	[sflag:s22] =	ssyncadd.s32 $0xFFFFE000  }
0x10e: {  	v41 =	vld [tilespmem:s15+$0x4EA0];
	_ =	sdelay $0x4  }
0x10f: {  	[tilespmem:$0x9CC0] =	vst v41  }
0x110: {  	v41 =	vld [tilespmem:s15+$0x4EB0];
	_ =	sdelay $0x4  }
0x111: {  	[tilespmem:$0x9CD0] =	vst v41  }
0x112: {  	v41 =	vld [tilespmem:s15+$0x4EC0];
	_ =	sdelay $0x4  }
0x113: {  	[tilespmem:$0x9CE0] =	vst v41  }
0x114: {  	v41 =	vld [tilespmem:s15+$0x4ED0];
	_ =	sdelay $0x4  }
0x115: {  	[tilespmem:$0x9CF0] =	vst v41  }
0x116: {  	v41 =	vld [tilespmem:s15+$0x4EE0];
	_ =	sdelay $0x4  }
0x117: {  	[tilespmem:$0x9D00] =	vst v41  }
0x118: {  	v41 =	vld [tilespmem:s15+$0x4EF0];
	_ =	sdelay $0x4  }
0x119: {  	[tilespmem:$0x9D10] =	vst v41  }
0x11a: {  	v41 =	vld [tilespmem:s15+$0x4F00];
	_ =	sdelay $0x4  }
0x11b: {  	[tilespmem:$0x9D20] =	vst v41  }
0x11c: {  	v41 =	vld [tilespmem:s15+$0x4F10];
	_ =	sdelay $0x4  }
0x11d: {  	s10 =	simm.s32 @!p2 $0x6;
	[tilespmem:$0x9D30] =	vst v41  }
0x11e: {  	[spmem:s3] =	stream.indirect.scatter.add.f32 [tilespmem:s25], [sflag:$0x6], $0x40, s31, s23, $0xb8;
	[tilespmem:$0x1D730] =	vst v63  }
0x11f: {  	_ =	swait.ge @!p2 [sflag:s10], $0x2000  }
0x120: {  	s11 =	simm.s32 @!p2 $0xBE60;
	[sflag:s10] =	ssyncset.done @!p2 $0x0  }
0x121: {  	[sflag:s10] =	ssyncadd.s32 @!p2 $0xFFFFE000  }
0x122: {  	[tilespmem:s11], [sflag:$0x2] =	stream.indirect.gather @!p2 [hbm4b:s17+s7], $0x40, s9, s7, $0xb8;
	[tilespmem:$0x1D730] =	vst v63  }
0x123: {  	_ =	swait.ge [sflag:s2], $0x2000  }
0x124: {  	[sflag:s2] =	ssyncset.done $0x0  }
0x125: {  	[sflag:s2] =	ssyncadd.s32 $0xFFFFE000  }
0x126: {  	v41 =	vld [tilespmem:s15+$0x4F20];
	_ =	sdelay $0x4  }
0x127: {  	[tilespmem:$0x9D40] =	vst v41  }
0x128: {  	v41 =	vld [tilespmem:s15+$0x4F30];
	_ =	sdelay $0x4  }
0x129: {  	[tilespmem:$0x9D50] =	vst v41  }
0x12a: {  	v41 =	vld [tilespmem:s15+$0x4F40];
	_ =	sdelay $0x4  }
0x12b: {  	[tilespmem:$0x9D60] =	vst v41  }
0x12c: {  	v41 =	vld [tilespmem:s15+$0x4F50];
	_ =	sdelay $0x4  }
0x12d: {  	[tilespmem:$0x9D70] =	vst v41  }
0x12e: {  	v41 =	vld [tilespmem:s15+$0x4F60];
	_ =	sdelay $0x4  }
0x12f: {  	[tilespmem:$0x9D80] =	vst v41  }
0x130: {  	v41 =	vld [tilespmem:s15+$0x4F70];
	_ =	sdelay $0x4  }
0x131: {  	[tilespmem:$0x9D90] =	vst v41  }
0x132: {  	v41 =	vld [tilespmem:s15+$0x4F80];
	_ =	sdelay $0x4  }
0x133: {  	[tilespmem:$0x9DA0] =	vst v41  }
0x134: {  	v41 =	vld [tilespmem:s15+$0x4F90];
	_ =	sdelay $0x4  }
0x135: {  	s9 =	simm.s32 @!p2 $0x7;
	[tilespmem:$0x9DB0] =	vst v41  }
0x136: {  	[spmem:s3] =	stream.indirect.scatter.add.f32 [tilespmem:s28], [sflag:$0x7], $0x40, s0, s23, $0xb8;
	[tilespmem:$0x1D730] =	vst v63  }
0x137: {  	_ =	swait.ge @!p2 [sflag:s9], $0x2000  }
0x138: {  	s10 =	simm.s32 @!p2 $0xDE60;
	[sflag:s9] =	ssyncset.done @!p2 $0x0  }
0x139: {  	[sflag:s9] =	ssyncadd.s32 @!p2 $0xFFFFE000  }
0x13a: {  	[tilespmem:s10], [sflag:$0x3] =	stream.indirect.gather @!p2 [hbm4b:s17+s7], $0x40, s8, s7, $0xb8;
	[tilespmem:$0x1D730] =	vst v63  }
0x13b: {  	_ =	swait.ge [sflag:s18], $0x2000  }
0x13c: {  	[sflag:s18] =	ssyncset.done $0x0  }
0x13d: {  	[sflag:s18] =	ssyncadd.s32 $0xFFFFE000  }
0x13e: {  	v41 =	vld [tilespmem:s15+$0x4FA0];
	_ =	sdelay $0x4  }
0x13f: {  	[tilespmem:$0x9DC0] =	vst v41  }
0x140: {  	v41 =	vld [tilespmem:s15+$0x4FB0];
	_ =	sdelay $0x4  }
0x141: {  	[tilespmem:$0x9DD0] =	vst v41  }
0x142: {  	v41 =	vld [tilespmem:s15+$0x4FC0];
	_ =	sdelay $0x4  }
0x143: {  	[tilespmem:$0x9DE0] =	vst v41  }
0x144: {  	v41 =	vld [tilespmem:s15+$0x4FD0];
	_ =	sdelay $0x4  }
0x145: {  	[tilespmem:$0x9DF0] =	vst v41  }
0x146: {  	v41 =	vld [tilespmem:s15+$0x4FE0];
	_ =	sdelay $0x4  }
0x147: {  	[tilespmem:$0x9E00] =	vst v41  }
0x148: {  	v41 =	vld [tilespmem:s15+$0x4FF0];
	_ =	sdelay $0x4  }
0x149: {  	[tilespmem:$0x9E10] =	vst v41  }
0x14a: {  	v41 =	vld [tilespmem:s15+$0x5000];
	_ =	sdelay $0x4  }
.Ltmp3:
0x14b: {  	[tilespmem:$0x9E20] =	vst v41;
	(pc) =	sbr.rel @p1 .LBB2_4-.Ltmp3, $2  }
0x14c: {  	v41 =	vld [tilespmem:s15+$0x5010];
	_ =	sdelay $0x2  }
0x14d: {  	p2 =	seq.s32 s5, $0x0  }
0x14e: {  	_ = 	snop  }
0x14f: {  	s7 =	simm.s32 @!p2 $0x8;
	[tilespmem:$0x9E30] =	vst v41  }
0x150: {  	[spmem:s3] =	stream.indirect.scatter.add.f32 [tilespmem:s29], [sflag:$0x8], $0x40, s26, s23, $0xb8;
	[tilespmem:$0x1D730] =	vst v63  }
0x151: {  	_ =	swait.ge @!p2 [sflag:s7], $0x2000  }
0x152: {  	s6 =	sshra.s32 s5, $0x2;
	[sflag:s7] =	ssyncset.done @!p2 $0x0  }
0x153: {  	s8 =	sadd.s32 $0x180, s6;
	[sflag:s7] =	ssyncadd.s32 @!p2 $0xFFFFE000  }
0x154: {  	[tilespmem:s29], [sflag:$0x4] =	stream.indirect.gather [hbm4b:s17+s23], $0x40, s8, s23, $0xb8;
	[tilespmem:$0x1D730] =	vst v63  }
0x155: {  	_ =	swait.ge [sflag:s21], $0x2000  }
0x156: {  	[sflag:s21] =	ssyncset.done $0x0  }
0x157: {  	[sflag:s21] =	ssyncadd.s32 $0xFFFFE000  }
0x158: {  	v59 =	vld [tilespmem:s6+$0x4E20];
	_ =	sdelay $0x4  }
0x159: {  	[tilespmem:$0x9C40] =	vst v59  }
0x15a: {  	v41 =	vld [tilespmem:s6+$0x4E30];
	_ =	sdelay $0x4  }
0x15b: {  	[tilespmem:$0x9C50] =	vst v41  }
0x15c: {  	v41 =	vld [tilespmem:s6+$0x4E40];
	_ =	sdelay $0x4  }
0x15d: {  	[tilespmem:$0x9C60] =	vst v41  }
0x15e: {  	v41 =	vld [tilespmem:s6+$0x4E50];
	_ =	sdelay $0x4  }
0x15f: {  	[tilespmem:$0x9C70] =	vst v41  }
0x160: {  	v41 =	vld [tilespmem:s6+$0x4E60];
	_ =	sdelay $0x4  }
0x161: {  	[tilespmem:$0x9C80] =	vst v41  }
0x162: {  	v41 =	vld [tilespmem:s6+$0x4E70];
	_ =	sdelay $0x4  }
0x163: {  	[tilespmem:$0x9C90] =	vst v41  }
0x164: {  	v41 =	vld [tilespmem:s6+$0x4E80];
	_ =	sdelay $0x4  }
0x165: {  	[tilespmem:$0x9CA0] =	vst v41  }
0x166: {  	v41 =	vld [tilespmem:s6+$0x4E90];
	_ =	sdelay $0x3  }
0x167: {  	p1 =	seq.s32 s5, $0x13000  }
0x168: {  	s7 =	simm.s32 @!p1 $0x5;
	[tilespmem:$0x9CB0] =	vst v41  }
0x169: {  	[spmem:s3] =	stream.indirect.scatter.add.f32 [tilespmem:s24], [sflag:$0x5], $0x40, s30, s23, $0xb8;
	[tilespmem:$0x1D730] =	vst v63  }
0x16a: {  	_ =	swait.ge @!p1 [sflag:s7], $0x2000  }
0x16b: {  	s5 =	sshra.s32 @!p1 s5, $0x2;
	s9 =	simm.s32 @!p1 $0x80;
	[sflag:s7] =	ssyncset.done @!p1 $0x0  }
0x16c: {  	s8 =	sadd.s32 @!p1 $0x200, s5;
	[sflag:s7] =	ssyncadd.s32 @!p1 $0xFFFFE000;
	s7 =	simm.s32 @!p1 $0x9E60  }
0x16d: {  	[tilespmem:s7], [sflag:$0x1] =	stream.indirect.gather @!p1 [hbm4b:s17+s9], $0x40, s8, s9, $0xb8;
	[tilespmem:$0x1D730] =	vst v63  }
0x16e: {  	_ =	swait.ge [sflag:s22], $0x2000  }
0x16f: {  	[sflag:s22] =	ssyncset.done $0x0  }
0x170: {  	[sflag:s22] =	ssyncadd.s32 $0xFFFFE000  }
0x171: {  	v60 =	vld [tilespmem:s6+$0x4EA0];
	_ =	sdelay $0x4  }
0x172: {  	[tilespmem:$0x9CC0] =	vst v60  }
0x173: {  	v41 =	vld [tilespmem:s6+$0x4EB0];
	_ =	sdelay $0x4  }
0x174: {  	[tilespmem:$0x9CD0] =	vst v41  }
0x175: {  	v41 =	vld [tilespmem:s6+$0x4EC0];
	_ =	sdelay $0x4  }
0x176: {  	[tilespmem:$0x9CE0] =	vst v41  }
0x177: {  	v41 =	vld [tilespmem:s6+$0x4ED0];
	_ =	sdelay $0x4  }
0x178: {  	[tilespmem:$0x9CF0] =	vst v41  }
0x179: {  	v41 =	vld [tilespmem:s6+$0x4EE0];
	_ =	sdelay $0x4  }
0x17a: {  	[tilespmem:$0x9D00] =	vst v41  }
0x17b: {  	v41 =	vld [tilespmem:s6+$0x4EF0];
	_ =	sdelay $0x4  }
0x17c: {  	[tilespmem:$0x9D10] =	vst v41  }
0x17d: {  	v41 =	vld [tilespmem:s6+$0x4F00];
	_ =	sdelay $0x4  }
0x17e: {  	[tilespmem:$0x9D20] =	vst v41  }
0x17f: {  	v41 =	vld [tilespmem:s6+$0x4F10];
	_ =	sdelay $0x4  }
0x180: {  	s7 =	simm.s32 @!p1 $0x6;
	[tilespmem:$0x9D30] =	vst v41  }
0x181: {  	[spmem:s3] =	stream.indirect.scatter.add.f32 [tilespmem:s25], [sflag:$0x6], $0x40, s31, s23, $0xb8;
	[tilespmem:$0x1D730] =	vst v63  }
0x182: {  	_ =	swait.ge @!p1 [sflag:s7], $0x2000  }
0x183: {  	[sflag:s7] =	ssyncset.done @!p1 $0x0  }
0x184: {  	s8 =	sadd.s32 @!p1 $0x280, s5;
	[sflag:s7] =	ssyncadd.s32 @!p1 $0xFFFFE000;
	s7 =	simm.s32 @!p1 $0xBE60  }
0x185: {  	[tilespmem:s7], [sflag:$0x2] =	stream.indirect.gather @!p1 [hbm4b:s17+s9], $0x40, s8, s9, $0xb8;
	[tilespmem:$0x1D730] =	vst v63  }
0x186: {  	_ =	swait.ge [sflag:s2], $0x2000  }
0x187: {  	[sflag:s2] =	ssyncset.done $0x0  }
0x188: {  	[sflag:s2] =	ssyncadd.s32 $0xFFFFE000  }
0x189: {  	v61 =	vld [tilespmem:s6+$0x4F20];
	_ =	sdelay $0x4  }
0x18a: {  	[tilespmem:$0x9D40] =	vst v61  }
0x18b: {  	v41 =	vld [tilespmem:s6+$0x4F30];
	_ =	sdelay $0x4  }
0x18c: {  	[tilespmem:$0x9D50] =	vst v41  }
0x18d: {  	v41 =	vld [tilespmem:s6+$0x4F40];
	_ =	sdelay $0x4  }
0x18e: {  	[tilespmem:$0x9D60] =	vst v41  }
0x18f: {  	v41 =	vld [tilespmem:s6+$0x4F50];
	_ =	sdelay $0x4  }
0x190: {  	[tilespmem:$0x9D70] =	vst v41  }
0x191: {  	v41 =	vld [tilespmem:s6+$0x4F60];
	_ =	sdelay $0x4  }
0x192: {  	[tilespmem:$0x9D80] =	vst v41  }
0x193: {  	v41 =	vld [tilespmem:s6+$0x4F70];
	_ =	sdelay $0x4  }
0x194: {  	[tilespmem:$0x9D90] =	vst v41  }
0x195: {  	v41 =	vld [tilespmem:s6+$0x4F80];
	_ =	sdelay $0x4  }
0x196: {  	[tilespmem:$0x9DA0] =	vst v41  }
0x197: {  	v41 =	vld [tilespmem:s6+$0x4F90];
	_ =	sdelay $0x4  }
0x198: {  	s7 =	simm.s32 @!p1 $0x7;
	[tilespmem:$0x9DB0] =	vst v41  }
0x199: {  	[spmem:s3] =	stream.indirect.scatter.add.f32 [tilespmem:s28], [sflag:$0x7], $0x40, s0, s23, $0xb8;
	[tilespmem:$0x1D730] =	vst v63  }
0x19a: {  	_ =	swait.ge @!p1 [sflag:s7], $0x2000  }
0x19b: {  	[sflag:s7] =	ssyncset.done @!p1 $0x0  }
0x19c: {  	s5 =	sadd.s32 @!p1 $0x300, s5;
	[sflag:s7] =	ssyncadd.s32 @!p1 $0xFFFFE000;
	s7 =	simm.s32 @!p1 $0xDE60  }
0x19d: {  	[tilespmem:s7], [sflag:$0x3] =	stream.indirect.gather @!p1 [hbm4b:s17+s9], $0x40, s5, s9, $0xb8;
	[tilespmem:$0x1D730] =	vst v63  }
0x19e: {  	_ =	swait.ge [sflag:s18], $0x2000  }
0x19f: {  	[sflag:s18] =	ssyncset.done $0x0  }
0x1a0: {  	[sflag:s18] =	ssyncadd.s32 $0xFFFFE000  }
0x1a1: {  	v62 =	vld [tilespmem:s6+$0x4FA0];
	_ =	sdelay $0x4  }
0x1a2: {  	[tilespmem:$0x9DC0] =	vst v62  }
0x1a3: {  	v41 =	vld [tilespmem:s6+$0x4FB0];
	_ =	sdelay $0x4  }
0x1a4: {  	[tilespmem:$0x9DD0] =	vst v41  }
0x1a5: {  	v41 =	vld [tilespmem:s6+$0x4FC0];
	_ =	sdelay $0x4  }
0x1a6: {  	[tilespmem:$0x9DE0] =	vst v41  }
0x1a7: {  	v41 =	vld [tilespmem:s6+$0x4FD0];
	_ =	sdelay $0x4  }
0x1a8: {  	[tilespmem:$0x9DF0] =	vst v41  }
0x1a9: {  	v41 =	vld [tilespmem:s6+$0x4FE0];
	_ =	sdelay $0x4  }
0x1aa: {  	[tilespmem:$0x9E00] =	vst v41  }
0x1ab: {  	v41 =	vld [tilespmem:s6+$0x4FF0];
	_ =	sdelay $0x4  }
0x1ac: {  	[tilespmem:$0x9E10] =	vst v41  }
0x1ad: {  	v41 =	vld [tilespmem:s6+$0x5000];
	_ =	sdelay $0x4  }
0x1ae: {  	[tilespmem:$0x9E20] =	vst v41  }
0x1af: {  	v41 =	vld [tilespmem:s6+$0x5010];
	_ =	sdelay $0x4  }
0x1b0: {  	s9 =	simm.s32 $0x5;
	[tilespmem:$0x9E30] =	vst v41  }
0x1b1: {  	[spmem:s3] =	stream.indirect.scatter.add.f32 [tilespmem:s29], [sflag:$0x8], $0x40, s26, s23, $0xb8;
	[tilespmem:$0x1D730] =	vst v63  }
0x1b2: {  	_ =	swait.ge [sflag:s9], $0x2000  }
0x1b3: {  	[sflag:s9] =	ssyncset.done $0x0  }
0x1b4: {  	s10 =	simm.s32 $0x6;
	[sflag:s9] =	ssyncadd.s32 $0xFFFFE000  }
0x1b5: {  	_ =	swait.ge [sflag:s10], $0x2000  }
0x1b6: {  	[sflag:s10] =	ssyncset.done $0x0  }
0x1b7: {  	s11 =	simm.s32 $0x7;
	[sflag:s10] =	ssyncadd.s32 $0xFFFFE000  }
0x1b8: {  	_ =	swait.ge [sflag:s11], $0x2000  }
0x1b9: {  	[sflag:s11] =	ssyncset.done $0x0  }
0x1ba: {  	s12 =	simm.s32 $0x8;
	[sflag:s11] =	ssyncadd.s32 $0xFFFFE000  }
0x1bb: {  	_ =	swait.ge [sflag:s12], $0x2000  }
0x1bc: {  	s15 =	simm.s32 $0x20;
	[sflag:s12] =	ssyncset.done $0x0  }
0x1bd: {  	s8 =	simm.s32 $0x11E60;
	s7 =	simm.s32 $0x4E00;
	[sflag:s12] =	ssyncadd.s32 $0xFFFFE000  }
0x1be: {  	[tilespmem:s8], [sflag:$0x1] =	stream.indirect.gather [hbm4b:s17+s15], $0x40, s7, s15, $0xb8;
	[tilespmem:$0x1D730] =	vst v63  }
0x1bf: {  	_ =	swait.ge [sflag:s21], $0x800  }
0x1c0: {  	[sflag:s21] =	ssyncset.done $0x0  }
0x1c1: {  	[sflag:s21] =	ssyncadd.s32 $0xFFFFF800  }
0x1c2: {  	v63 =	vld [tilespmem:$0x9C20]  }
0x1c3: {  	v42 =	vld [tilespmem:$0x9C30];
	_ =	sdelay $0x3  }
0x1c4: {  	[tilespmem:$0x9E40] =	vst v63  }
0x1c5: {  	s9 =	simm.s32 $0x9E40;
	[tilespmem:$0x9E50] =	vst v42  }
0x1c6: {  	[spmem:s3] =	stream.indirect.scatter.add.f32 [tilespmem:s8], [sflag:$0x9], $0x40, s9, s15, $0xb8;
	[tilespmem:$0x1D730] =	vst v63  }
0x1c7: {  	_ =	swait.ge [sflag:s20], $0x800  }
0x1c8: {  	[sflag:s20] =	ssyncset.done $0x0  }
0x1c9: {  	[sflag:s20] =	ssyncadd.s32 $0xFFFFF800  }
0x1ca: {  	[bflag:$0x0] =	sbarrier.arrive $0xFFFF  }
0x1cb: {  	s10 =	simm.s32 $0x0;
	s12 =	simm.s32 $0x13AB0;
	s11 =	rddreg [dreg:$0xd]  }
0x1cc: {  	[tilespmem:s12], [sflag:$0x9] =	stream.linear.gather [hbm4b:s11+s10], $0x40, $0x38;
	[tilespmem:$0x1D730] =	vst v63  }
0x1cd: {  	_ =	swait.ge [sflag:s20], $0x40  }
0x1ce: {  	[sflag:s20] =	ssyncset.done $0x0  }
0x1cf: {  	[sflag:s20] =	ssyncadd.s32 $0xFFFFFFC0  }
0x1d0: {  	v43 =	vld [tilespmem:$0x13AB0]  }
0x1d1: {  	v44 =	vld [tilespmem:$0x13AC0]  }
0x1d2: {  	s15 =	rddreg [dreg:$0x7];
	v42 =	vld [tilespmem:$0x13AD0]  }
0x1d3: {  	v41 =	vld [tilespmem:$0x13AE0];
	[tilespmem:s19], [sflag:$0x9] =	stream.linear.gather [spmem:s15], $0x1400, $0x38  }
0x1d4: {  	_ =	swait.ge [sflag:s20], $0x1400  }
0x1d5: {  	[sflag:s20] =	ssyncset.done $0x0  }
0x1d6: {  	s5 =	simm.s32 $0x0;
	[sflag:s20] =	ssyncadd.s32 $0xFFFFEC00  }
0x1d7: {  	v45 =	vld [tilespmem:s5+$0x12660]  }
0x1d8: {  	v46 =	vld [tilespmem:s5+$0x12670]  }
0x1d9: {  	s6 =	simm.s32 $0x100;
	v47 =	vld [tilespmem:s5+$0x12680]  }
.LBB2_6:
0x1da: {  	p1 =	sne.s32 s6, $0x4F00;
	v48 =	vld [tilespmem:s5+$0x12690];
	_ =	sdelay $0x1  }
0x1db: {  	v45 =	vadd.f32 v45, v43  }
0x1dc: {  	v46 =	vadd.f32 v46, v44  }
.Ltmp4:
0x1dd: {  	v45 =	vmax.f32 v45, $0.0e+00;
	v47 =	vadd.f32 v47, v42;
	(pc) =	sbr.rel @p1 .LBB2_6-.Ltmp4, $4  }
0x1de: {  	s7 =	sshra.s32 s6, $0x2;
	[tilespmem:s5+$0x12660] =	vst v45;
	v46 =	vmax.f32 v46, $0.0e+00;
	v48 =	vadd.f32 v48, v41  }
0x1df: {  	v45 =	vld [tilespmem:s7+$0x12660];
	[tilespmem:s5+$0x12670] =	vst v46;
	v47 =	vmax.f32 v47, $0.0e+00  }
0x1e0: {  	v46 =	vld [tilespmem:s7+$0x12670];
	[tilespmem:s5+$0x12680] =	vst v47;
	v48 =	vmax.f32 v48, $0.0e+00  }
0x1e1: {  	s6 =	sadd.s32 $0x100, s6;
	v47 =	vld [tilespmem:s7+$0x12680];
	[tilespmem:s5+$0x12690] =	vst v48;
	s5 =	smov.u32 s7  }
0x1e2: {  	v48 =	vld [tilespmem:s5+$0x12690];
	_ =	sdelay $0x1  }
0x1e3: {  	v45 =	vadd.f32 v45, v43  }
0x1e4: {  	v46 =	vadd.f32 v46, v44  }
0x1e5: {  	v45 =	vmax.f32 v45, $0.0e+00;
	v47 =	vadd.f32 v47, v42  }
0x1e6: {  	[tilespmem:s5+$0x12660] =	vst v45;
	v60 =	vmax.f32 v46, $0.0e+00;
	v61 =	vadd.f32 v48, v41  }
0x1e7: {  	[tilespmem:s5+$0x12670] =	vst v60;
	v62 =	vmax.f32 v47, $0.0e+00  }
0x1e8: {  	[tilespmem:s5+$0x12680] =	vst v62;
	v63 =	vmax.f32 v61, $0.0e+00  }
0x1e9: {  	[tilespmem:s5+$0x12690] =	vst v63  }
0x1ea: {  	[tilespmem:$0x13A60] =	vst v0  }
0x1eb: {  	[tilespmem:$0x13A70] =	vst v1  }
0x1ec: {  	[tilespmem:$0x13A80] =	vst v2  }
0x1ed: {  	[tilespmem:$0x13A90] =	vst v3  }
0x1ee: {  	s8 =	rddreg [dreg:$0x2];
	[tilespmem:$0x13AA0] =	vst v4  }
0x1ef: {  	[hbm4b:s8+s16] =	stream.indirect.scatter [tilespmem:s19], [sflag:$0x9], $0x40, s14, s16, $0xb8;
	[tilespmem:$0x1D730] =	vst v63  }
0x1f0: {  	_ =	swait.ge [sflag:s20], $0x1400  }
0x1f1: {  	[sflag:s20] =	ssyncset.done $0x0  }
0x1f2: {  	[sflag:s20] =	ssyncadd.s32 $0xFFFFEC00  }
0x1f3: {  	[tilespmem:s19], [sflag:$0x9] =	stream.linear.gather [spmem:s13], $0x1400, $0x38;
	[tilespmem:$0x1D730] =	vst v63  }
0x1f4: {  	_ =	swait.ge [sflag:s20], $0x1400  }
0x1f5: {  	[sflag:s20] =	ssyncset.done $0x0  }
0x1f6: {  	s5 =	simm.s32 $0x0;
	[sflag:s20] =	ssyncadd.s32 $0xFFFFEC00  }
0x1f7: {  	v45 =	vld [tilespmem:s5+$0x12660]  }
0x1f8: {  	v46 =	vld [tilespmem:s5+$0x12670]  }
0x1f9: {  	s12 =	smov.u32 s13;
	s6 =	simm.s32 $0x100;
	s10 =	smov.u32 s1;
	v47 =	vld [tilespmem:s5+$0x12680]  }
.LBB2_8:
0x1fa: {  	p1 =	sne.s32 s6, $0x4F00;
	v48 =	vld [tilespmem:s5+$0x12690];
	_ =	sdelay $0x1  }
0x1fb: {  	v45 =	vadd.f32 v45, v43  }
0x1fc: {  	v46 =	vadd.f32 v46, v44  }
.Ltmp5:
0x1fd: {  	v45 =	vmax.f32 v45, $0.0e+00;
	v47 =	vadd.f32 v47, v42;
	(pc) =	sbr.rel @p1 .LBB2_8-.Ltmp5, $4  }
0x1fe: {  	s7 =	sshra.s32 s6, $0x2;
	[tilespmem:s5+$0x12660] =	vst v45;
	v46 =	vmax.f32 v46, $0.0e+00;
	v48 =	vadd.f32 v48, v41  }
0x1ff: {  	v45 =	vld [tilespmem:s7+$0x12660];
	[tilespmem:s5+$0x12670] =	vst v46;
	v47 =	vmax.f32 v47, $0.0e+00  }
0x200: {  	v46 =	vld [tilespmem:s7+$0x12670];
	[tilespmem:s5+$0x12680] =	vst v47;
	v48 =	vmax.f32 v48, $0.0e+00  }
0x201: {  	s6 =	sadd.s32 $0x100, s6;
	v47 =	vld [tilespmem:s7+$0x12680];
	[tilespmem:s5+$0x12690] =	vst v48;
	s5 =	smov.u32 s7  }
0x202: {  	v48 =	vld [tilespmem:s5+$0x12690];
	_ =	sdelay $0x1  }
0x203: {  	v45 =	vadd.f32 v45, v43  }
0x204: {  	v46 =	vadd.f32 v46, v44  }
0x205: {  	v45 =	vmax.f32 v45, $0.0e+00;
	v47 =	vadd.f32 v47, v42  }
0x206: {  	[tilespmem:s5+$0x12660] =	vst v45;
	v60 =	vmax.f32 v46, $0.0e+00;
	v61 =	vadd.f32 v48, v41  }
0x207: {  	[tilespmem:s5+$0x12670] =	vst v60;
	v62 =	vmax.f32 v47, $0.0e+00  }
0x208: {  	[tilespmem:s5+$0x12680] =	vst v62;
	v63 =	vmax.f32 v61, $0.0e+00  }
0x209: {  	[tilespmem:s5+$0x12690] =	vst v63  }
0x20a: {  	[tilespmem:$0x13A60] =	vst v5  }
0x20b: {  	[tilespmem:$0x13A70] =	vst v6  }
0x20c: {  	[tilespmem:$0x13A80] =	vst v7  }
0x20d: {  	[tilespmem:$0x13A90] =	vst v8  }
0x20e: {  	[tilespmem:$0x13AA0] =	vst v9  }
0x20f: {  	[hbm4b:s8+s16] =	stream.indirect.scatter [tilespmem:s19], [sflag:$0x9], $0x40, s14, s16, $0xb8;
	[tilespmem:$0x1D730] =	vst v63  }
0x210: {  	_ =	swait.ge [sflag:s20], $0x1400  }
0x211: {  	[sflag:s20] =	ssyncset.done $0x0  }
0x212: {  	[sflag:s20] =	ssyncadd.s32 $0xFFFFEC00  }
0x213: {  	[tilespmem:s19], [sflag:$0x9] =	stream.linear.gather [spmem:s10], $0x1400, $0x38;
	[tilespmem:$0x1D730] =	vst v63  }
0x214: {  	_ =	swait.ge [sflag:s20], $0x1400  }
0x215: {  	[sflag:s20] =	ssyncset.done $0x0  }
0x216: {  	s5 =	simm.s32 $0x0;
	[sflag:s20] =	ssyncadd.s32 $0xFFFFEC00  }
0x217: {  	v45 =	vld [tilespmem:s5+$0x12660]  }
0x218: {  	v46 =	vld [tilespmem:s5+$0x12670]  }
0x219: {  	s6 =	simm.s32 $0x100;
	s11 =	rddreg [dreg:$0x9];
	v47 =	vld [tilespmem:s5+$0x12680]  }
.LBB2_10:
0x21a: {  	p1 =	sne.s32 s6, $0x4F00;
	v48 =	vld [tilespmem:s5+$0x12690];
	_ =	sdelay $0x1  }
0x21b: {  	v45 =	vadd.f32 v45, v43  }
0x21c: {  	v46 =	vadd.f32 v46, v44  }
.Ltmp6:
0x21d: {  	v45 =	vmax.f32 v45, $0.0e+00;
	v47 =	vadd.f32 v47, v42;
	(pc) =	sbr.rel @p1 .LBB2_10-.Ltmp6, $4  }
0x21e: {  	s7 =	sshra.s32 s6, $0x2;
	[tilespmem:s5+$0x12660] =	vst v45;
	v46 =	vmax.f32 v46, $0.0e+00;
	v48 =	vadd.f32 v48, v41  }
0x21f: {  	v45 =	vld [tilespmem:s7+$0x12660];
	[tilespmem:s5+$0x12670] =	vst v46;
	v47 =	vmax.f32 v47, $0.0e+00  }
0x220: {  	v46 =	vld [tilespmem:s7+$0x12670];
	[tilespmem:s5+$0x12680] =	vst v47;
	v48 =	vmax.f32 v48, $0.0e+00  }
0x221: {  	s6 =	sadd.s32 $0x100, s6;
	v47 =	vld [tilespmem:s7+$0x12680];
	[tilespmem:s5+$0x12690] =	vst v48;
	s5 =	smov.u32 s7  }
0x222: {  	v48 =	vld [tilespmem:s5+$0x12690];
	_ =	sdelay $0x1  }
0x223: {  	v45 =	vadd.f32 v45, v43  }
0x224: {  	v46 =	vadd.f32 v46, v44  }
0x225: {  	v45 =	vmax.f32 v45, $0.0e+00;
	v47 =	vadd.f32 v47, v42  }
0x226: {  	[tilespmem:s5+$0x12660] =	vst v45;
	v60 =	vmax.f32 v46, $0.0e+00;
	v61 =	vadd.f32 v48, v41  }
0x227: {  	[tilespmem:s5+$0x12670] =	vst v60;
	v62 =	vmax.f32 v47, $0.0e+00  }
0x228: {  	[tilespmem:s5+$0x12680] =	vst v62;
	v63 =	vmax.f32 v61, $0.0e+00  }
0x229: {  	[tilespmem:s5+$0x12690] =	vst v63  }
0x22a: {  	[tilespmem:$0x13A60] =	vst v10  }
0x22b: {  	[tilespmem:$0x13A70] =	vst v11  }
0x22c: {  	[tilespmem:$0x13A80] =	vst v12  }
0x22d: {  	[tilespmem:$0x13A90] =	vst v13  }
0x22e: {  	[tilespmem:$0x13AA0] =	vst v14  }
0x22f: {  	[hbm4b:s8+s16] =	stream.indirect.scatter [tilespmem:s19], [sflag:$0x9], $0x40, s14, s16, $0xb8;
	[tilespmem:$0x1D730] =	vst v63  }
0x230: {  	_ =	swait.ge [sflag:s20], $0x1400  }
0x231: {  	[sflag:s20] =	ssyncset.done $0x0  }
0x232: {  	s1 =	rddreg [dreg:$0x8];
	[sflag:s20] =	ssyncadd.s32 $0xFFFFEC00  }
0x233: {  	[tilespmem:s19], [sflag:$0x9] =	stream.linear.gather [spmem:s1], $0x1400, $0x38;
	[tilespmem:$0x1D730] =	vst v63  }
0x234: {  	_ =	swait.ge [sflag:s20], $0x1400  }
0x235: {  	[sflag:s20] =	ssyncset.done $0x0  }
0x236: {  	s5 =	simm.s32 $0x0;
	[sflag:s20] =	ssyncadd.s32 $0xFFFFEC00  }
0x237: {  	v45 =	vld [tilespmem:s5+$0x12660]  }
0x238: {  	v46 =	vld [tilespmem:s5+$0x12670]  }
0x239: {  	s6 =	simm.s32 $0x100;
	v47 =	vld [tilespmem:s5+$0x12680]  }
.LBB2_12:
0x23a: {  	p1 =	sne.s32 s6, $0x4F00;
	v48 =	vld [tilespmem:s5+$0x12690];
	_ =	sdelay $0x1  }
0x23b: {  	v45 =	vadd.f32 v45, v43  }
0x23c: {  	v46 =	vadd.f32 v46, v44  }
.Ltmp7:
0x23d: {  	v45 =	vmax.f32 v45, $0.0e+00;
	v47 =	vadd.f32 v47, v42;
	(pc) =	sbr.rel @p1 .LBB2_12-.Ltmp7, $4  }
0x23e: {  	s7 =	sshra.s32 s6, $0x2;
	[tilespmem:s5+$0x12660] =	vst v45;
	v46 =	vmax.f32 v46, $0.0e+00;
	v48 =	vadd.f32 v48, v41  }
0x23f: {  	v45 =	vld [tilespmem:s7+$0x12660];
	[tilespmem:s5+$0x12670] =	vst v46;
	v47 =	vmax.f32 v47, $0.0e+00  }
0x240: {  	v46 =	vld [tilespmem:s7+$0x12670];
	[tilespmem:s5+$0x12680] =	vst v47;
	v48 =	vmax.f32 v48, $0.0e+00  }
0x241: {  	s6 =	sadd.s32 $0x100, s6;
	v47 =	vld [tilespmem:s7+$0x12680];
	[tilespmem:s5+$0x12690] =	vst v48;
	s5 =	smov.u32 s7  }
0x242: {  	v48 =	vld [tilespmem:s5+$0x12690];
	_ =	sdelay $0x1  }
0x243: {  	v45 =	vadd.f32 v45, v43  }
0x244: {  	v46 =	vadd.f32 v46, v44  }
0x245: {  	v45 =	vmax.f32 v45, $0.0e+00;
	v47 =	vadd.f32 v47, v42  }
0x246: {  	[tilespmem:s5+$0x12660] =	vst v45;
	v60 =	vmax.f32 v46, $0.0e+00;
	v61 =	vadd.f32 v48, v41  }
0x247: {  	[tilespmem:s5+$0x12670] =	vst v60;
	v62 =	vmax.f32 v47, $0.0e+00  }
0x248: {  	[tilespmem:s5+$0x12680] =	vst v62;
	v63 =	vmax.f32 v61, $0.0e+00  }
0x249: {  	[tilespmem:s5+$0x12690] =	vst v63  }
0x24a: {  	[tilespmem:$0x13A60] =	vst v15  }
0x24b: {  	[tilespmem:$0x13A70] =	vst v16  }
0x24c: {  	[tilespmem:$0x13A80] =	vst v17  }
0x24d: {  	[tilespmem:$0x13A90] =	vst v18  }
0x24e: {  	[tilespmem:$0x13AA0] =	vst v19  }
0x24f: {  	[hbm4b:s8+s16] =	stream.indirect.scatter [tilespmem:s19], [sflag:$0x9], $0x40, s14, s16, $0xb8;
	[tilespmem:$0x1D730] =	vst v63  }
0x250: {  	_ =	swait.ge [sflag:s20], $0x1400  }
0x251: {  	[sflag:s20] =	ssyncset.done $0x0  }
0x252: {  	[sflag:s20] =	ssyncadd.s32 $0xFFFFEC00  }
0x253: {  	[tilespmem:s19], [sflag:$0x9] =	stream.linear.gather [spmem:s11], $0x1400, $0x38;
	[tilespmem:$0x1D730] =	vst v63  }
0x254: {  	_ =	swait.ge [sflag:s20], $0x1400  }
0x255: {  	[sflag:s20] =	ssyncset.done $0x0  }
0x256: {  	s5 =	simm.s32 $0x0;
	[sflag:s20] =	ssyncadd.s32 $0xFFFFEC00  }
0x257: {  	v45 =	vld [tilespmem:s5+$0x12660]  }
0x258: {  	v46 =	vld [tilespmem:s5+$0x12670]  }
0x259: {  	s6 =	simm.s32 $0x100;
	v47 =	vld [tilespmem:s5+$0x12680]  }
.LBB2_14:
0x25a: {  	p1 =	sne.s32 s6, $0x4F00;
	v48 =	vld [tilespmem:s5+$0x12690];
	_ =	sdelay $0x1  }
0x25b: {  	v45 =	vadd.f32 v45, v43  }
0x25c: {  	v46 =	vadd.f32 v46, v44  }
.Ltmp8:
0x25d: {  	v45 =	vmax.f32 v45, $0.0e+00;
	v47 =	vadd.f32 v47, v42;
	(pc) =	sbr.rel @p1 .LBB2_14-.Ltmp8, $4  }
0x25e: {  	s7 =	sshra.s32 s6, $0x2;
	[tilespmem:s5+$0x12660] =	vst v45;
	v46 =	vmax.f32 v46, $0.0e+00;
	v48 =	vadd.f32 v48, v41  }
0x25f: {  	v45 =	vld [tilespmem:s7+$0x12660];
	[tilespmem:s5+$0x12670] =	vst v46;
	v47 =	vmax.f32 v47, $0.0e+00  }
0x260: {  	v46 =	vld [tilespmem:s7+$0x12670];
	[tilespmem:s5+$0x12680] =	vst v47;
	v48 =	vmax.f32 v48, $0.0e+00  }
0x261: {  	s6 =	sadd.s32 $0x100, s6;
	v47 =	vld [tilespmem:s7+$0x12680];
	[tilespmem:s5+$0x12690] =	vst v48;
	s5 =	smov.u32 s7  }
0x262: {  	v48 =	vld [tilespmem:s5+$0x12690];
	_ =	sdelay $0x1  }
0x263: {  	v45 =	vadd.f32 v45, v43  }
0x264: {  	v46 =	vadd.f32 v46, v44  }
0x265: {  	v45 =	vmax.f32 v45, $0.0e+00;
	v47 =	vadd.f32 v47, v42  }
0x266: {  	[tilespmem:s5+$0x12660] =	vst v45;
	v60 =	vmax.f32 v46, $0.0e+00;
	v61 =	vadd.f32 v48, v41  }
0x267: {  	[tilespmem:s5+$0x12670] =	vst v60;
	v62 =	vmax.f32 v47, $0.0e+00  }
0x268: {  	[tilespmem:s5+$0x12680] =	vst v62;
	v63 =	vmax.f32 v61, $0.0e+00  }
0x269: {  	[tilespmem:s5+$0x12690] =	vst v63  }
0x26a: {  	[tilespmem:$0x13A60] =	vst v20  }
0x26b: {  	[tilespmem:$0x13A70] =	vst v21  }
0x26c: {  	[tilespmem:$0x13A80] =	vst v22  }
0x26d: {  	[tilespmem:$0x13A90] =	vst v23  }
0x26e: {  	[tilespmem:$0x13AA0] =	vst v24  }
0x26f: {  	[hbm4b:s8+s16] =	stream.indirect.scatter [tilespmem:s19], [sflag:$0x9], $0x40, s14, s16, $0xb8;
	[tilespmem:$0x1D730] =	vst v63  }
0x270: {  	_ =	swait.ge [sflag:s20], $0x1400  }
0x271: {  	[sflag:s20] =	ssyncset.done $0x0  }
0x272: {  	s1 =	rddreg [dreg:$0xa];
	[sflag:s20] =	ssyncadd.s32 $0xFFFFEC00  }
0x273: {  	[tilespmem:s19], [sflag:$0x9] =	stream.linear.gather [spmem:s1], $0x1400, $0x38;
	[tilespmem:$0x1D730] =	vst v63  }
0x274: {  	_ =	swait.ge [sflag:s20], $0x1400  }
0x275: {  	[sflag:s20] =	ssyncset.done $0x0  }
0x276: {  	s5 =	simm.s32 $0x0;
	[sflag:s20] =	ssyncadd.s32 $0xFFFFEC00  }
0x277: {  	v45 =	vld [tilespmem:s5+$0x12660]  }
0x278: {  	v46 =	vld [tilespmem:s5+$0x12670]  }
0x279: {  	s6 =	simm.s32 $0x100;
	v47 =	vld [tilespmem:s5+$0x12680]  }
.LBB2_16:
0x27a: {  	p1 =	sne.s32 s6, $0x4F00;
	v48 =	vld [tilespmem:s5+$0x12690];
	_ =	sdelay $0x1  }
0x27b: {  	v45 =	vadd.f32 v45, v43  }
0x27c: {  	v46 =	vadd.f32 v46, v44  }
.Ltmp9:
0x27d: {  	v45 =	vmax.f32 v45, $0.0e+00;
	v47 =	vadd.f32 v47, v42;
	(pc) =	sbr.rel @p1 .LBB2_16-.Ltmp9, $4  }
0x27e: {  	s7 =	sshra.s32 s6, $0x2;
	[tilespmem:s5+$0x12660] =	vst v45;
	v46 =	vmax.f32 v46, $0.0e+00;
	v48 =	vadd.f32 v48, v41  }
0x27f: {  	v45 =	vld [tilespmem:s7+$0x12660];
	[tilespmem:s5+$0x12670] =	vst v46;
	v47 =	vmax.f32 v47, $0.0e+00  }
0x280: {  	v46 =	vld [tilespmem:s7+$0x12670];
	[tilespmem:s5+$0x12680] =	vst v47;
	v48 =	vmax.f32 v48, $0.0e+00  }
0x281: {  	s6 =	sadd.s32 $0x100, s6;
	v47 =	vld [tilespmem:s7+$0x12680];
	[tilespmem:s5+$0x12690] =	vst v48;
	s5 =	smov.u32 s7  }
0x282: {  	v48 =	vld [tilespmem:s5+$0x12690];
	_ =	sdelay $0x1  }
0x283: {  	v45 =	vadd.f32 v45, v43  }
0x284: {  	v46 =	vadd.f32 v46, v44  }
0x285: {  	v45 =	vmax.f32 v45, $0.0e+00;
	v47 =	vadd.f32 v47, v42  }
0x286: {  	[tilespmem:s5+$0x12660] =	vst v45;
	v60 =	vmax.f32 v46, $0.0e+00;
	v61 =	vadd.f32 v48, v41  }
0x287: {  	[tilespmem:s5+$0x12670] =	vst v60;
	v62 =	vmax.f32 v47, $0.0e+00  }
0x288: {  	[tilespmem:s5+$0x12680] =	vst v62;
	v63 =	vmax.f32 v61, $0.0e+00  }
0x289: {  	[tilespmem:s5+$0x12690] =	vst v63  }
0x28a: {  	[tilespmem:$0x13A60] =	vst v25  }
0x28b: {  	[tilespmem:$0x13A70] =	vst v26  }
0x28c: {  	[tilespmem:$0x13A80] =	vst v27  }
0x28d: {  	[tilespmem:$0x13A90] =	vst v28  }
0x28e: {  	[tilespmem:$0x13AA0] =	vst v29  }
0x28f: {  	[hbm4b:s8+s16] =	stream.indirect.scatter [tilespmem:s19], [sflag:$0x9], $0x40, s14, s16, $0xb8;
	[tilespmem:$0x1D730] =	vst v63  }
0x290: {  	_ =	swait.ge [sflag:s20], $0x1400  }
0x291: {  	[sflag:s20] =	ssyncset.done $0x0  }
0x292: {  	s1 =	rddreg [dreg:$0xb];
	[sflag:s20] =	ssyncadd.s32 $0xFFFFEC00  }
0x293: {  	[tilespmem:s19], [sflag:$0x9] =	stream.linear.gather [spmem:s1], $0x1400, $0x38;
	[tilespmem:$0x1D730] =	vst v63  }
0x294: {  	_ =	swait.ge [sflag:s20], $0x1400  }
0x295: {  	[sflag:s20] =	ssyncset.done $0x0  }
0x296: {  	s5 =	simm.s32 $0x0;
	[sflag:s20] =	ssyncadd.s32 $0xFFFFEC00  }
0x297: {  	v45 =	vld [tilespmem:s5+$0x12660]  }
0x298: {  	v46 =	vld [tilespmem:s5+$0x12670]  }
0x299: {  	s6 =	simm.s32 $0x100;
	v47 =	vld [tilespmem:s5+$0x12680]  }
.LBB2_18:
0x29a: {  	p1 =	sne.s32 s6, $0x4F00;
	v48 =	vld [tilespmem:s5+$0x12690];
	_ =	sdelay $0x1  }
0x29b: {  	v45 =	vadd.f32 v45, v43  }
0x29c: {  	v46 =	vadd.f32 v46, v44  }
.Ltmp10:
0x29d: {  	v45 =	vmax.f32 v45, $0.0e+00;
	v47 =	vadd.f32 v47, v42;
	(pc) =	sbr.rel @p1 .LBB2_18-.Ltmp10, $4  }
0x29e: {  	s7 =	sshra.s32 s6, $0x2;
	[tilespmem:s5+$0x12660] =	vst v45;
	v46 =	vmax.f32 v46, $0.0e+00;
	v48 =	vadd.f32 v48, v41  }
0x29f: {  	v45 =	vld [tilespmem:s7+$0x12660];
	[tilespmem:s5+$0x12670] =	vst v46;
	v47 =	vmax.f32 v47, $0.0e+00  }
0x2a0: {  	v46 =	vld [tilespmem:s7+$0x12670];
	[tilespmem:s5+$0x12680] =	vst v47;
	v48 =	vmax.f32 v48, $0.0e+00  }
0x2a1: {  	s6 =	sadd.s32 $0x100, s6;
	v47 =	vld [tilespmem:s7+$0x12680];
	[tilespmem:s5+$0x12690] =	vst v48;
	s5 =	smov.u32 s7  }
0x2a2: {  	v48 =	vld [tilespmem:s5+$0x12690];
	_ =	sdelay $0x1  }
0x2a3: {  	v45 =	vadd.f32 v45, v43  }
0x2a4: {  	v46 =	vadd.f32 v46, v44  }
0x2a5: {  	v45 =	vmax.f32 v45, $0.0e+00;
	v47 =	vadd.f32 v47, v42  }
0x2a6: {  	[tilespmem:s5+$0x12660] =	vst v45;
	v60 =	vmax.f32 v46, $0.0e+00;
	v61 =	vadd.f32 v48, v41  }
0x2a7: {  	[tilespmem:s5+$0x12670] =	vst v60;
	v62 =	vmax.f32 v47, $0.0e+00  }
0x2a8: {  	[tilespmem:s5+$0x12680] =	vst v62;
	v63 =	vmax.f32 v61, $0.0e+00  }
0x2a9: {  	[tilespmem:s5+$0x12690] =	vst v63  }
0x2aa: {  	[tilespmem:$0x13A60] =	vst v30  }
0x2ab: {  	[tilespmem:$0x13A70] =	vst v31  }
0x2ac: {  	[tilespmem:$0x13A80] =	vst v32  }
0x2ad: {  	[tilespmem:$0x13A90] =	vst v33  }
.Ltmp11:
0x2ae: {  	[tilespmem:$0x13AA0] =	vst v34;
	(pc) =	sbr.rel @p0 .LBB2_23-.Ltmp11, $4  }
0x2af: {  	[hbm4b:s8+s16] =	stream.indirect.scatter [tilespmem:s19], [sflag:$0x9], $0x40, s14, s16, $0xb8;
	[tilespmem:$0x1D730] =	vst v63  }
0x2b0: {  	_ =	swait.ge [sflag:s20], $0x1400  }
0x2b1: {  	[sflag:s20] =	ssyncset.done $0x0  }
0x2b2: {  	[sflag:s20] =	ssyncadd.s32 $0xFFFFEC00  }
0x2b3: {  	s1 =	rddreg [dreg:$0xc]  }
0x2b4: {  	[tilespmem:s19], [sflag:$0x9] =	stream.linear.gather [spmem:s1], $0x1400, $0x38;
	[tilespmem:$0x1D730] =	vst v63  }
0x2b5: {  	_ =	swait.ge [sflag:s20], $0x1400  }
0x2b6: {  	[sflag:s20] =	ssyncset.done $0x0  }
0x2b7: {  	s5 =	simm.s32 $0x0;
	[sflag:s20] =	ssyncadd.s32 $0xFFFFEC00  }
0x2b8: {  	v45 =	vld [tilespmem:s5+$0x12660]  }
0x2b9: {  	v46 =	vld [tilespmem:s5+$0x12670]  }
0x2ba: {  	s6 =	simm.s32 $0x100;
	v47 =	vld [tilespmem:s5+$0x12680]  }
.LBB2_21:
0x2bb: {  	p1 =	sne.s32 s6, $0x4F00;
	v48 =	vld [tilespmem:s5+$0x12690];
	_ =	sdelay $0x1  }
0x2bc: {  	v45 =	vadd.f32 v45, v43  }
0x2bd: {  	v46 =	vadd.f32 v46, v44  }
.Ltmp12:
0x2be: {  	v47 =	vadd.f32 v47, v42;
	v45 =	vmax.f32 v45, $0.0e+00;
	(pc) =	sbr.rel @p1 .LBB2_21-.Ltmp12, $4  }
0x2bf: {  	s7 =	sshra.s32 s6, $0x2;
	v46 =	vmax.f32 v46, $0.0e+00;
	[tilespmem:s5+$0x12660] =	vst v45;
	v48 =	vadd.f32 v48, v41  }
0x2c0: {  	v47 =	vmax.f32 v47, $0.0e+00;
	v45 =	vld [tilespmem:s7+$0x12660];
	[tilespmem:s5+$0x12670] =	vst v46  }
0x2c1: {  	v46 =	vld [tilespmem:s7+$0x12670];
	[tilespmem:s5+$0x12680] =	vst v47;
	v48 =	vmax.f32 v48, $0.0e+00  }
0x2c2: {  	s6 =	sadd.s32 $0x100, s6;
	v47 =	vld [tilespmem:s7+$0x12680];
	[tilespmem:s5+$0x12690] =	vst v48;
	s5 =	smov.u32 s7  }
.Ltmp13:
0x2c3: {  	_ = 	snop;
	(pc) =	sbr.rel .LBB2_22-.Ltmp13, $1  }
0x2c4: {  	_ =	sdelay $0x3  }
.LBB2_24:
0x2c5: {  	_ =	sfence.sel $0x180000  }
0x2c6: {  	[bflag:$0x0] =	sbarrier.arrive $0xFFFF  }
0x2c7: {  	_ =	strace $0x90000047  }
0x2c8: {  	s0 =	stileid.u32;
	[bflag:$0x2] =	sbarrier.arrive $0xFFFF  }
0x2c9: {  	p0 =	sne.s32 s0, $0x0;
	s0 =	rddreg [dreg:$0x4]  }
0x2ca: {  	s0 =	sadd.s32 @!p0 $0x100000, s0  }
0x2cb: {  	[sflag:s0] =	ssyncadd.tile.s32 @!p0 $0x1;
	_ =	shalt  }
.Lfunc_end2:
_tile_overlayer_lowered:
.L_overlay_start_2:
0x2cc: {  	(tag) =	ssettag $0x2  }
0x2cd: {  	s0 =	rddreg [dreg:$0x0];
	s2 =	stileid.u32  }
0x2ce: {  	s1 =	rddreg [dreg:$0x1];
	p0 =	sne.s32 s2, $0x0  }
0x2cf: {  	s3 =	rddreg [dreg:$0x2];
	[bflag:$0x3] =	sbarrier.arrive $0xFFFF;
	s2 =	simm.s32 @!p0 $0x1C09  }
0x2d0: {  	[timem:s3], [sflag:s2] =	dma.local @!p0 [hbm:s0], s1  }
0x2d1: {  	s0 =	simm.s32 @!p0 $0x9  }
0x2d2: {  	_ =	swait.ge @!p0 [sflag:s0], s1  }
0x2d3: {  	s1 =	ssub.s32 @!p0 $0x0, s1;
	[sflag:s0] =	ssyncset.done @!p0 $0x0  }
0x2d4: {  	[sflag:s0] =	ssyncadd.s32 @!p0 s1  }
0x2d5: {  	[bflag:$0x3] =	sbarrier.arrive $0xFFFF  }
0x2d6: {  	_ =	shalt  }

</sc_bundles>
